<compile_context>
chip_gen: v7x
topology: tpu7x:2x2x1
jax: 0.10.2.dev20260603
libtpu: 0.0.44.dev20260713+nightly
codegen_flags: <defaults>
</compile_context>

<pallas_src>
import functools

import jax
import jax.numpy as jnp
from jax import lax
from jax.experimental import pallas as pl
from jax.experimental.pallas import tpu as pltpu
from jax.experimental.pallas import tpu_sc as plsc

N = 10000
NP = 10240
E = 320000
D1 = 128
D2 = 16
K = 125
G = 8
ER = E // K
NC = 2
NS = 16
RPS = NP // NS

_MESH = plsc.VectorSubcoreMesh(
    core_axis_name="c", subcore_axis_name="s", num_cores=NC, num_subcores=NS
)


ZR = 40


def _zero_rows(buf, nrows, d):
    per_row = d // 16

    def body(i, carry):
        r = i // per_row
        col = (i % per_row) * 16
        buf[r, pl.ds(col, 16)] = jnp.zeros((16,), jnp.float32)
        return carry

    lax.fori_loop(0, nrows * per_row, body, 0)


def _zero_acc_slice(zbuf, acc_sh, s, d):
    _zero_rows(zbuf, ZR, d)

    def body(t, carry):
        pltpu.sync_copy(zbuf, acc_sh.at[pl.ds(s * RPS + t * ZR, ZR)])
        return carry

    lax.fori_loop(0, RPS // ZR, body, 0)


HR = NP // 128
BD = 2560


def _deg_body(e2_ref, et_ref, out_ref):

    @pl.when(pl.program_id(0) == 0)
    def _():
        out_ref[...] = jnp.zeros_like(out_ref)

    rows = lax.broadcasted_iota(jnp.int32, (HR, BD), 0)
    cols = lax.broadcasted_iota(jnp.int32, (BD, 128), 1)
    for a in range(2):
        hi = e2_ref[a : a + 1, :] >> 7
        lo = et_ref[:, a : a + 1] & 127
        hi_oh = (rows == hi).astype(jnp.float32)
        lo_oh = (cols == lo).astype(jnp.float32)
        out_ref[a] += jnp.dot(
            hi_oh, lo_oh, preferred_element_type=jnp.float32
        )


_deg_kernel = pl.pallas_call(
    _deg_body,
    grid=(E // BD,),
    in_specs=[
        pl.BlockSpec((2, BD), lambda i: (0, i)),
        pl.BlockSpec((BD, 2), lambda i: (i, 0)),
    ],
    out_specs=pl.BlockSpec((2, HR, 128), lambda i: (0, 0, 0)),
    out_shape=jax.ShapeDtypeStruct((2, HR, 128), jnp.float32),
)


def _make_agg_kernel(d):

    def body(xw_hbm, er_hbm, out_hbm, sidx, didx, rows_v, zbuf, acc_sh,
             semg, sems):
        c = lax.axis_index("c")
        s = lax.axis_index("s")
        _zero_acc_slice(zbuf, acc_sh, s, d)
        plsc.subcore_barrier()

        groups = ER // (NC * NS * G)
        base = (c * NS + s) * groups

        def loop(g, carry):
            row = (base + g) * G
            pltpu.sync_copy(er_hbm.at[0, pl.ds(row, G)], sidx)
            pltpu.sync_copy(er_hbm.at[1, pl.ds(row, G)], didx)
            gd = [None] * G
            sd = [None] * G
            gd[0] = pltpu.async_copy(xw_hbm.at[sidx.at[0]], rows_v.at[0], semg)
            for j in range(G):
                gd[j].wait()
                if j >= 1:
                    sd[j - 1].wait()
                if j + 1 < G:
                    gd[j + 1] = pltpu.async_copy(
                        xw_hbm.at[sidx.at[j + 1]], rows_v.at[(j + 1) % 2], semg
                    )
                sd[j] = pltpu.async_copy(
                    rows_v.at[j % 2], acc_sh.at[didx.at[j]], sems, add=True
                )
            sd[G - 1].wait()
            return carry

        lax.fori_loop(0, groups, loop, 0)
        plsc.subcore_barrier()
        sl = pl.ds(s * RPS, RPS)
        pltpu.sync_copy(acc_sh.at[sl], out_hbm.at[c, sl])

    return functools.partial(
        pl.kernel,
        out_type=jax.ShapeDtypeStruct((2, NP, d), jnp.float32),
        mesh=_MESH,
        scratch_types=[
            pltpu.VMEM((G, K), jnp.int32),
            pltpu.VMEM((G, K), jnp.int32),
            pltpu.VMEM((2, K, d), jnp.float32),
            pltpu.VMEM((ZR, d), jnp.float32),
            pltpu.VMEM_SHARED((NP, d), jnp.float32),
            pltpu.SemaphoreType.DMA,
            pltpu.SemaphoreType.DMA,
        ],
    )(body)


_agg = _make_agg_kernel(D1)

_R = 640


def _tc_b_body(inv_ref, pri_ref, w1_ref, degs_ref, out_ref):
    x = jnp.concatenate([inv_ref[...], pri_ref[...]], axis=1)
    s_out = lax.rsqrt(jnp.maximum(degs_ref[:, 0:1], 1.0))
    out_ref[...] = jnp.dot(
        x * s_out, w1_ref[...], preferred_element_type=jnp.float32
    )


_tc_b = pl.pallas_call(
    _tc_b_body,
    grid=(NP // _R,),
    in_specs=[
        pl.BlockSpec((_R, 64), lambda i: (i, 0)),
        pl.BlockSpec((_R, 64), lambda i: (i, 0)),
        pl.BlockSpec((D1, D1), lambda i: (0, 0)),
        pl.BlockSpec((_R, 2), lambda i: (i, 0)),
    ],
    out_specs=pl.BlockSpec((_R, D1), lambda i: (i, 0)),
    out_shape=jax.ShapeDtypeStruct((NP, D1), jnp.float32),
)


def _tc_d_body(p_ref, degs_ref, b1_ref, out_ref):
    agg = p_ref[0] + p_ref[1]
    s_out = lax.rsqrt(jnp.maximum(degs_ref[:, 0:1], 1.0))
    s_in = lax.rsqrt(jnp.maximum(degs_ref[:, 1:2], 1.0))
    h = jnp.maximum(agg * s_in + b1_ref[...], 0.0)
    out_ref[...] = h * s_out


_tc_d = pl.pallas_call(
    _tc_d_body,
    grid=(NP // _R,),
    in_specs=[
        pl.BlockSpec((2, _R, D1), lambda i: (0, i, 0)),
        pl.BlockSpec((_R, 2), lambda i: (i, 0)),
        pl.BlockSpec((1, D1), lambda i: (0, 0)),
    ],
    out_specs=pl.BlockSpec((_R, D1), lambda i: (i, 0)),
    out_shape=jax.ShapeDtypeStruct((NP, D1), jnp.float32),
)


def _tc_f_body(p_ref, degs_ref, w2_ref, b2_ref, out_ref):
    agg = p_ref[0] + p_ref[1]
    s_in = lax.rsqrt(jnp.maximum(degs_ref[:, 1:2], 1.0))
    out_ref[...] = (
        jnp.dot(agg * s_in, w2_ref[...], preferred_element_type=jnp.float32)
        + b2_ref[...]
    )


_tc_f = pl.pallas_call(
    _tc_f_body,
    grid=(NP // _R,),
    in_specs=[
        pl.BlockSpec((2, _R, D1), lambda i: (0, i, 0)),
        pl.BlockSpec((_R, 2), lambda i: (i, 0)),
        pl.BlockSpec((D1, D2), lambda i: (0, 0)),
        pl.BlockSpec((1, D2), lambda i: (0, 0)),
    ],
    out_specs=pl.BlockSpec((_R, D2), lambda i: (i, 0)),
    out_shape=jax.ShapeDtypeStruct((NP, D2), jnp.float32),
)


def kernel(inventory_levels, priorities, edge_index, W1, b1, W2, b2):
    pad = ((0, NP - N), (0, 0))
    inv_p = jnp.pad(inventory_levels, pad)
    pri_p = jnp.pad(priorities, pad)
    er = edge_index.reshape(2, ER, K)
    dcounts = _deg_kernel(edge_index, edge_index.T)
    degs = dcounts.reshape(2, NP).T
    xw1 = _tc_b(inv_p, pri_p, W1, degs)
    p1 = _agg(xw1, er)
    hs = _tc_d(p1, degs, b1.reshape(1, D1))
    p2 = _agg(hs, er)
    out = _tc_f(p2, degs, W2, b2.reshape(1, D2))
    return out[:N]

# --- scband reference (transcript-rebuilt; emitter-appended) ---
"""Pipeline reference for scband-gnnmodel-71811853189815 (READ-ONLY COPY).

The authoritative reference and input builder live on the scoring server;
editing this copy changes nothing except your own understanding.
"""

import jax, jax.numpy as jnp
import numpy as np

N = 10000
E = 320000
D_INV = 64
D_PRI = 64
IN_FEATS = D_INV + D_PRI
HIDDEN = 128
NUM_CLASSES = 16


def setup_inputs(seed: int = 0) -> dict:
    key = jax.random.key(seed)
    ks = jax.random.split(key, 8)
    inventory_levels = jax.random.normal(ks[0], (N, D_INV), dtype=jnp.float32)
    priorities = jax.random.normal(ks[1], (N, D_PRI), dtype=jnp.float32)
    edge_index = jax.random.randint(ks[2], (2, E), 0, N, dtype=jnp.int32)
    s1 = 1.0 / np.sqrt(IN_FEATS)
    W1 = jax.random.uniform(ks[3], (IN_FEATS, HIDDEN), minval=-s1, maxval=s1, dtype=jnp.float32)
    b1 = jnp.zeros((HIDDEN,), dtype=jnp.float32)
    s2 = 1.0 / np.sqrt(HIDDEN)
    W2 = jax.random.uniform(ks[4], (HIDDEN, NUM_CLASSES), minval=-s2, maxval=s2, dtype=jnp.float32)
    b2 = jnp.zeros((NUM_CLASSES,), dtype=jnp.float32)
    return {
        "inventory_levels": inventory_levels,
        "priorities": priorities,
        "edge_index": edge_index,
        "W1": W1,
        "b1": b1,
        "W2": W2,
        "b2": b2,
    }


def _graph_conv(x, src, dst, W, b):
    # DGL GraphConv with norm='both': D_out^{-1/2} on src side, sum-aggregate, D_in^{-1/2} on dst side.
    deg_out = jnp.maximum(jnp.bincount(src, length=N).astype(x.dtype), 1.0)
    x = x * (deg_out ** -0.5)[:, None]
    x = x @ W
    agg = jax.ops.segment_sum(x[src], dst, num_segments=N)
    deg_in = jnp.maximum(jnp.bincount(dst, length=N).astype(x.dtype), 1.0)
    agg = agg * (deg_in ** -0.5)[:, None]
    return agg + b


def reference(inventory_levels, priorities, edge_index, W1, b1, W2, b2):
    src = edge_index[0]
    dst = edge_index[1]
    x = jnp.concatenate([inventory_levels, priorities], axis=1)
    h = jax.nn.relu(_graph_conv(x, src, dst, W1, b1))
    out = _graph_conv(h, src, dst, W2, b2)
    return out

if __name__ == "__main__":
    import jax
    _d = setup_inputs()
    print(jax.jit(kernel)(*tuple(_d.values())))

</pallas_src>

<mosaic_0001>
#map = affine_map<(d0, d1) -> (0, 0)>
#map1 = affine_map<(d0, d1) -> (0, 0, 0)>
module attributes {stable_mosaic.version = 14 : i64} {
  func.func @body(%arg0: i32, %arg1: i32, %arg2: memref<10240x128xf32, #tpu.memory_space<hbm>>, %arg3: memref<2x2560x125xi32, #tpu.memory_space<hbm>>, %arg4: memref<2x10240x128xf32, #tpu.memory_space<hbm>>, %arg5: memref<8x125xi32, #tpu.memory_space<vmem>>, %arg6: memref<8x125xi32, #tpu.memory_space<vmem>>, %arg7: memref<2x125x128xf32, #tpu.memory_space<vmem>>, %arg8: memref<40x128xf32, #tpu.memory_space<vmem>>, %arg9: memref<10240x128xf32, #tpu.memory_space<vmem_shared>>, %arg10: memref<!tpu.dma_semaphore, #tpu.memory_space<semaphore_mem>>, %arg11: memref<!tpu.dma_semaphore, #tpu.memory_space<semaphore_mem>>) attributes {dimension_semantics = [#tpu.dimension_semantics<core_parallel>, #tpu.dimension_semantics<subcore_parallel>], iteration_bounds = array<i64: 2, 16>, scalar_prefetch = 0 : i64, scratch_operands = 7 : i64, tpu.core_type = #tpu.core_type<sc_vector_subcore>, window_params = [{transform_indices = #map}, {transform_indices = #map1}, {transform_indices = #map1}]} {
    %scan3A = arith.constant 0 : i32
    %scan3A_0 = arith.constant 0 : i32
    %scan3A_1 = arith.constant 320 : i32
    %scan3A_2 = arith.addi %scan3A_0, %scan3A_1 : i32
    %scan3A_3 = arith.constant 1 : i32
    scf.for %scan3A_23 = %scan3A_0 to %scan3A_2 step %scan3A_3  : i32 {
      %jit3A = arith.constant 8 : i32
      %div3A = arith.divsi %scan3A_23, %jit3A : i32
      %sign3A = arith.constant 0 : i32
      %sign3A_24 = arith.cmpi sgt, %scan3A_23, %sign3A : i32
      %sign3A_25 = arith.extui %sign3A_24 : i1 to i32
      %sign3A_26 = arith.constant 0 : i32
      %sign3A_27 = arith.cmpi slt, %scan3A_23, %sign3A_26 : i32
      %sign3A_28 = arith.extui %sign3A_27 : i1 to i32
      %sign3A_29 = arith.subi %sign3A_25, %sign3A_28 : i32
      %sign3A_30 = arith.constant 0 : i32
      %sign3A_31 = arith.cmpi sgt, %jit3A, %sign3A_30 : i32
      %sign3A_32 = arith.extui %sign3A_31 : i1 to i32
      %sign3A_33 = arith.constant 0 : i32
      %sign3A_34 = arith.cmpi slt, %jit3A, %sign3A_33 : i32
      %sign3A_35 = arith.extui %sign3A_34 : i1 to i32
      %sign3A_36 = arith.subi %sign3A_32, %sign3A_35 : i32
      %ne3A = arith.cmpi ne, %sign3A_29, %sign3A_36 : i32
      %rem3A = arith.remsi %scan3A_23, %jit3A : i32
      %ne3A_37 = arith.constant 0 : i32
      %ne3A_38 = arith.cmpi ne, %rem3A, %ne3A_37 : i32
      %and3A = arith.andi %ne3A, %ne3A_38 : i1
      %sub3A = arith.constant 1 : i32
      %sub3A_39 = arith.subi %div3A, %sub3A : i32
      %select_n3A = arith.select %and3A, %sub3A_39, %div3A : i32
      %jit3A_40 = arith.constant 8 : i32
      %eq3A = arith.constant 0 : i32
      %eq3A_41 = arith.cmpi eq, %jit3A_40, %eq3A : i32
      %jit3A_42 = arith.constant 1 : i32
      %select_n3A_43 = arith.select %eq3A_41, %jit3A_42, %jit3A_40 : i32
      %rem3A_44 = arith.remsi %scan3A_23, %select_n3A_43 : i32
      %ne3A_45 = arith.constant 0 : i32
      %ne3A_46 = arith.cmpi ne, %rem3A_44, %ne3A_45 : i32
      %lt3A = arith.constant 0 : i32
      %lt3A_47 = arith.cmpi slt, %rem3A_44, %lt3A : i32
      %lt3A_48 = arith.constant 0 : i32
      %lt3A_49 = arith.cmpi slt, %select_n3A_43, %lt3A_48 : i32
      %ne3A_50 = arith.xori %lt3A_47, %lt3A_49 : i1
      %and3A_51 = arith.andi %ne3A_50, %ne3A_46 : i1
      %add3A_52 = arith.addi %rem3A_44, %select_n3A_43 : i32
      %select_n3A_53 = arith.select %and3A_51, %add3A_52, %rem3A_44 : i32
      %mul3A_54 = arith.constant 16 : i32
      %mul3A_55 = arith.muli %select_n3A_53, %mul3A_54 : i32
      %broadcast_in_dim3A = arith.constant 0.000000e+00 : f32
      %broadcast_in_dim3A_56 = vector.broadcast %broadcast_in_dim3A : f32 to vector<16xf32>
      %swap3A = arith.index_cast %select_n3A : i32 to index
      %swap3A_57 = arith.index_cast %mul3A_55 : i32 to index
      %swap3A_58 = tpu.vector_load %arg8[%swap3A, %swap3A_57] {strides = array<i32>} : memref<40x128xf32, #tpu.memory_space<vmem>>, vector<1x16xf32>,
      %swap3A_59 = vector.shape_cast %swap3A_58 : vector<1x16xf32> to vector<16xf32>
      %swap3A_60 = vector.shape_cast %broadcast_in_dim3A_56 : vector<16xf32> to vector<1x16xf32>
      tpu.vector_store %arg8[%swap3A, %swap3A_57], %swap3A_60 {strides = array<i32>} : memref<40x128xf32, #tpu.memory_space<vmem>>, vector<1x16xf32>,
    }
    %scan3A_4 = arith.constant 320 : i32
    %scan3A_5 = arith.constant 0 : i32
    %scan3A_6 = arith.constant 0 : i32
    %scan3A_7 = arith.constant 16 : i32
    %scan3A_8 = arith.addi %scan3A_6, %scan3A_7 : i32
    %scan3A_9 = arith.constant 1 : i32
    scf.for %scan3A_23 = %scan3A_6 to %scan3A_8 step %scan3A_9  : i32 {
      %mul3A_24 = arith.constant 640 : i32
      %mul3A_25 = arith.muli %arg1, %mul3A_24 : i32
      %mul3A_26 = arith.constant 40 : i32
      %mul3A_27 = arith.muli %scan3A_23, %mul3A_26 : i32
      %add3A_28 = arith.addi %mul3A_25, %mul3A_27 : i32
      "tpu.region"() ({
        %run_scoped3A = tpu.sem_alloc : memref<!tpu.dma_semaphore, #tpu.memory_space<semaphore_mem>>
        %dma_start3A = arith.constant 0 : i32
        %dma_start3A_29 = tpu.memref_slice %arg9[%add3A_28, %dma_start3A] : memref<10240x128xf32, #tpu.memory_space<vmem_shared>> -> memref<40x128xf32, #tpu.memory_space<vmem_shared>>
        %dma_start3A_30 = arith.constant 0 : i32
        %dma_start3A_31 = tpu.memref_slice %arg9[%add3A_28, %dma_start3A_30] : memref<10240x128xf32, #tpu.memory_space<vmem_shared>> -> memref<40x128xf32, #tpu.memory_space<vmem_shared>>
        tpu.enqueue_dma source(%arg8 : memref<40x128xf32, #tpu.memory_space<vmem>>) target(%dma_start3A_31 : memref<40x128xf32, #tpu.memory_space<vmem_shared>>) target_semaphore(%run_scoped3A : memref<!tpu.dma_semaphore, #tpu.memory_space<semaphore_mem>>)
        %dma_wait3A = arith.constant 0 : i32
        %dma_wait3A_32 = tpu.memref_slice %arg9[%add3A_28, %dma_wait3A] : memref<10240x128xf32, #tpu.memory_space<vmem_shared>> -> memref<40x128xf32, #tpu.memory_space<vmem_shared>>
        %dma_wait3A_33 = arith.constant 0 : i32
        %dma_wait3A_34 = tpu.memref_slice %arg9[%add3A_28, %dma_wait3A_33] : memref<10240x128xf32, #tpu.memory_space<vmem_shared>> -> memref<40x128xf32, #tpu.memory_space<vmem_shared>>
        tpu.wait_dma2 semaphore(%run_scoped3A : memref<!tpu.dma_semaphore, #tpu.memory_space<semaphore_mem>>) src(%arg8 : memref<40x128xf32, #tpu.memory_space<vmem>>) dst(%dma_wait3A_34 : memref<40x128xf32, #tpu.memory_space<vmem_shared>>)
        tpu.yield
      }) : () -> ()
    }
    %scan3A_10 = arith.constant 16 : i32
    %barrier3A = arith.constant 0 : index
    tpu.barrier barrier_id(%barrier3A)
    %mul3A = arith.constant 16 : i32
    %mul3A_11 = arith.muli %arg0, %mul3A : i32
    %add3A = arith.addi %mul3A_11, %arg1 : i32
    %mul3A_12 = arith.constant 10 : i32
    %mul3A_13 = arith.muli %add3A, %mul3A_12 : i32
    %scan3A_14 = arith.constant 0 : i32
    %scan3A_15 = arith.constant 0 : i32
    %scan3A_16 = arith.constant 10 : i32
    %scan3A_17 = arith.addi %scan3A_15, %scan3A_16 : i32
    %scan3A_18 = arith.constant 1 : i32
    scf.for %scan3A_23 = %scan3A_15 to %scan3A_17 step %scan3A_18  : i32 {
      %add3A_24 = arith.addi %mul3A_13, %scan3A_23 : i32
      %mul3A_25 = arith.constant 8 : i32
      %mul3A_26 = arith.muli %add3A_24, %mul3A_25 : i32
      %run_scoped3A = arith.constant 0 : i32
      "tpu.region"() ({
        %run_scoped3A_410 = tpu.sem_alloc : memref<!tpu.dma_semaphore, #tpu.memory_space<semaphore_mem>>
        %dma_start3A_411 = arith.constant 0 : i32
        %dma_start3A_412 = tpu.memref_slice %arg3[%run_scoped3A, %mul3A_26, %dma_start3A_411] : memref<2x2560x125xi32, #tpu.memory_space<hbm>> -> memref<1x8x125xi32, #tpu.memory_space<hbm>>
        %dma_start3A_413 = tpu.memref_squeeze %dma_start3A_412 : memref<1x8x125xi32, #tpu.memory_space<hbm>> -> memref<8x125xi32, #tpu.memory_space<hbm>>
        %dma_start3A_414 = arith.constant 0 : i32
        %dma_start3A_415 = tpu.memref_slice %arg3[%run_scoped3A, %mul3A_26, %dma_start3A_414] : memref<2x2560x125xi32, #tpu.memory_space<hbm>> -> memref<1x8x125xi32, #tpu.memory_space<hbm>>
        %dma_start3A_416 = tpu.memref_squeeze %dma_start3A_415 : memref<1x8x125xi32, #tpu.memory_space<hbm>> -> memref<8x125xi32, #tpu.memory_space<hbm>>
        tpu.enqueue_dma source(%dma_start3A_416 : memref<8x125xi32, #tpu.memory_space<hbm>>) target(%arg5 : memref<8x125xi32, #tpu.memory_space<vmem>>) target_semaphore(%run_scoped3A_410 : memref<!tpu.dma_semaphore, #tpu.memory_space<semaphore_mem>>)
        %dma_wait3A_417 = arith.constant 0 : i32
        %dma_wait3A_418 = tpu.memref_slice %arg3[%run_scoped3A, %mul3A_26, %dma_wait3A_417] : memref<2x2560x125xi32, #tpu.memory_space<hbm>> -> memref<1x8x125xi32, #tpu.memory_space<hbm>>
        %dma_wait3A_419 = tpu.memref_squeeze %dma_wait3A_418 : memref<1x8x125xi32, #tpu.memory_space<hbm>> -> memref<8x125xi32, #tpu.memory_space<hbm>>
        %dma_wait3A_420 = arith.constant 0 : i32
        %dma_wait3A_421 = tpu.memref_slice %arg3[%run_scoped3A, %mul3A_26, %dma_wait3A_420] : memref<2x2560x125xi32, #tpu.memory_space<hbm>> -> memref<1x8x125xi32, #tpu.memory_space<hbm>>
        %dma_wait3A_422 = tpu.memref_squeeze %dma_wait3A_421 : memref<1x8x125xi32, #tpu.memory_space<hbm>> -> memref<8x125xi32, #tpu.memory_space<hbm>>
        tpu.wait_dma2 semaphore(%run_scoped3A_410 : memref<!tpu.dma_semaphore, #tpu.memory_space<semaphore_mem>>) src(%dma_wait3A_422 : memref<8x125xi32, #tpu.memory_space<hbm>>) dst(%arg5 : memref<8x125xi32, #tpu.memory_space<vmem>>)
        tpu.yield
      }) : () -> ()
      %run_scoped3A_27 = arith.constant 1 : i32
      "tpu.region"() ({
        %run_scoped3A_410 = tpu.sem_alloc : memref<!tpu.dma_semaphore, #tpu.memory_space<semaphore_mem>>
        %dma_start3A_411 = arith.constant 0 : i32
        %dma_start3A_412 = tpu.memref_slice %arg3[%run_scoped3A_27, %mul3A_26, %dma_start3A_411] : memref<2x2560x125xi32, #tpu.memory_space<hbm>> -> memref<1x8x125xi32, #tpu.memory_space<hbm>>
        %dma_start3A_413 = tpu.memref_squeeze %dma_start3A_412 : memref<1x8x125xi32, #tpu.memory_space<hbm>> -> memref<8x125xi32, #tpu.memory_space<hbm>>
        %dma_start3A_414 = arith.constant 0 : i32
        %dma_start3A_415 = tpu.memref_slice %arg3[%run_scoped3A_27, %mul3A_26, %dma_start3A_414] : memref<2x2560x125xi32, #tpu.memory_space<hbm>> -> memref<1x8x125xi32, #tpu.memory_space<hbm>>
        %dma_start3A_416 = tpu.memref_squeeze %dma_start3A_415 : memref<1x8x125xi32, #tpu.memory_space<hbm>> -> memref<8x125xi32, #tpu.memory_space<hbm>>
        tpu.enqueue_dma source(%dma_start3A_416 : memref<8x125xi32, #tpu.memory_space<hbm>>) target(%arg6 : memref<8x125xi32, #tpu.memory_space<vmem>>) target_semaphore(%run_scoped3A_410 : memref<!tpu.dma_semaphore, #tpu.memory_space<semaphore_mem>>)
        %dma_wait3A_417 = arith.constant 0 : i32
        %dma_wait3A_418 = tpu.memref_slice %arg3[%run_scoped3A_27, %mul3A_26, %dma_wait3A_417] : memref<2x2560x125xi32, #tpu.memory_space<hbm>> -> memref<1x8x125xi32, #tpu.memory_space<hbm>>
        %dma_wait3A_419 = tpu.memref_squeeze %dma_wait3A_418 : memref<1x8x125xi32, #tpu.memory_space<hbm>> -> memref<8x125xi32, #tpu.memory_space<hbm>>
        %dma_wait3A_420 = arith.constant 0 : i32
        %dma_wait3A_421 = tpu.memref_slice %arg3[%run_scoped3A_27, %mul3A_26, %dma_wait3A_420] : memref<2x2560x125xi32, #tpu.memory_space<hbm>> -> memref<1x8x125xi32, #tpu.memory_space<hbm>>
        %dma_wait3A_422 = tpu.memref_squeeze %dma_wait3A_421 : memref<1x8x125xi32, #tpu.memory_space<hbm>> -> memref<8x125xi32, #tpu.memory_space<hbm>>
        tpu.wait_dma2 semaphore(%run_scoped3A_410 : memref<!tpu.dma_semaphore, #tpu.memory_space<semaphore_mem>>) src(%dma_wait3A_422 : memref<8x125xi32, #tpu.memory_space<hbm>>) dst(%arg6 : memref<8x125xi32, #tpu.memory_space<vmem>>)
        tpu.yield
      }) : () -> ()
      %dma_start3A = arith.constant 0 : i32
      %dma_start3A_28 = arith.constant 0 : i32
      %dma_start3A_29 = arith.constant 0 : i32
      %dma_start3A_30 = arith.constant 0 : i32
      %dma_start3A_31 = tpu.memref_slice %arg7[%dma_start3A_28, %dma_start3A_29, %dma_start3A_30] : memref<2x125x128xf32, #tpu.memory_space<vmem>> -> memref<1x125x128xf32, #tpu.memory_space<vmem>>
      %dma_start3A_32 = tpu.memref_squeeze %dma_start3A_31 : memref<1x125x128xf32, #tpu.memory_space<vmem>> -> memref<125x128xf32, #tpu.memory_space<vmem>>
      %dma_start3A_33 = arith.constant 0 : i32
      %dma_start3A_34 = tpu.memref_slice %arg5[%dma_start3A, %dma_start3A_33] : memref<8x125xi32, #tpu.memory_space<vmem>> -> memref<1x125xi32, #tpu.memory_space<vmem>>
      %dma_start3A_35 = tpu.memref_squeeze %dma_start3A_34 : memref<1x125xi32, #tpu.memory_space<vmem>> -> memref<125xi32, #tpu.memory_space<vmem>>
      %dma_start3A_36 = arith.constant 0 : i32
      %dma_start3A_37 = arith.constant 0 : i32
      %dma_start3A_38 = tpu.memref_slice %arg2[%dma_start3A_36, %dma_start3A_37] : memref<10240x128xf32, #tpu.memory_space<hbm>> -> memref<10240x128xf32, #tpu.memory_space<hbm>>
      tpu.enqueue_indirect_dma source(%dma_start3A_38 : memref<10240x128xf32, #tpu.memory_space<hbm>>) target(%dma_start3A_32 : memref<125x128xf32, #tpu.memory_space<vmem>>) offsets(%dma_start3A_35 : memref<125xi32, #tpu.memory_space<vmem>>) semaphore(%arg10 : memref<!tpu.dma_semaphore, #tpu.memory_space<semaphore_mem>>)
      %dma_wait3A = arith.constant 0 : i32
      %dma_wait3A_39 = arith.constant 0 : i32
      %dma_wait3A_40 = arith.constant 0 : i32
      %dma_wait3A_41 = arith.constant 0 : i32
      %dma_wait3A_42 = tpu.memref_slice %arg7[%dma_wait3A_39, %dma_wait3A_40, %dma_wait3A_41] : memref<2x125x128xf32, #tpu.memory_space<vmem>> -> memref<1x125x128xf32, #tpu.memory_space<vmem>>
      %dma_wait3A_43 = tpu.memref_squeeze %dma_wait3A_42 : memref<1x125x128xf32, #tpu.memory_space<vmem>> -> memref<125x128xf32, #tpu.memory_space<vmem>>
      %dma_wait3A_44 = arith.constant 0 : i32
      %dma_wait3A_45 = tpu.memref_slice %arg5[%dma_wait3A, %dma_wait3A_44] : memref<8x125xi32, #tpu.memory_space<vmem>> -> memref<1x125xi32, #tpu.memory_space<vmem>>
      %dma_wait3A_46 = tpu.memref_squeeze %dma_wait3A_45 : memref<1x125xi32, #tpu.memory_space<vmem>> -> memref<125xi32, #tpu.memory_space<vmem>>
      %dma_wait3A_47 = arith.constant 0 : i32
      %dma_wait3A_48 = arith.constant 0 : i32
      %dma_wait3A_49 = tpu.memref_slice %arg2[%dma_wait3A_47, %dma_wait3A_48] : memref<10240x128xf32, #tpu.memory_space<hbm>> -> memref<10240x128xf32, #tpu.memory_space<hbm>>
      tpu.wait_indirect_dma semaphore(%arg10 : memref<!tpu.dma_semaphore, #tpu.memory_space<semaphore_mem>>) src(%dma_wait3A_49 : memref<10240x128xf32, #tpu.memory_space<hbm>>) dst(%dma_wait3A_43 : memref<125x128xf32, #tpu.memory_space<vmem>>)
      %dma_start3A_50 = arith.constant 1 : i32
      %dma_start3A_51 = arith.constant 1 : i32
      %dma_start3A_52 = arith.constant 0 : i32
      %dma_start3A_53 = arith.constant 0 : i32
      %dma_start3A_54 = tpu.memref_slice %arg7[%dma_start3A_51, %dma_start3A_52, %dma_start3A_53] : memref<2x125x128xf32, #tpu.memory_space<vmem>> -> memref<1x125x128xf32, #tpu.memory_space<vmem>>
      %dma_start3A_55 = tpu.memref_squeeze %dma_start3A_54 : memref<1x125x128xf32, #tpu.memory_space<vmem>> -> memref<125x128xf32, #tpu.memory_space<vmem>>
      %dma_start3A_56 = arith.constant 0 : i32
      %dma_start3A_57 = tpu.memref_slice %arg5[%dma_start3A_50, %dma_start3A_56] : memref<8x125xi32, #tpu.memory_space<vmem>> -> memref<1x125xi32, #tpu.memory_space<vmem>>
      %dma_start3A_58 = tpu.memref_squeeze %dma_start3A_57 : memref<1x125xi32, #tpu.memory_space<vmem>> -> memref<125xi32, #tpu.memory_space<vmem>>
      %dma_start3A_59 = arith.constant 0 : i32
      %dma_start3A_60 = arith.constant 0 : i32
      %dma_start3A_61 = tpu.memref_slice %arg2[%dma_start3A_59, %dma_start3A_60] : memref<10240x128xf32, #tpu.memory_space<hbm>> -> memref<10240x128xf32, #tpu.memory_space<hbm>>
      tpu.enqueue_indirect_dma source(%dma_start3A_61 : memref<10240x128xf32, #tpu.memory_space<hbm>>) target(%dma_start3A_55 : memref<125x128xf32, #tpu.memory_space<vmem>>) offsets(%dma_start3A_58 : memref<125xi32, #tpu.memory_space<vmem>>) semaphore(%arg10 : memref<!tpu.dma_semaphore, #tpu.memory_space<semaphore_mem>>)
      %dma_start3A_62 = arith.constant 0 : i32
      %dma_start3A_63 = arith.constant 0 : i32
      %dma_start3A_64 = arith.constant 0 : i32
      %dma_start3A_65 = arith.constant 0 : i32
      %dma_start3A_66 = tpu.memref_slice %arg7[%dma_start3A_62, %dma_start3A_64, %dma_start3A_65] : memref<2x125x128xf32, #tpu.memory_space<vmem>> -> memref<1x125x128xf32, #tpu.memory_space<vmem>>
      %dma_start3A_67 = tpu.memref_squeeze %dma_start3A_66 : memref<1x125x128xf32, #tpu.memory_space<vmem>> -> memref<125x128xf32, #tpu.memory_space<vmem>>
      %dma_start3A_68 = arith.constant 0 : i32
      %dma_start3A_69 = tpu.memref_slice %arg6[%dma_start3A_63, %dma_start3A_68] : memref<8x125xi32, #tpu.memory_space<vmem>> -> memref<1x125xi32, #tpu.memory_space<vmem>>
      %dma_start3A_70 = tpu.memref_squeeze %dma_start3A_69 : memref<1x125xi32, #tpu.memory_space<vmem>> -> memref<125xi32, #tpu.memory_space<vmem>>
      %dma_start3A_71 = arith.constant 0 : i32
      %dma_start3A_72 = arith.constant 0 : i32
      %dma_start3A_73 = tpu.memref_slice %arg9[%dma_start3A_71, %dma_start3A_72] : memref<10240x128xf32, #tpu.memory_space<vmem_shared>> -> memref<10240x128xf32, #tpu.memory_space<vmem_shared>>
      tpu.enqueue_indirect_dma source(%dma_start3A_67 : memref<125x128xf32, #tpu.memory_space<vmem>>) target(%dma_start3A_73 : memref<10240x128xf32, #tpu.memory_space<vmem_shared>>) offsets(%dma_start3A_70 : memref<125xi32, #tpu.memory_space<vmem>>) semaphore(%arg11 : memref<!tpu.dma_semaphore, #tpu.memory_space<semaphore_mem>>) {add = true}
      %dma_wait3A_74 = arith.constant 1 : i32
      %dma_wait3A_75 = arith.constant 1 : i32
      %dma_wait3A_76 = arith.constant 0 : i32
      %dma_wait3A_77 = arith.constant 0 : i32
      %dma_wait3A_78 = tpu.memref_slice %arg7[%dma_wait3A_75, %dma_wait3A_76, %dma_wait3A_77] : memref<2x125x128xf32, #tpu.memory_space<vmem>> -> memref<1x125x128xf32, #tpu.memory_space<vmem>>
      %dma_wait3A_79 = tpu.memref_squeeze %dma_wait3A_78 : memref<1x125x128xf32, #tpu.memory_space<vmem>> -> memref<125x128xf32, #tpu.memory_space<vmem>>
      %dma_wait3A_80 = arith.constant 0 : i32
      %dma_wait3A_81 = tpu.memref_slice %arg5[%dma_wait3A_74, %dma_wait3A_80] : memref<8x125xi32, #tpu.memory_space<vmem>> -> memref<1x125xi32, #tpu.memory_space<vmem>>
      %dma_wait3A_82 = tpu.memref_squeeze %dma_wait3A_81 : memref<1x125xi32, #tpu.memory_space<vmem>> -> memref<125xi32, #tpu.memory_space<vmem>>
      %dma_wait3A_83 = arith.constant 0 : i32
      %dma_wait3A_84 = arith.constant 0 : i32
      %dma_wait3A_85 = tpu.memref_slice %arg2[%dma_wait3A_83, %dma_wait3A_84] : memref<10240x128xf32, #tpu.memory_space<hbm>> -> memref<10240x128xf32, #tpu.memory_space<hbm>>
      tpu.wait_indirect_dma semaphore(%arg10 : memref<!tpu.dma_semaphore, #tpu.memory_space<semaphore_mem>>) src(%dma_wait3A_85 : memref<10240x128xf32, #tpu.memory_space<hbm>>) dst(%dma_wait3A_79 : memref<125x128xf32, #tpu.memory_space<vmem>>)
      %dma_wait3A_86 = arith.constant 0 : i32
      %dma_wait3A_87 = arith.constant 0 : i32
      %dma_wait3A_88 = arith.constant 0 : i32
      %dma_wait3A_89 = arith.constant 0 : i32
      %dma_wait3A_90 = tpu.memref_slice %arg7[%dma_wait3A_86, %dma_wait3A_88, %dma_wait3A_89] : memref<2x125x128xf32, #tpu.memory_space<vmem>> -> memref<1x125x128xf32, #tpu.memory_space<vmem>>
      %dma_wait3A_91 = tpu.memref_squeeze %dma_wait3A_90 : memref<1x125x128xf32, #tpu.memory_space<vmem>> -> memref<125x128xf32, #tpu.memory_space<vmem>>
      %dma_wait3A_92 = arith.constant 0 : i32
      %dma_wait3A_93 = tpu.memref_slice %arg6[%dma_wait3A_87, %dma_wait3A_92] : memref<8x125xi32, #tpu.memory_space<vmem>> -> memref<1x125xi32, #tpu.memory_space<vmem>>
      %dma_wait3A_94 = tpu.memref_squeeze %dma_wait3A_93 : memref<1x125xi32, #tpu.memory_space<vmem>> -> memref<125xi32, #tpu.memory_space<vmem>>
      %dma_wait3A_95 = arith.constant 0 : i32
      %dma_wait3A_96 = arith.constant 0 : i32
      %dma_wait3A_97 = tpu.memref_slice %arg9[%dma_wait3A_95, %dma_wait3A_96] : memref<10240x128xf32, #tpu.memory_space<vmem_shared>> -> memref<10240x128xf32, #tpu.memory_space<vmem_shared>>
      tpu.wait_indirect_dma semaphore(%arg11 : memref<!tpu.dma_semaphore, #tpu.memory_space<semaphore_mem>>) src(%dma_wait3A_91 : memref<125x128xf32, #tpu.memory_space<vmem>>) dst(%dma_wait3A_97 : memref<10240x128xf32, #tpu.memory_space<vmem_shared>>)
      %dma_start3A_98 = arith.constant 2 : i32
      %dma_start3A_99 = arith.constant 0 : i32
      %dma_start3A_100 = arith.constant 0 : i32
      %dma_start3A_101 = arith.constant 0 : i32
      %dma_start3A_102 = tpu.memref_slice %arg7[%dma_start3A_99, %dma_start3A_100, %dma_start3A_101] : memref<2x125x128xf32, #tpu.memory_space<vmem>> -> memref<1x125x128xf32, #tpu.memory_space<vmem>>
      %dma_start3A_103 = tpu.memref_squeeze %dma_start3A_102 : memref<1x125x128xf32, #tpu.memory_space<vmem>> -> memref<125x128xf32, #tpu.memory_space<vmem>>
      %dma_start3A_104 = arith.constant 0 : i32
      %dma_start3A_105 = tpu.memref_slice %arg5[%dma_start3A_98, %dma_start3A_104] : memref<8x125xi32, #tpu.memory_space<vmem>> -> memref<1x125xi32, #tpu.memory_space<vmem>>
      %dma_start3A_106 = tpu.memref_squeeze %dma_start3A_105 : memref<1x125xi32, #tpu.memory_space<vmem>> -> memref<125xi32, #tpu.memory_space<vmem>>
      %dma_start3A_107 = arith.constant 0 : i32
      %dma_start3A_108 = arith.constant 0 : i32
      %dma_start3A_109 = tpu.memref_slice %arg2[%dma_start3A_107, %dma_start3A_108] : memref<10240x128xf32, #tpu.memory_space<hbm>> -> memref<10240x128xf32, #tpu.memory_space<hbm>>
      tpu.enqueue_indirect_dma source(%dma_start3A_109 : memref<10240x128xf32, #tpu.memory_space<hbm>>) target(%dma_start3A_103 : memref<125x128xf32, #tpu.memory_space<vmem>>) offsets(%dma_start3A_106 : memref<125xi32, #tpu.memory_space<vmem>>) semaphore(%arg10 : memref<!tpu.dma_semaphore, #tpu.memory_space<semaphore_mem>>)
      %dma_start3A_110 = arith.constant 1 : i32
      %dma_start3A_111 = arith.constant 1 : i32
      %dma_start3A_112 = arith.constant 0 : i32
      %dma_start3A_113 = arith.constant 0 : i32
      %dma_start3A_114 = tpu.memref_slice %arg7[%dma_start3A_110, %dma_start3A_112, %dma_start3A_113] : memref<2x125x128xf32, #tpu.memory_space<vmem>> -> memref<1x125x128xf32, #tpu.memory_space<vmem>>
      %dma_start3A_115 = tpu.memref_squeeze %dma_start3A_114 : memref<1x125x128xf32, #tpu.memory_space<vmem>> -> memref<125x128xf32, #tpu.memory_space<vmem>>
      %dma_start3A_116 = arith.constant 0 : i32
      %dma_start3A_117 = tpu.memref_slice %arg6[%dma_start3A_111, %dma_start3A_116] : memref<8x125xi32, #tpu.memory_space<vmem>> -> memref<1x125xi32, #tpu.memory_space<vmem>>
      %dma_start3A_118 = tpu.memref_squeeze %dma_start3A_117 : memref<1x125xi32, #tpu.memory_space<vmem>> -> memref<125xi32, #tpu.memory_space<vmem>>
      %dma_start3A_119 = arith.constant 0 : i32
      %dma_start3A_120 = arith.constant 0 : i32
      %dma_start3A_121 = tpu.memref_slice %arg9[%dma_start3A_119, %dma_start3A_120] : memref<10240x128xf32, #tpu.memory_space<vmem_shared>> -> memref<10240x128xf32, #tpu.memory_space<vmem_shared>>
      tpu.enqueue_indirect_dma source(%dma_start3A_115 : memref<125x128xf32, #tpu.memory_space<vmem>>) target(%dma_start3A_121 : memref<10240x128xf32, #tpu.memory_space<vmem_shared>>) offsets(%dma_start3A_118 : memref<125xi32, #tpu.memory_space<vmem>>) semaphore(%arg11 : memref<!tpu.dma_semaphore, #tpu.memory_space<semaphore_mem>>) {add = true}
      %dma_wait3A_122 = arith.constant 2 : i32
      %dma_wait3A_123 = arith.constant 0 : i32
      %dma_wait3A_124 = arith.constant 0 : i32
      %dma_wait3A_125 = arith.constant 0 : i32
      %dma_wait3A_126 = tpu.memref_slice %arg7[%dma_wait3A_123, %dma_wait3A_124, %dma_wait3A_125] : memref<2x125x128xf32, #tpu.memory_space<vmem>> -> memref<1x125x128xf32, #tpu.memory_space<vmem>>
      %dma_wait3A_127 = tpu.memref_squeeze %dma_wait3A_126 : memref<1x125x128xf32, #tpu.memory_space<vmem>> -> memref<125x128xf32, #tpu.memory_space<vmem>>
      %dma_wait3A_128 = arith.constant 0 : i32
      %dma_wait3A_129 = tpu.memref_slice %arg5[%dma_wait3A_122, %dma_wait3A_128] : memref<8x125xi32, #tpu.memory_space<vmem>> -> memref<1x125xi32, #tpu.memory_space<vmem>>
      %dma_wait3A_130 = tpu.memref_squeeze %dma_wait3A_129 : memref<1x125xi32, #tpu.memory_space<vmem>> -> memref<125xi32, #tpu.memory_space<vmem>>
      %dma_wait3A_131 = arith.constant 0 : i32
      %dma_wait3A_132 = arith.constant 0 : i32
      %dma_wait3A_133 = tpu.memref_slice %arg2[%dma_wait3A_131, %dma_wait3A_132] : memref<10240x128xf32, #tpu.memory_space<hbm>> -> memref<10240x128xf32, #tpu.memory_space<hbm>>
      tpu.wait_indirect_dma semaphore(%arg10 : memref<!tpu.dma_semaphore, #tpu.memory_space<semaphore_mem>>) src(%dma_wait3A_133 : memref<10240x128xf32, #tpu.memory_space<hbm>>) dst(%dma_wait3A_127 : memref<125x128xf32, #tpu.memory_space<vmem>>)
      %dma_wait3A_134 = arith.constant 1 : i32
      %dma_wait3A_135 = arith.constant 1 : i32
      %dma_wait3A_136 = arith.constant 0 : i32
      %dma_wait3A_137 = arith.constant 0 : i32
      %dma_wait3A_138 = tpu.memref_slice %arg7[%dma_wait3A_134, %dma_wait3A_136, %dma_wait3A_137] : memref<2x125x128xf32, #tpu.memory_space<vmem>> -> memref<1x125x128xf32, #tpu.memory_space<vmem>>
      %dma_wait3A_139 = tpu.memref_squeeze %dma_wait3A_138 : memref<1x125x128xf32, #tpu.memory_space<vmem>> -> memref<125x128xf32, #tpu.memory_space<vmem>>
      %dma_wait3A_140 = arith.constant 0 : i32
      %dma_wait3A_141 = tpu.memref_slice %arg6[%dma_wait3A_135, %dma_wait3A_140] : memref<8x125xi32, #tpu.memory_space<vmem>> -> memref<1x125xi32, #tpu.memory_space<vmem>>
      %dma_wait3A_142 = tpu.memref_squeeze %dma_wait3A_141 : memref<1x125xi32, #tpu.memory_space<vmem>> -> memref<125xi32, #tpu.memory_space<vmem>>
      %dma_wait3A_143 = arith.constant 0 : i32
      %dma_wait3A_144 = arith.constant 0 : i32
      %dma_wait3A_145 = tpu.memref_slice %arg9[%dma_wait3A_143, %dma_wait3A_144] : memref<10240x128xf32, #tpu.memory_space<vmem_shared>> -> memref<10240x128xf32, #tpu.memory_space<vmem_shared>>
      tpu.wait_indirect_dma semaphore(%arg11 : memref<!tpu.dma_semaphore, #tpu.memory_space<semaphore_mem>>) src(%dma_wait3A_139 : memref<125x128xf32, #tpu.memory_space<vmem>>) dst(%dma_wait3A_145 : memref<10240x128xf32, #tpu.memory_space<vmem_shared>>)
      %dma_start3A_146 = arith.constant 3 : i32
      %dma_start3A_147 = arith.constant 1 : i32
      %dma_start3A_148 = arith.constant 0 : i32
      %dma_start3A_149 = arith.constant 0 : i32
      %dma_start3A_150 = tpu.memref_slice %arg7[%dma_start3A_147, %dma_start3A_148, %dma_start3A_149] : memref<2x125x128xf32, #tpu.memory_space<vmem>> -> memref<1x125x128xf32, #tpu.memory_space<vmem>>
      %dma_start3A_151 = tpu.memref_squeeze %dma_start3A_150 : memref<1x125x128xf32, #tpu.memory_space<vmem>> -> memref<125x128xf32, #tpu.memory_space<vmem>>
      %dma_start3A_152 = arith.constant 0 : i32
      %dma_start3A_153 = tpu.memref_slice %arg5[%dma_start3A_146, %dma_start3A_152] : memref<8x125xi32, #tpu.memory_space<vmem>> -> memref<1x125xi32, #tpu.memory_space<vmem>>
      %dma_start3A_154 = tpu.memref_squeeze %dma_start3A_153 : memref<1x125xi32, #tpu.memory_space<vmem>> -> memref<125xi32, #tpu.memory_space<vmem>>
      %dma_start3A_155 = arith.constant 0 : i32
      %dma_start3A_156 = arith.constant 0 : i32
      %dma_start3A_157 = tpu.memref_slice %arg2[%dma_start3A_155, %dma_start3A_156] : memref<10240x128xf32, #tpu.memory_space<hbm>> -> memref<10240x128xf32, #tpu.memory_space<hbm>>
      tpu.enqueue_indirect_dma source(%dma_start3A_157 : memref<10240x128xf32, #tpu.memory_space<hbm>>) target(%dma_start3A_151 : memref<125x128xf32, #tpu.memory_space<vmem>>) offsets(%dma_start3A_154 : memref<125xi32, #tpu.memory_space<vmem>>) semaphore(%arg10 : memref<!tpu.dma_semaphore, #tpu.memory_space<semaphore_mem>>)
      %dma_start3A_158 = arith.constant 0 : i32
      %dma_start3A_159 = arith.constant 2 : i32
      %dma_start3A_160 = arith.constant 0 : i32
      %dma_start3A_161 = arith.constant 0 : i32
      %dma_start3A_162 = tpu.memref_slice %arg7[%dma_start3A_158, %dma_start3A_160, %dma_start3A_161] : memref<2x125x128xf32, #tpu.memory_space<vmem>> -> memref<1x125x128xf32, #tpu.memory_space<vmem>>
      %dma_start3A_163 = tpu.memref_squeeze %dma_start3A_162 : memref<1x125x128xf32, #tpu.memory_space<vmem>> -> memref<125x128xf32, #tpu.memory_space<vmem>>
      %dma_start3A_164 = arith.constant 0 : i32
      %dma_start3A_165 = tpu.memref_slice %arg6[%dma_start3A_159, %dma_start3A_164] : memref<8x125xi32, #tpu.memory_space<vmem>> -> memref<1x125xi32, #tpu.memory_space<vmem>>
      %dma_start3A_166 = tpu.memref_squeeze %dma_start3A_165 : memref<1x125xi32, #tpu.memory_space<vmem>> -> memref<125xi32, #tpu.memory_space<vmem>>
      %dma_start3A_167 = arith.constant 0 : i32
      %dma_start3A_168 = arith.constant 0 : i32
      %dma_start3A_169 = tpu.memref_slice %arg9[%dma_start3A_167, %dma_start3A_168] : memref<10240x128xf32, #tpu.memory_space<vmem_shared>> -> memref<10240x128xf32, #tpu.memory_space<vmem_shared>>
      tpu.enqueue_indirect_dma source(%dma_start3A_163 : memref<125x128xf32, #tpu.memory_space<vmem>>) target(%dma_start3A_169 : memref<10240x128xf32, #tpu.memory_space<vmem_shared>>) offsets(%dma_start3A_166 : memref<125xi32, #tpu.memory_space<vmem>>) semaphore(%arg11 : memref<!tpu.dma_semaphore, #tpu.memory_space<semaphore_mem>>) {add = true}
      %dma_wait3A_170 = arith.constant 3 : i32
      %dma_wait3A_171 = arith.constant 1 : i32
      %dma_wait3A_172 = arith.constant 0 : i32
      %dma_wait3A_173 = arith.constant 0 : i32
      %dma_wait3A_174 = tpu.memref_slice %arg7[%dma_wait3A_171, %dma_wait3A_172, %dma_wait3A_173] : memref<2x125x128xf32, #tpu.memory_space<vmem>> -> memref<1x125x128xf32, #tpu.memory_space<vmem>>
      %dma_wait3A_175 = tpu.memref_squeeze %dma_wait3A_174 : memref<1x125x128xf32, #tpu.memory_space<vmem>> -> memref<125x128xf32, #tpu.memory_space<vmem>>
      %dma_wait3A_176 = arith.constant 0 : i32
      %dma_wait3A_177 = tpu.memref_slice %arg5[%dma_wait3A_170, %dma_wait3A_176] : memref<8x125xi32, #tpu.memory_space<vmem>> -> memref<1x125xi32, #tpu.memory_space<vmem>>
      %dma_wait3A_178 = tpu.memref_squeeze %dma_wait3A_177 : memref<1x125xi32, #tpu.memory_space<vmem>> -> memref<125xi32, #tpu.memory_space<vmem>>
      %dma_wait3A_179 = arith.constant 0 : i32
      %dma_wait3A_180 = arith.constant 0 : i32
      %dma_wait3A_181 = tpu.memref_slice %arg2[%dma_wait3A_179, %dma_wait3A_180] : memref<10240x128xf32, #tpu.memory_space<hbm>> -> memref<10240x128xf32, #tpu.memory_space<hbm>>
      tpu.wait_indirect_dma semaphore(%arg10 : memref<!tpu.dma_semaphore, #tpu.memory_space<semaphore_mem>>) src(%dma_wait3A_181 : memref<10240x128xf32, #tpu.memory_space<hbm>>) dst(%dma_wait3A_175 : memref<125x128xf32, #tpu.memory_space<vmem>>)
      %dma_wait3A_182 = arith.constant 0 : i32
      %dma_wait3A_183 = arith.constant 2 : i32
      %dma_wait3A_184 = arith.constant 0 : i32
      %dma_wait3A_185 = arith.constant 0 : i32
      %dma_wait3A_186 = tpu.memref_slice %arg7[%dma_wait3A_182, %dma_wait3A_184, %dma_wait3A_185] : memref<2x125x128xf32, #tpu.memory_space<vmem>> -> memref<1x125x128xf32, #tpu.memory_space<vmem>>
      %dma_wait3A_187 = tpu.memref_squeeze %dma_wait3A_186 : memref<1x125x128xf32, #tpu.memory_space<vmem>> -> memref<125x128xf32, #tpu.memory_space<vmem>>
      %dma_wait3A_188 = arith.constant 0 : i32
      %dma_wait3A_189 = tpu.memref_slice %arg6[%dma_wait3A_183, %dma_wait3A_188] : memref<8x125xi32, #tpu.memory_space<vmem>> -> memref<1x125xi32, #tpu.memory_space<vmem>>
      %dma_wait3A_190 = tpu.memref_squeeze %dma_wait3A_189 : memref<1x125xi32, #tpu.memory_space<vmem>> -> memref<125xi32, #tpu.memory_space<vmem>>
      %dma_wait3A_191 = arith.constant 0 : i32
      %dma_wait3A_192 = arith.constant 0 : i32
      %dma_wait3A_193 = tpu.memref_slice %arg9[%dma_wait3A_191, %dma_wait3A_192] : memref<10240x128xf32, #tpu.memory_space<vmem_shared>> -> memref<10240x128xf32, #tpu.memory_space<vmem_shared>>
      tpu.wait_indirect_dma semaphore(%arg11 : memref<!tpu.dma_semaphore, #tpu.memory_space<semaphore_mem>>) src(%dma_wait3A_187 : memref<125x128xf32, #tpu.memory_space<vmem>>) dst(%dma_wait3A_193 : memref<10240x128xf32, #tpu.memory_space<vmem_shared>>)
      %dma_start3A_194 = arith.constant 4 : i32
      %dma_start3A_195 = arith.constant 0 : i32
      %dma_start3A_196 = arith.constant 0 : i32
      %dma_start3A_197 = arith.constant 0 : i32
      %dma_start3A_198 = tpu.memref_slice %arg7[%dma_start3A_195, %dma_start3A_196, %dma_start3A_197] : memref<2x125x128xf32, #tpu.memory_space<vmem>> -> memref<1x125x128xf32, #tpu.memory_space<vmem>>
      %dma_start3A_199 = tpu.memref_squeeze %dma_start3A_198 : memref<1x125x128xf32, #tpu.memory_space<vmem>> -> memref<125x128xf32, #tpu.memory_space<vmem>>
      %dma_start3A_200 = arith.constant 0 : i32
      %dma_start3A_201 = tpu.memref_slice %arg5[%dma_start3A_194, %dma_start3A_200] : memref<8x125xi32, #tpu.memory_space<vmem>> -> memref<1x125xi32, #tpu.memory_space<vmem>>
      %dma_start3A_202 = tpu.memref_squeeze %dma_start3A_201 : memref<1x125xi32, #tpu.memory_space<vmem>> -> memref<125xi32, #tpu.memory_space<vmem>>
      %dma_start3A_203 = arith.constant 0 : i32
      %dma_start3A_204 = arith.constant 0 : i32
      %dma_start3A_205 = tpu.memref_slice %arg2[%dma_start3A_203, %dma_start3A_204] : memref<10240x128xf32, #tpu.memory_space<hbm>> -> memref<10240x128xf32, #tpu.memory_space<hbm>>
      tpu.enqueue_indirect_dma source(%dma_start3A_205 : memref<10240x128xf32, #tpu.memory_space<hbm>>) target(%dma_start3A_199 : memref<125x128xf32, #tpu.memory_space<vmem>>) offsets(%dma_start3A_202 : memref<125xi32, #tpu.memory_space<vmem>>) semaphore(%arg10 : memref<!tpu.dma_semaphore, #tpu.memory_space<semaphore_mem>>)
      %dma_start3A_206 = arith.constant 1 : i32
      %dma_start3A_207 = arith.constant 3 : i32
      %dma_start3A_208 = arith.constant 0 : i32
      %dma_start3A_209 = arith.constant 0 : i32
      %dma_start3A_210 = tpu.memref_slice %arg7[%dma_start3A_206, %dma_start3A_208, %dma_start3A_209] : memref<2x125x128xf32, #tpu.memory_space<vmem>> -> memref<1x125x128xf32, #tpu.memory_space<vmem>>
      %dma_start3A_211 = tpu.memref_squeeze %dma_start3A_210 : memref<1x125x128xf32, #tpu.memory_space<vmem>> -> memref<125x128xf32, #tpu.memory_space<vmem>>
      %dma_start3A_212 = arith.constant 0 : i32
      %dma_start3A_213 = tpu.memref_slice %arg6[%dma_start3A_207, %dma_start3A_212] : memref<8x125xi32, #tpu.memory_space<vmem>> -> memref<1x125xi32, #tpu.memory_space<vmem>>
      %dma_start3A_214 = tpu.memref_squeeze %dma_start3A_213 : memref<1x125xi32, #tpu.memory_space<vmem>> -> memref<125xi32, #tpu.memory_space<vmem>>
      %dma_start3A_215 = arith.constant 0 : i32
      %dma_start3A_216 = arith.constant 0 : i32
      %dma_start3A_217 = tpu.memref_slice %arg9[%dma_start3A_215, %dma_start3A_216] : memref<10240x128xf32, #tpu.memory_space<vmem_shared>> -> memref<10240x128xf32, #tpu.memory_space<vmem_shared>>
      tpu.enqueue_indirect_dma source(%dma_start3A_211 : memref<125x128xf32, #tpu.memory_space<vmem>>) target(%dma_start3A_217 : memref<10240x128xf32, #tpu.memory_space<vmem_shared>>) offsets(%dma_start3A_214 : memref<125xi32, #tpu.memory_space<vmem>>) semaphore(%arg11 : memref<!tpu.dma_semaphore, #tpu.memory_space<semaphore_mem>>) {add = true}
      %dma_wait3A_218 = arith.constant 4 : i32
      %dma_wait3A_219 = arith.constant 0 : i32
      %dma_wait3A_220 = arith.constant 0 : i32
      %dma_wait3A_221 = arith.constant 0 : i32
      %dma_wait3A_222 = tpu.memref_slice %arg7[%dma_wait3A_219, %dma_wait3A_220, %dma_wait3A_221] : memref<2x125x128xf32, #tpu.memory_space<vmem>> -> memref<1x125x128xf32, #tpu.memory_space<vmem>>
      %dma_wait3A_223 = tpu.memref_squeeze %dma_wait3A_222 : memref<1x125x128xf32, #tpu.memory_space<vmem>> -> memref<125x128xf32, #tpu.memory_space<vmem>>
      %dma_wait3A_224 = arith.constant 0 : i32
      %dma_wait3A_225 = tpu.memref_slice %arg5[%dma_wait3A_218, %dma_wait3A_224] : memref<8x125xi32, #tpu.memory_space<vmem>> -> memref<1x125xi32, #tpu.memory_space<vmem>>
      %dma_wait3A_226 = tpu.memref_squeeze %dma_wait3A_225 : memref<1x125xi32, #tpu.memory_space<vmem>> -> memref<125xi32, #tpu.memory_space<vmem>>
      %dma_wait3A_227 = arith.constant 0 : i32
      %dma_wait3A_228 = arith.constant 0 : i32
      %dma_wait3A_229 = tpu.memref_slice %arg2[%dma_wait3A_227, %dma_wait3A_228] : memref<10240x128xf32, #tpu.memory_space<hbm>> -> memref<10240x128xf32, #tpu.memory_space<hbm>>
      tpu.wait_indirect_dma semaphore(%arg10 : memref<!tpu.dma_semaphore, #tpu.memory_space<semaphore_mem>>) src(%dma_wait3A_229 : memref<10240x128xf32, #tpu.memory_space<hbm>>) dst(%dma_wait3A_223 : memref<125x128xf32, #tpu.memory_space<vmem>>)
      %dma_wait3A_230 = arith.constant 1 : i32
      %dma_wait3A_231 = arith.constant 3 : i32
      %dma_wait3A_232 = arith.constant 0 : i32
      %dma_wait3A_233 = arith.constant 0 : i32
      %dma_wait3A_234 = tpu.memref_slice %arg7[%dma_wait3A_230, %dma_wait3A_232, %dma_wait3A_233] : memref<2x125x128xf32, #tpu.memory_space<vmem>> -> memref<1x125x128xf32, #tpu.memory_space<vmem>>
      %dma_wait3A_235 = tpu.memref_squeeze %dma_wait3A_234 : memref<1x125x128xf32, #tpu.memory_space<vmem>> -> memref<125x128xf32, #tpu.memory_space<vmem>>
      %dma_wait3A_236 = arith.constant 0 : i32
      %dma_wait3A_237 = tpu.memref_slice %arg6[%dma_wait3A_231, %dma_wait3A_236] : memref<8x125xi32, #tpu.memory_space<vmem>> -> memref<1x125xi32, #tpu.memory_space<vmem>>
      %dma_wait3A_238 = tpu.memref_squeeze %dma_wait3A_237 : memref<1x125xi32, #tpu.memory_space<vmem>> -> memref<125xi32, #tpu.memory_space<vmem>>
      %dma_wait3A_239 = arith.constant 0 : i32
      %dma_wait3A_240 = arith.constant 0 : i32
      %dma_wait3A_241 = tpu.memref_slice %arg9[%dma_wait3A_239, %dma_wait3A_240] : memref<10240x128xf32, #tpu.memory_space<vmem_shared>> -> memref<10240x128xf32, #tpu.memory_space<vmem_shared>>
      tpu.wait_indirect_dma semaphore(%arg11 : memref<!tpu.dma_semaphore, #tpu.memory_space<semaphore_mem>>) src(%dma_wait3A_235 : memref<125x128xf32, #tpu.memory_space<vmem>>) dst(%dma_wait3A_241 : memref<10240x128xf32, #tpu.memory_space<vmem_shared>>)
      %dma_start3A_242 = arith.constant 5 : i32
      %dma_start3A_243 = arith.constant 1 : i32
      %dma_start3A_244 = arith.constant 0 : i32
      %dma_start3A_245 = arith.constant 0 : i32
      %dma_start3A_246 = tpu.memref_slice %arg7[%dma_start3A_243, %dma_start3A_244, %dma_start3A_245] : memref<2x125x128xf32, #tpu.memory_space<vmem>> -> memref<1x125x128xf32, #tpu.memory_space<vmem>>
      %dma_start3A_247 = tpu.memref_squeeze %dma_start3A_246 : memref<1x125x128xf32, #tpu.memory_space<vmem>> -> memref<125x128xf32, #tpu.memory_space<vmem>>
      %dma_start3A_248 = arith.constant 0 : i32
      %dma_start3A_249 = tpu.memref_slice %arg5[%dma_start3A_242, %dma_start3A_248] : memref<8x125xi32, #tpu.memory_space<vmem>> -> memref<1x125xi32, #tpu.memory_space<vmem>>
      %dma_start3A_250 = tpu.memref_squeeze %dma_start3A_249 : memref<1x125xi32, #tpu.memory_space<vmem>> -> memref<125xi32, #tpu.memory_space<vmem>>
      %dma_start3A_251 = arith.constant 0 : i32
      %dma_start3A_252 = arith.constant 0 : i32
      %dma_start3A_253 = tpu.memref_slice %arg2[%dma_start3A_251, %dma_start3A_252] : memref<10240x128xf32, #tpu.memory_space<hbm>> -> memref<10240x128xf32, #tpu.memory_space<hbm>>
      tpu.enqueue_indirect_dma source(%dma_start3A_253 : memref<10240x128xf32, #tpu.memory_space<hbm>>) target(%dma_start3A_247 : memref<125x128xf32, #tpu.memory_space<vmem>>) offsets(%dma_start3A_250 : memref<125xi32, #tpu.memory_space<vmem>>) semaphore(%arg10 : memref<!tpu.dma_semaphore, #tpu.memory_space<semaphore_mem>>)
      %dma_start3A_254 = arith.constant 0 : i32
      %dma_start3A_255 = arith.constant 4 : i32
      %dma_start3A_256 = arith.constant 0 : i32
      %dma_start3A_257 = arith.constant 0 : i32
      %dma_start3A_258 = tpu.memref_slice %arg7[%dma_start3A_254, %dma_start3A_256, %dma_start3A_257] : memref<2x125x128xf32, #tpu.memory_space<vmem>> -> memref<1x125x128xf32, #tpu.memory_space<vmem>>
      %dma_start3A_259 = tpu.memref_squeeze %dma_start3A_258 : memref<1x125x128xf32, #tpu.memory_space<vmem>> -> memref<125x128xf32, #tpu.memory_space<vmem>>
      %dma_start3A_260 = arith.constant 0 : i32
      %dma_start3A_261 = tpu.memref_slice %arg6[%dma_start3A_255, %dma_start3A_260] : memref<8x125xi32, #tpu.memory_space<vmem>> -> memref<1x125xi32, #tpu.memory_space<vmem>>
      %dma_start3A_262 = tpu.memref_squeeze %dma_start3A_261 : memref<1x125xi32, #tpu.memory_space<vmem>> -> memref<125xi32, #tpu.memory_space<vmem>>
      %dma_start3A_263 = arith.constant 0 : i32
      %dma_start3A_264 = arith.constant 0 : i32
      %dma_start3A_265 = tpu.memref_slice %arg9[%dma_start3A_263, %dma_start3A_264] : memref<10240x128xf32, #tpu.memory_space<vmem_shared>> -> memref<10240x128xf32, #tpu.memory_space<vmem_shared>>
      tpu.enqueue_indirect_dma source(%dma_start3A_259 : memref<125x128xf32, #tpu.memory_space<vmem>>) target(%dma_start3A_265 : memref<10240x128xf32, #tpu.memory_space<vmem_shared>>) offsets(%dma_start3A_262 : memref<125xi32, #tpu.memory_space<vmem>>) semaphore(%arg11 : memref<!tpu.dma_semaphore, #tpu.memory_space<semaphore_mem>>) {add = true}
      %dma_wait3A_266 = arith.constant 5 : i32
      %dma_wait3A_267 = arith.constant 1 : i32
      %dma_wait3A_268 = arith.constant 0 : i32
      %dma_wait3A_269 = arith.constant 0 : i32
      %dma_wait3A_270 = tpu.memref_slice %arg7[%dma_wait3A_267, %dma_wait3A_268, %dma_wait3A_269] : memref<2x125x128xf32, #tpu.memory_space<vmem>> -> memref<1x125x128xf32, #tpu.memory_space<vmem>>
      %dma_wait3A_271 = tpu.memref_squeeze %dma_wait3A_270 : memref<1x125x128xf32, #tpu.memory_space<vmem>> -> memref<125x128xf32, #tpu.memory_space<vmem>>
      %dma_wait3A_272 = arith.constant 0 : i32
      %dma_wait3A_273 = tpu.memref_slice %arg5[%dma_wait3A_266, %dma_wait3A_272] : memref<8x125xi32, #tpu.memory_space<vmem>> -> memref<1x125xi32, #tpu.memory_space<vmem>>
      %dma_wait3A_274 = tpu.memref_squeeze %dma_wait3A_273 : memref<1x125xi32, #tpu.memory_space<vmem>> -> memref<125xi32, #tpu.memory_space<vmem>>
      %dma_wait3A_275 = arith.constant 0 : i32
      %dma_wait3A_276 = arith.constant 0 : i32
      %dma_wait3A_277 = tpu.memref_slice %arg2[%dma_wait3A_275, %dma_wait3A_276] : memref<10240x128xf32, #tpu.memory_space<hbm>> -> memref<10240x128xf32, #tpu.memory_space<hbm>>
      tpu.wait_indirect_dma semaphore(%arg10 : memref<!tpu.dma_semaphore, #tpu.memory_space<semaphore_mem>>) src(%dma_wait3A_277 : memref<10240x128xf32, #tpu.memory_space<hbm>>) dst(%dma_wait3A_271 : memref<125x128xf32, #tpu.memory_space<vmem>>)
      %dma_wait3A_278 = arith.constant 0 : i32
      %dma_wait3A_279 = arith.constant 4 : i32
      %dma_wait3A_280 = arith.constant 0 : i32
      %dma_wait3A_281 = arith.constant 0 : i32
      %dma_wait3A_282 = tpu.memref_slice %arg7[%dma_wait3A_278, %dma_wait3A_280, %dma_wait3A_281] : memref<2x125x128xf32, #tpu.memory_space<vmem>> -> memref<1x125x128xf32, #tpu.memory_space<vmem>>
      %dma_wait3A_283 = tpu.memref_squeeze %dma_wait3A_282 : memref<1x125x128xf32, #tpu.memory_space<vmem>> -> memref<125x128xf32, #tpu.memory_space<vmem>>
      %dma_wait3A_284 = arith.constant 0 : i32
      %dma_wait3A_285 = tpu.memref_slice %arg6[%dma_wait3A_279, %dma_wait3A_284] : memref<8x125xi32, #tpu.memory_space<vmem>> -> memref<1x125xi32, #tpu.memory_space<vmem>>
      %dma_wait3A_286 = tpu.memref_squeeze %dma_wait3A_285 : memref<1x125xi32, #tpu.memory_space<vmem>> -> memref<125xi32, #tpu.memory_space<vmem>>
      %dma_wait3A_287 = arith.constant 0 : i32
      %dma_wait3A_288 = arith.constant 0 : i32
      %dma_wait3A_289 = tpu.memref_slice %arg9[%dma_wait3A_287, %dma_wait3A_288] : memref<10240x128xf32, #tpu.memory_space<vmem_shared>> -> memref<10240x128xf32, #tpu.memory_space<vmem_shared>>
      tpu.wait_indirect_dma semaphore(%arg11 : memref<!tpu.dma_semaphore, #tpu.memory_space<semaphore_mem>>) src(%dma_wait3A_283 : memref<125x128xf32, #tpu.memory_space<vmem>>) dst(%dma_wait3A_289 : memref<10240x128xf32, #tpu.memory_space<vmem_shared>>)
      %dma_start3A_290 = arith.constant 6 : i32
      %dma_start3A_291 = arith.constant 0 : i32
      %dma_start3A_292 = arith.constant 0 : i32
      %dma_start3A_293 = arith.constant 0 : i32
      %dma_start3A_294 = tpu.memref_slice %arg7[%dma_start3A_291, %dma_start3A_292, %dma_start3A_293] : memref<2x125x128xf32, #tpu.memory_space<vmem>> -> memref<1x125x128xf32, #tpu.memory_space<vmem>>
      %dma_start3A_295 = tpu.memref_squeeze %dma_start3A_294 : memref<1x125x128xf32, #tpu.memory_space<vmem>> -> memref<125x128xf32, #tpu.memory_space<vmem>>
      %dma_start3A_296 = arith.constant 0 : i32
      %dma_start3A_297 = tpu.memref_slice %arg5[%dma_start3A_290, %dma_start3A_296] : memref<8x125xi32, #tpu.memory_space<vmem>> -> memref<1x125xi32, #tpu.memory_space<vmem>>
      %dma_start3A_298 = tpu.memref_squeeze %dma_start3A_297 : memref<1x125xi32, #tpu.memory_space<vmem>> -> memref<125xi32, #tpu.memory_space<vmem>>
      %dma_start3A_299 = arith.constant 0 : i32
      %dma_start3A_300 = arith.constant 0 : i32
      %dma_start3A_301 = tpu.memref_slice %arg2[%dma_start3A_299, %dma_start3A_300] : memref<10240x128xf32, #tpu.memory_space<hbm>> -> memref<10240x128xf32, #tpu.memory_space<hbm>>
      tpu.enqueue_indirect_dma source(%dma_start3A_301 : memref<10240x128xf32, #tpu.memory_space<hbm>>) target(%dma_start3A_295 : memref<125x128xf32, #tpu.memory_space<vmem>>) offsets(%dma_start3A_298 : memref<125xi32, #tpu.memory_space<vmem>>) semaphore(%arg10 : memref<!tpu.dma_semaphore, #tpu.memory_space<semaphore_mem>>)
      %dma_start3A_302 = arith.constant 1 : i32
      %dma_start3A_303 = arith.constant 5 : i32
      %dma_start3A_304 = arith.constant 0 : i32
      %dma_start3A_305 = arith.constant 0 : i32
      %dma_start3A_306 = tpu.memref_slice %arg7[%dma_start3A_302, %dma_start3A_304, %dma_start3A_305] : memref<2x125x128xf32, #tpu.memory_space<vmem>> -> memref<1x125x128xf32, #tpu.memory_space<vmem>>
      %dma_start3A_307 = tpu.memref_squeeze %dma_start3A_306 : memref<1x125x128xf32, #tpu.memory_space<vmem>> -> memref<125x128xf32, #tpu.memory_space<vmem>>
      %dma_start3A_308 = arith.constant 0 : i32
      %dma_start3A_309 = tpu.memref_slice %arg6[%dma_start3A_303, %dma_start3A_308] : memref<8x125xi32, #tpu.memory_space<vmem>> -> memref<1x125xi32, #tpu.memory_space<vmem>>
      %dma_start3A_310 = tpu.memref_squeeze %dma_start3A_309 : memref<1x125xi32, #tpu.memory_space<vmem>> -> memref<125xi32, #tpu.memory_space<vmem>>
      %dma_start3A_311 = arith.constant 0 : i32
      %dma_start3A_312 = arith.constant 0 : i32
      %dma_start3A_313 = tpu.memref_slice %arg9[%dma_start3A_311, %dma_start3A_312] : memref<10240x128xf32, #tpu.memory_space<vmem_shared>> -> memref<10240x128xf32, #tpu.memory_space<vmem_shared>>
      tpu.enqueue_indirect_dma source(%dma_start3A_307 : memref<125x128xf32, #tpu.memory_space<vmem>>) target(%dma_start3A_313 : memref<10240x128xf32, #tpu.memory_space<vmem_shared>>) offsets(%dma_start3A_310 : memref<125xi32, #tpu.memory_space<vmem>>) semaphore(%arg11 : memref<!tpu.dma_semaphore, #tpu.memory_space<semaphore_mem>>) {add = true}
      %dma_wait3A_314 = arith.constant 6 : i32
      %dma_wait3A_315 = arith.constant 0 : i32
      %dma_wait3A_316 = arith.constant 0 : i32
      %dma_wait3A_317 = arith.constant 0 : i32
      %dma_wait3A_318 = tpu.memref_slice %arg7[%dma_wait3A_315, %dma_wait3A_316, %dma_wait3A_317] : memref<2x125x128xf32, #tpu.memory_space<vmem>> -> memref<1x125x128xf32, #tpu.memory_space<vmem>>
      %dma_wait3A_319 = tpu.memref_squeeze %dma_wait3A_318 : memref<1x125x128xf32, #tpu.memory_space<vmem>> -> memref<125x128xf32, #tpu.memory_space<vmem>>
      %dma_wait3A_320 = arith.constant 0 : i32
      %dma_wait3A_321 = tpu.memref_slice %arg5[%dma_wait3A_314, %dma_wait3A_320] : memref<8x125xi32, #tpu.memory_space<vmem>> -> memref<1x125xi32, #tpu.memory_space<vmem>>
      %dma_wait3A_322 = tpu.memref_squeeze %dma_wait3A_321 : memref<1x125xi32, #tpu.memory_space<vmem>> -> memref<125xi32, #tpu.memory_space<vmem>>
      %dma_wait3A_323 = arith.constant 0 : i32
      %dma_wait3A_324 = arith.constant 0 : i32
      %dma_wait3A_325 = tpu.memref_slice %arg2[%dma_wait3A_323, %dma_wait3A_324] : memref<10240x128xf32, #tpu.memory_space<hbm>> -> memref<10240x128xf32, #tpu.memory_space<hbm>>
      tpu.wait_indirect_dma semaphore(%arg10 : memref<!tpu.dma_semaphore, #tpu.memory_space<semaphore_mem>>) src(%dma_wait3A_325 : memref<10240x128xf32, #tpu.memory_space<hbm>>) dst(%dma_wait3A_319 : memref<125x128xf32, #tpu.memory_space<vmem>>)
      %dma_wait3A_326 = arith.constant 1 : i32
      %dma_wait3A_327 = arith.constant 5 : i32
      %dma_wait3A_328 = arith.constant 0 : i32
      %dma_wait3A_329 = arith.constant 0 : i32
      %dma_wait3A_330 = tpu.memref_slice %arg7[%dma_wait3A_326, %dma_wait3A_328, %dma_wait3A_329] : memref<2x125x128xf32, #tpu.memory_space<vmem>> -> memref<1x125x128xf32, #tpu.memory_space<vmem>>
      %dma_wait3A_331 = tpu.memref_squeeze %dma_wait3A_330 : memref<1x125x128xf32, #tpu.memory_space<vmem>> -> memref<125x128xf32, #tpu.memory_space<vmem>>
      %dma_wait3A_332 = arith.constant 0 : i32
      %dma_wait3A_333 = tpu.memref_slice %arg6[%dma_wait3A_327, %dma_wait3A_332] : memref<8x125xi32, #tpu.memory_space<vmem>> -> memref<1x125xi32, #tpu.memory_space<vmem>>
      %dma_wait3A_334 = tpu.memref_squeeze %dma_wait3A_333 : memref<1x125xi32, #tpu.memory_space<vmem>> -> memref<125xi32, #tpu.memory_space<vmem>>
      %dma_wait3A_335 = arith.constant 0 : i32
      %dma_wait3A_336 = arith.constant 0 : i32
      %dma_wait3A_337 = tpu.memref_slice %arg9[%dma_wait3A_335, %dma_wait3A_336] : memref<10240x128xf32, #tpu.memory_space<vmem_shared>> -> memref<10240x128xf32, #tpu.memory_space<vmem_shared>>
      tpu.wait_indirect_dma semaphore(%arg11 : memref<!tpu.dma_semaphore, #tpu.memory_space<semaphore_mem>>) src(%dma_wait3A_331 : memref<125x128xf32, #tpu.memory_space<vmem>>) dst(%dma_wait3A_337 : memref<10240x128xf32, #tpu.memory_space<vmem_shared>>)
      %dma_start3A_338 = arith.constant 7 : i32
      %dma_start3A_339 = arith.constant 1 : i32
      %dma_start3A_340 = arith.constant 0 : i32
      %dma_start3A_341 = arith.constant 0 : i32
      %dma_start3A_342 = tpu.memref_slice %arg7[%dma_start3A_339, %dma_start3A_340, %dma_start3A_341] : memref<2x125x128xf32, #tpu.memory_space<vmem>> -> memref<1x125x128xf32, #tpu.memory_space<vmem>>
      %dma_start3A_343 = tpu.memref_squeeze %dma_start3A_342 : memref<1x125x128xf32, #tpu.memory_space<vmem>> -> memref<125x128xf32, #tpu.memory_space<vmem>>
      %dma_start3A_344 = arith.constant 0 : i32
      %dma_start3A_345 = tpu.memref_slice %arg5[%dma_start3A_338, %dma_start3A_344] : memref<8x125xi32, #tpu.memory_space<vmem>> -> memref<1x125xi32, #tpu.memory_space<vmem>>
      %dma_start3A_346 = tpu.memref_squeeze %dma_start3A_345 : memref<1x125xi32, #tpu.memory_space<vmem>> -> memref<125xi32, #tpu.memory_space<vmem>>
      %dma_start3A_347 = arith.constant 0 : i32
      %dma_start3A_348 = arith.constant 0 : i32
      %dma_start3A_349 = tpu.memref_slice %arg2[%dma_start3A_347, %dma_start3A_348] : memref<10240x128xf32, #tpu.memory_space<hbm>> -> memref<10240x128xf32, #tpu.memory_space<hbm>>
      tpu.enqueue_indirect_dma source(%dma_start3A_349 : memref<10240x128xf32, #tpu.memory_space<hbm>>) target(%dma_start3A_343 : memref<125x128xf32, #tpu.memory_space<vmem>>) offsets(%dma_start3A_346 : memref<125xi32, #tpu.memory_space<vmem>>) semaphore(%arg10 : memref<!tpu.dma_semaphore, #tpu.memory_space<semaphore_mem>>)
      %dma_start3A_350 = arith.constant 0 : i32
      %dma_start3A_351 = arith.constant 6 : i32
      %dma_start3A_352 = arith.constant 0 : i32
      %dma_start3A_353 = arith.constant 0 : i32
      %dma_start3A_354 = tpu.memref_slice %arg7[%dma_start3A_350, %dma_start3A_352, %dma_start3A_353] : memref<2x125x128xf32, #tpu.memory_space<vmem>> -> memref<1x125x128xf32, #tpu.memory_space<vmem>>
      %dma_start3A_355 = tpu.memref_squeeze %dma_start3A_354 : memref<1x125x128xf32, #tpu.memory_space<vmem>> -> memref<125x128xf32, #tpu.memory_space<vmem>>
      %dma_start3A_356 = arith.constant 0 : i32
      %dma_start3A_357 = tpu.memref_slice %arg6[%dma_start3A_351, %dma_start3A_356] : memref<8x125xi32, #tpu.memory_space<vmem>> -> memref<1x125xi32, #tpu.memory_space<vmem>>
      %dma_start3A_358 = tpu.memref_squeeze %dma_start3A_357 : memref<1x125xi32, #tpu.memory_space<vmem>> -> memref<125xi32, #tpu.memory_space<vmem>>
      %dma_start3A_359 = arith.constant 0 : i32
      %dma_start3A_360 = arith.constant 0 : i32
      %dma_start3A_361 = tpu.memref_slice %arg9[%dma_start3A_359, %dma_start3A_360] : memref<10240x128xf32, #tpu.memory_space<vmem_shared>> -> memref<10240x128xf32, #tpu.memory_space<vmem_shared>>
      tpu.enqueue_indirect_dma source(%dma_start3A_355 : memref<125x128xf32, #tpu.memory_space<vmem>>) target(%dma_start3A_361 : memref<10240x128xf32, #tpu.memory_space<vmem_shared>>) offsets(%dma_start3A_358 : memref<125xi32, #tpu.memory_space<vmem>>) semaphore(%arg11 : memref<!tpu.dma_semaphore, #tpu.memory_space<semaphore_mem>>) {add = true}
      %dma_wait3A_362 = arith.constant 7 : i32
      %dma_wait3A_363 = arith.constant 1 : i32
      %dma_wait3A_364 = arith.constant 0 : i32
      %dma_wait3A_365 = arith.constant 0 : i32
      %dma_wait3A_366 = tpu.memref_slice %arg7[%dma_wait3A_363, %dma_wait3A_364, %dma_wait3A_365] : memref<2x125x128xf32, #tpu.memory_space<vmem>> -> memref<1x125x128xf32, #tpu.memory_space<vmem>>
      %dma_wait3A_367 = tpu.memref_squeeze %dma_wait3A_366 : memref<1x125x128xf32, #tpu.memory_space<vmem>> -> memref<125x128xf32, #tpu.memory_space<vmem>>
      %dma_wait3A_368 = arith.constant 0 : i32
      %dma_wait3A_369 = tpu.memref_slice %arg5[%dma_wait3A_362, %dma_wait3A_368] : memref<8x125xi32, #tpu.memory_space<vmem>> -> memref<1x125xi32, #tpu.memory_space<vmem>>
      %dma_wait3A_370 = tpu.memref_squeeze %dma_wait3A_369 : memref<1x125xi32, #tpu.memory_space<vmem>> -> memref<125xi32, #tpu.memory_space<vmem>>
      %dma_wait3A_371 = arith.constant 0 : i32
      %dma_wait3A_372 = arith.constant 0 : i32
      %dma_wait3A_373 = tpu.memref_slice %arg2[%dma_wait3A_371, %dma_wait3A_372] : memref<10240x128xf32, #tpu.memory_space<hbm>> -> memref<10240x128xf32, #tpu.memory_space<hbm>>
      tpu.wait_indirect_dma semaphore(%arg10 : memref<!tpu.dma_semaphore, #tpu.memory_space<semaphore_mem>>) src(%dma_wait3A_373 : memref<10240x128xf32, #tpu.memory_space<hbm>>) dst(%dma_wait3A_367 : memref<125x128xf32, #tpu.memory_space<vmem>>)
      %dma_wait3A_374 = arith.constant 0 : i32
      %dma_wait3A_375 = arith.constant 6 : i32
      %dma_wait3A_376 = arith.constant 0 : i32
      %dma_wait3A_377 = arith.constant 0 : i32
      %dma_wait3A_378 = tpu.memref_slice %arg7[%dma_wait3A_374, %dma_wait3A_376, %dma_wait3A_377] : memref<2x125x128xf32, #tpu.memory_space<vmem>> -> memref<1x125x128xf32, #tpu.memory_space<vmem>>
      %dma_wait3A_379 = tpu.memref_squeeze %dma_wait3A_378 : memref<1x125x128xf32, #tpu.memory_space<vmem>> -> memref<125x128xf32, #tpu.memory_space<vmem>>
      %dma_wait3A_380 = arith.constant 0 : i32
      %dma_wait3A_381 = tpu.memref_slice %arg6[%dma_wait3A_375, %dma_wait3A_380] : memref<8x125xi32, #tpu.memory_space<vmem>> -> memref<1x125xi32, #tpu.memory_space<vmem>>
      %dma_wait3A_382 = tpu.memref_squeeze %dma_wait3A_381 : memref<1x125xi32, #tpu.memory_space<vmem>> -> memref<125xi32, #tpu.memory_space<vmem>>
      %dma_wait3A_383 = arith.constant 0 : i32
      %dma_wait3A_384 = arith.constant 0 : i32
      %dma_wait3A_385 = tpu.memref_slice %arg9[%dma_wait3A_383, %dma_wait3A_384] : memref<10240x128xf32, #tpu.memory_space<vmem_shared>> -> memref<10240x128xf32, #tpu.memory_space<vmem_shared>>
      tpu.wait_indirect_dma semaphore(%arg11 : memref<!tpu.dma_semaphore, #tpu.memory_space<semaphore_mem>>) src(%dma_wait3A_379 : memref<125x128xf32, #tpu.memory_space<vmem>>) dst(%dma_wait3A_385 : memref<10240x128xf32, #tpu.memory_space<vmem_shared>>)
      %dma_start3A_386 = arith.constant 1 : i32
      %dma_start3A_387 = arith.constant 7 : i32
      %dma_start3A_388 = arith.constant 0 : i32
      %dma_start3A_389 = arith.constant 0 : i32
      %dma_start3A_390 = tpu.memref_slice %arg7[%dma_start3A_386, %dma_start3A_388, %dma_start3A_389] : memref<2x125x128xf32, #tpu.memory_space<vmem>> -> memref<1x125x128xf32, #tpu.memory_space<vmem>>
      %dma_start3A_391 = tpu.memref_squeeze %dma_start3A_390 : memref<1x125x128xf32, #tpu.memory_space<vmem>> -> memref<125x128xf32, #tpu.memory_space<vmem>>
      %dma_start3A_392 = arith.constant 0 : i32
      %dma_start3A_393 = tpu.memref_slice %arg6[%dma_start3A_387, %dma_start3A_392] : memref<8x125xi32, #tpu.memory_space<vmem>> -> memref<1x125xi32, #tpu.memory_space<vmem>>
      %dma_start3A_394 = tpu.memref_squeeze %dma_start3A_393 : memref<1x125xi32, #tpu.memory_space<vmem>> -> memref<125xi32, #tpu.memory_space<vmem>>
      %dma_start3A_395 = arith.constant 0 : i32
      %dma_start3A_396 = arith.constant 0 : i32
      %dma_start3A_397 = tpu.memref_slice %arg9[%dma_start3A_395, %dma_start3A_396] : memref<10240x128xf32, #tpu.memory_space<vmem_shared>> -> memref<10240x128xf32, #tpu.memory_space<vmem_shared>>
      tpu.enqueue_indirect_dma source(%dma_start3A_391 : memref<125x128xf32, #tpu.memory_space<vmem>>) target(%dma_start3A_397 : memref<10240x128xf32, #tpu.memory_space<vmem_shared>>) offsets(%dma_start3A_394 : memref<125xi32, #tpu.memory_space<vmem>>) semaphore(%arg11 : memref<!tpu.dma_semaphore, #tpu.memory_space<semaphore_mem>>) {add = true}
      %dma_wait3A_398 = arith.constant 1 : i32
      %dma_wait3A_399 = arith.constant 7 : i32
      %dma_wait3A_400 = arith.constant 0 : i32
      %dma_wait3A_401 = arith.constant 0 : i32
      %dma_wait3A_402 = tpu.memref_slice %arg7[%dma_wait3A_398, %dma_wait3A_400, %dma_wait3A_401] : memref<2x125x128xf32, #tpu.memory_space<vmem>> -> memref<1x125x128xf32, #tpu.memory_space<vmem>>
      %dma_wait3A_403 = tpu.memref_squeeze %dma_wait3A_402 : memref<1x125x128xf32, #tpu.memory_space<vmem>> -> memref<125x128xf32, #tpu.memory_space<vmem>>
      %dma_wait3A_404 = arith.constant 0 : i32
      %dma_wait3A_405 = tpu.memref_slice %arg6[%dma_wait3A_399, %dma_wait3A_404] : memref<8x125xi32, #tpu.memory_space<vmem>> -> memref<1x125xi32, #tpu.memory_space<vmem>>
      %dma_wait3A_406 = tpu.memref_squeeze %dma_wait3A_405 : memref<1x125xi32, #tpu.memory_space<vmem>> -> memref<125xi32, #tpu.memory_space<vmem>>
      %dma_wait3A_407 = arith.constant 0 : i32
      %dma_wait3A_408 = arith.constant 0 : i32
      %dma_wait3A_409 = tpu.memref_slice %arg9[%dma_wait3A_407, %dma_wait3A_408] : memref<10240x128xf32, #tpu.memory_space<vmem_shared>> -> memref<10240x128xf32, #tpu.memory_space<vmem_shared>>
      tpu.wait_indirect_dma semaphore(%arg11 : memref<!tpu.dma_semaphore, #tpu.memory_space<semaphore_mem>>) src(%dma_wait3A_403 : memref<125x128xf32, #tpu.memory_space<vmem>>) dst(%dma_wait3A_409 : memref<10240x128xf32, #tpu.memory_space<vmem_shared>>)
    }
    %scan3A_19 = arith.constant 10 : i32
    %barrier3A_20 = arith.constant 0 : index
    tpu.barrier barrier_id(%barrier3A_20)
    %mul3A_21 = arith.constant 640 : i32
    %mul3A_22 = arith.muli %arg1, %mul3A_21 : i32
    "tpu.region"() ({
      %run_scoped3A = tpu.sem_alloc : memref<!tpu.dma_semaphore, #tpu.memory_space<semaphore_mem>>
      %dma_start3A = arith.constant 0 : i32
      %dma_start3A_23 = tpu.memref_slice %arg4[%arg0, %mul3A_22, %dma_start3A] : memref<2x10240x128xf32, #tpu.memory_space<hbm>> -> memref<1x640x128xf32, #tpu.memory_space<hbm>>
      %dma_start3A_24 = tpu.memref_squeeze %dma_start3A_23 : memref<1x640x128xf32, #tpu.memory_space<hbm>> -> memref<640x128xf32, #tpu.memory_space<hbm>>
      %dma_start3A_25 = arith.constant 0 : i32
      %dma_start3A_26 = tpu.memref_slice %arg9[%mul3A_22, %dma_start3A_25] : memref<10240x128xf32, #tpu.memory_space<vmem_shared>> -> memref<640x128xf32, #tpu.memory_space<vmem_shared>>
      tpu.enqueue_dma source(%dma_start3A_26 : memref<640x128xf32, #tpu.memory_space<vmem_shared>>) target(%dma_start3A_24 : memref<640x128xf32, #tpu.memory_space<hbm>>) target_semaphore(%run_scoped3A : memref<!tpu.dma_semaphore, #tpu.memory_space<semaphore_mem>>)
      %dma_wait3A = arith.constant 0 : i32
      %dma_wait3A_27 = tpu.memref_slice %arg4[%arg0, %mul3A_22, %dma_wait3A] : memref<2x10240x128xf32, #tpu.memory_space<hbm>> -> memref<1x640x128xf32, #tpu.memory_space<hbm>>
      %dma_wait3A_28 = tpu.memref_squeeze %dma_wait3A_27 : memref<1x640x128xf32, #tpu.memory_space<hbm>> -> memref<640x128xf32, #tpu.memory_space<hbm>>
      %dma_wait3A_29 = arith.constant 0 : i32
      %dma_wait3A_30 = tpu.memref_slice %arg9[%mul3A_22, %dma_wait3A_29] : memref<10240x128xf32, #tpu.memory_space<vmem_shared>> -> memref<640x128xf32, #tpu.memory_space<vmem_shared>>
      tpu.wait_dma2 semaphore(%run_scoped3A : memref<!tpu.dma_semaphore, #tpu.memory_space<semaphore_mem>>) src(%dma_wait3A_30 : memref<640x128xf32, #tpu.memory_space<vmem_shared>>) dst(%dma_wait3A_28 : memref<640x128xf32, #tpu.memory_space<hbm>>)
      tpu.yield
    }) : () -> ()
    return
  }
}

#map = affine_map<(d0, d1) -> (0, 0)>
#map1 = affine_map<(d0, d1) -> (0, 0, 0)>
module attributes {stable_mosaic.version = 14 : i64} {
  func.func @body(%arg0: i32, %arg1: i32, %arg2: memref<10240x128xf32, #tpu.memory_space<hbm>>, %arg3: memref<2x2560x125xi32, #tpu.memory_space<hbm>>, %arg4: memref<2x10240x128xf32, #tpu.memory_space<hbm>>, %arg5: memref<8x125xi32, #tpu.memory_space<vmem>>, %arg6: memref<8x125xi32, #tpu.memory_space<vmem>>, %arg7: memref<2x125x128xf32, #tpu.memory_space<vmem>>, %arg8: memref<40x128xf32, #tpu.memory_space<vmem>>, %arg9: memref<10240x128xf32, #tpu.memory_space<vmem_shared>>, %arg10: memref<!tpu.dma_semaphore, #tpu.memory_space<semaphore_mem>>, %arg11: memref<!tpu.dma_semaphore, #tpu.memory_space<semaphore_mem>>) attributes {dimension_semantics = [#tpu.dimension_semantics<core_parallel>, #tpu.dimension_semantics<subcore_parallel>], iteration_bounds = array<i64: 2, 16>, scalar_prefetch = 0 : i64, scratch_operands = 7 : i64, tpu.core_type = #tpu.core_type<sc_vector_subcore>, window_params = [{transform_indices = #map}, {transform_indices = #map1}, {transform_indices = #map1}]} {
    %scan3A = arith.constant 0 : i32
    %scan3A_0 = arith.constant 0 : i32
    %scan3A_1 = arith.constant 320 : i32
    %scan3A_2 = arith.addi %scan3A_0, %scan3A_1 : i32
    %scan3A_3 = arith.constant 1 : i32
    scf.for %scan3A_23 = %scan3A_0 to %scan3A_2 step %scan3A_3  : i32 {
      %jit3A = arith.constant 8 : i32
      %div3A = arith.divsi %scan3A_23, %jit3A : i32
      %sign3A = arith.constant 0 : i32
      %sign3A_24 = arith.cmpi sgt, %scan3A_23, %sign3A : i32
      %sign3A_25 = arith.extui %sign3A_24 : i1 to i32
      %sign3A_26 = arith.constant 0 : i32
      %sign3A_27 = arith.cmpi slt, %scan3A_23, %sign3A_26 : i32
      %sign3A_28 = arith.extui %sign3A_27 : i1 to i32
      %sign3A_29 = arith.subi %sign3A_25, %sign3A_28 : i32
      %sign3A_30 = arith.constant 0 : i32
      %sign3A_31 = arith.cmpi sgt, %jit3A, %sign3A_30 : i32
      %sign3A_32 = arith.extui %sign3A_31 : i1 to i32
      %sign3A_33 = arith.constant 0 : i32
      %sign3A_34 = arith.cmpi slt, %jit3A, %sign3A_33 : i32
      %sign3A_35 = arith.extui %sign3A_34 : i1 to i32
      %sign3A_36 = arith.subi %sign3A_32, %sign3A_35 : i32
      %ne3A = arith.cmpi ne, %sign3A_29, %sign3A_36 : i32
      %rem3A = arith.remsi %scan3A_23, %jit3A : i32
      %ne3A_37 = arith.constant 0 : i32
      %ne3A_38 = arith.cmpi ne, %rem3A, %ne3A_37 : i32
      %and3A = arith.andi %ne3A, %ne3A_38 : i1
      %sub3A = arith.constant 1 : i32
      %sub3A_39 = arith.subi %div3A, %sub3A : i32
      %select_n3A = arith.select %and3A, %sub3A_39, %div3A : i32
      %jit3A_40 = arith.constant 8 : i32
      %eq3A = arith.constant 0 : i32
      %eq3A_41 = arith.cmpi eq, %jit3A_40, %eq3A : i32
      %jit3A_42 = arith.constant 1 : i32
      %select_n3A_43 = arith.select %eq3A_41, %jit3A_42, %jit3A_40 : i32
      %rem3A_44 = arith.remsi %scan3A_23, %select_n3A_43 : i32
      %ne3A_45 = arith.constant 0 : i32
      %ne3A_46 = arith.cmpi ne, %rem3A_44, %ne3A_45 : i32
      %lt3A = arith.constant 0 : i32
      %lt3A_47 = arith.cmpi slt, %rem3A_44, %lt3A : i32
      %lt3A_48 = arith.constant 0 : i32
      %lt3A_49 = arith.cmpi slt, %select_n3A_43, %lt3A_48 : i32
      %ne3A_50 = arith.xori %lt3A_47, %lt3A_49 : i1
      %and3A_51 = arith.andi %ne3A_50, %ne3A_46 : i1
      %add3A_52 = arith.addi %rem3A_44, %select_n3A_43 : i32
      %select_n3A_53 = arith.select %and3A_51, %add3A_52, %rem3A_44 : i32
      %mul3A_54 = arith.constant 16 : i32
      %mul3A_55 = arith.muli %select_n3A_53, %mul3A_54 : i32
      %broadcast_in_dim3A = arith.constant 0.000000e+00 : f32
      %broadcast_in_dim3A_56 = vector.broadcast %broadcast_in_dim3A : f32 to vector<16xf32>
      %swap3A = arith.index_cast %select_n3A : i32 to index
      %swap3A_57 = arith.index_cast %mul3A_55 : i32 to index
      %swap3A_58 = tpu.vector_load %arg8[%swap3A, %swap3A_57] {strides = array<i32>} : memref<40x128xf32, #tpu.memory_space<vmem>>, vector<1x16xf32>,
      %swap3A_59 = vector.shape_cast %swap3A_58 : vector<1x16xf32> to vector<16xf32>
      %swap3A_60 = vector.shape_cast %broadcast_in_dim3A_56 : vector<16xf32> to vector<1x16xf32>
      tpu.vector_store %arg8[%swap3A, %swap3A_57], %swap3A_60 {strides = array<i32>} : memref<40x128xf32, #tpu.memory_space<vmem>>, vector<1x16xf32>,
    }
    %scan3A_4 = arith.constant 320 : i32
    %scan3A_5 = arith.constant 0 : i32
    %scan3A_6 = arith.constant 0 : i32
    %scan3A_7 = arith.constant 16 : i32
    %scan3A_8 = arith.addi %scan3A_6, %scan3A_7 : i32
    %scan3A_9 = arith.constant 1 : i32
    scf.for %scan3A_23 = %scan3A_6 to %scan3A_8 step %scan3A_9  : i32 {
      %mul3A_24 = arith.constant 640 : i32
      %mul3A_25 = arith.muli %arg1, %mul3A_24 : i32
      %mul3A_26 = arith.constant 40 : i32
      %mul3A_27 = arith.muli %scan3A_23, %mul3A_26 : i32
      %add3A_28 = arith.addi %mul3A_25, %mul3A_27 : i32
      "tpu.region"() ({
        %run_scoped3A = tpu.sem_alloc : memref<!tpu.dma_semaphore, #tpu.memory_space<semaphore_mem>>
        %dma_start3A = arith.constant 0 : i32
        %dma_start3A_29 = tpu.memref_slice %arg9[%add3A_28, %dma_start3A] : memref<10240x128xf32, #tpu.memory_space<vmem_shared>> -> memref<40x128xf32, #tpu.memory_space<vmem_shared>>
        %dma_start3A_30 = arith.constant 0 : i32
        %dma_start3A_31 = tpu.memref_slice %arg9[%add3A_28, %dma_start3A_30] : memref<10240x128xf32, #tpu.memory_space<vmem_shared>> -> memref<40x128xf32, #tpu.memory_space<vmem_shared>>
        tpu.enqueue_dma source(%arg8 : memref<40x128xf32, #tpu.memory_space<vmem>>) target(%dma_start3A_31 : memref<40x128xf32, #tpu.memory_space<vmem_shared>>) target_semaphore(%run_scoped3A : memref<!tpu.dma_semaphore, #tpu.memory_space<semaphore_mem>>)
        %dma_wait3A = arith.constant 0 : i32
        %dma_wait3A_32 = tpu.memref_slice %arg9[%add3A_28, %dma_wait3A] : memref<10240x128xf32, #tpu.memory_space<vmem_shared>> -> memref<40x128xf32, #tpu.memory_space<vmem_shared>>
        %dma_wait3A_33 = arith.constant 0 : i32
        %dma_wait3A_34 = tpu.memref_slice %arg9[%add3A_28, %dma_wait3A_33] : memref<10240x128xf32, #tpu.memory_space<vmem_shared>> -> memref<40x128xf32, #tpu.memory_space<vmem_shared>>
        tpu.wait_dma2 semaphore(%run_scoped3A : memref<!tpu.dma_semaphore, #tpu.memory_space<semaphore_mem>>) src(%arg8 : memref<40x128xf32, #tpu.memory_space<vmem>>) dst(%dma_wait3A_34 : memref<40x128xf32, #tpu.memory_space<vmem_shared>>)
        tpu.yield
      }) : () -> ()
    }
    %scan3A_10 = arith.constant 16 : i32
    %barrier3A = arith.constant 0 : index
    tpu.barrier barrier_id(%barrier3A)
    %mul3A = arith.constant 16 : i32
    %mul3A_11 = arith.muli %arg0, %mul3A : i32
    %add3A = arith.addi %mul3A_11, %arg1 : i32
    %mul3A_12 = arith.constant 10 : i32
    %mul3A_13 = arith.muli %add3A, %mul3A_12 : i32
    %scan3A_14 = arith.constant 0 : i32
    %scan3A_15 = arith.constant 0 : i32
    %scan3A_16 = arith.constant 10 : i32
    %scan3A_17 = arith.addi %scan3A_15, %scan3A_16 : i32
    %scan3A_18 = arith.constant 1 : i32
    scf.for %scan3A_23 = %scan3A_15 to %scan3A_17 step %scan3A_18  : i32 {
      %add3A_24 = arith.addi %mul3A_13, %scan3A_23 : i32
      %mul3A_25 = arith.constant 8 : i32
      %mul3A_26 = arith.muli %add3A_24, %mul3A_25 : i32
      %run_scoped3A = arith.constant 0 : i32
      "tpu.region"() ({
        %run_scoped3A_410 = tpu.sem_alloc : memref<!tpu.dma_semaphore, #tpu.memory_space<semaphore_mem>>
        %dma_start3A_411 = arith.constant 0 : i32
        %dma_start3A_412 = tpu.memref_slice %arg3[%run_scoped3A, %mul3A_26, %dma_start3A_411] : memref<2x2560x125xi32, #tpu.memory_space<hbm>> -> memref<1x8x125xi32, #tpu.memory_space<hbm>>
        %dma_start3A_413 = tpu.memref_squeeze %dma_start3A_412 : memref<1x8x125xi32, #tpu.memory_space<hbm>> -> memref<8x125xi32, #tpu.memory_space<hbm>>
        %dma_start3A_414 = arith.constant 0 : i32
        %dma_start3A_415 = tpu.memref_slice %arg3[%run_scoped3A, %mul3A_26, %dma_start3A_414] : memref<2x2560x125xi32, #tpu.memory_space<hbm>> -> memref<1x8x125xi32, #tpu.memory_space<hbm>>
        %dma_start3A_416 = tpu.memref_squeeze %dma_start3A_415 : memref<1x8x125xi32, #tpu.memory_space<hbm>> -> memref<8x125xi32, #tpu.memory_space<hbm>>
        tpu.enqueue_dma source(%dma_start3A_416 : memref<8x125xi32, #tpu.memory_space<hbm>>) target(%arg5 : memref<8x125xi32, #tpu.memory_space<vmem>>) target_semaphore(%run_scoped3A_410 : memref<!tpu.dma_semaphore, #tpu.memory_space<semaphore_mem>>)
        %dma_wait3A_417 = arith.constant 0 : i32
        %dma_wait3A_418 = tpu.memref_slice %arg3[%run_scoped3A, %mul3A_26, %dma_wait3A_417] : memref<2x2560x125xi32, #tpu.memory_space<hbm>> -> memref<1x8x125xi32, #tpu.memory_space<hbm>>
        %dma_wait3A_419 = tpu.memref_squeeze %dma_wait3A_418 : memref<1x8x125xi32, #tpu.memory_space<hbm>> -> memref<8x125xi32, #tpu.memory_space<hbm>>
        %dma_wait3A_420 = arith.constant 0 : i32
        %dma_wait3A_421 = tpu.memref_slice %arg3[%run_scoped3A, %mul3A_26, %dma_wait3A_420] : memref<2x2560x125xi32, #tpu.memory_space<hbm>> -> memref<1x8x125xi32, #tpu.memory_space<hbm>>
        %dma_wait3A_422 = tpu.memref_squeeze %dma_wait3A_421 : memref<1x8x125xi32, #tpu.memory_space<hbm>> -> memref<8x125xi32, #tpu.memory_space<hbm>>
        tpu.wait_dma2 semaphore(%run_scoped3A_410 : memref<!tpu.dma_semaphore, #tpu.memory_space<semaphore_mem>>) src(%dma_wait3A_422 : memref<8x125xi32, #tpu.memory_space<hbm>>) dst(%arg5 : memref<8x125xi32, #tpu.memory_space<vmem>>)
        tpu.yield
      }) : () -> ()
      %run_scoped3A_27 = arith.constant 1 : i32
      "tpu.region"() ({
        %run_scoped3A_410 = tpu.sem_alloc : memref<!tpu.dma_semaphore, #tpu.memory_space<semaphore_mem>>
        %dma_start3A_411 = arith.constant 0 : i32
        %dma_start3A_412 = tpu.memref_slice %arg3[%run_scoped3A_27, %mul3A_26, %dma_start3A_411] : memref<2x2560x125xi32, #tpu.memory_space<hbm>> -> memref<1x8x125xi32, #tpu.memory_space<hbm>>
        %dma_start3A_413 = tpu.memref_squeeze %dma_start3A_412 : memref<1x8x125xi32, #tpu.memory_space<hbm>> -> memref<8x125xi32, #tpu.memory_space<hbm>>
        %dma_start3A_414 = arith.constant 0 : i32
        %dma_start3A_415 = tpu.memref_slice %arg3[%run_scoped3A_27, %mul3A_26, %dma_start3A_414] : memref<2x2560x125xi32, #tpu.memory_space<hbm>> -> memref<1x8x125xi32, #tpu.memory_space<hbm>>
        %dma_start3A_416 = tpu.memref_squeeze %dma_start3A_415 : memref<1x8x125xi32, #tpu.memory_space<hbm>> -> memref<8x125xi32, #tpu.memory_space<hbm>>
        tpu.enqueue_dma source(%dma_start3A_416 : memref<8x125xi32, #tpu.memory_space<hbm>>) target(%arg6 : memref<8x125xi32, #tpu.memory_space<vmem>>) target_semaphore(%run_scoped3A_410 : memref<!tpu.dma_semaphore, #tpu.memory_space<semaphore_mem>>)
        %dma_wait3A_417 = arith.constant 0 : i32
        %dma_wait3A_418 = tpu.memref_slice %arg3[%run_scoped3A_27, %mul3A_26, %dma_wait3A_417] : memref<2x2560x125xi32, #tpu.memory_space<hbm>> -> memref<1x8x125xi32, #tpu.memory_space<hbm>>
        %dma_wait3A_419 = tpu.memref_squeeze %dma_wait3A_418 : memref<1x8x125xi32, #tpu.memory_space<hbm>> -> memref<8x125xi32, #tpu.memory_space<hbm>>
        %dma_wait3A_420 = arith.constant 0 : i32
        %dma_wait3A_421 = tpu.memref_slice %arg3[%run_scoped3A_27, %mul3A_26, %dma_wait3A_420] : memref<2x2560x125xi32, #tpu.memory_space<hbm>> -> memref<1x8x125xi32, #tpu.memory_space<hbm>>
        %dma_wait3A_422 = tpu.memref_squeeze %dma_wait3A_421 : memref<1x8x125xi32, #tpu.memory_space<hbm>> -> memref<8x125xi32, #tpu.memory_space<hbm>>
        tpu.wait_dma2 semaphore(%run_scoped3A_410 : memref<!tpu.dma_semaphore, #tpu.memory_space<semaphore_mem>>) src(%dma_wait3A_422 : memref<8x125xi32, #tpu.memory_space<hbm>>) dst(%arg6 : memref<8x125xi32, #tpu.memory_space<vmem>>)
        tpu.yield
      }) : () -> ()
      %dma_start3A = arith.constant 0 : i32
      %dma_start3A_28 = arith.constant 0 : i32
      %dma_start3A_29 = arith.constant 0 : i32
      %dma_start3A_30 = arith.constant 0 : i32
      %dma_start3A_31 = tpu.memref_slice %arg7[%dma_start3A_28, %dma_start3A_29, %dma_start3A_30] : memref<2x125x128xf32, #tpu.memory_space<vmem>> -> memref<1x125x128xf32, #tpu.memory_space<vmem>>
      %dma_start3A_32 = tpu.memref_squeeze %dma_start3A_31 : memref<1x125x128xf32, #tpu.memory_space<vmem>> -> memref<125x128xf32, #tpu.memory_space<vmem>>
      %dma_start3A_33 = arith.constant 0 : i32
      %dma_start3A_34 = tpu.memref_slice %arg5[%dma_start3A, %dma_start3A_33] : memref<8x125xi32, #tpu.memory_space<vmem>> -> memref<1x125xi32, #tpu.memory_space<vmem>>
      %dma_start3A_35 = tpu.memref_squeeze %dma_start3A_34 : memref<1x125xi32, #tpu.memory_space<vmem>> -> memref<125xi32, #tpu.memory_space<vmem>>
      %dma_start3A_36 = arith.constant 0 : i32
      %dma_start3A_37 = arith.constant 0 : i32
      %dma_start3A_38 = tpu.memref_slice %arg2[%dma_start3A_36, %dma_start3A_37] : memref<10240x128xf32, #tpu.memory_space<hbm>> -> memref<10240x128xf32, #tpu.memory_space<hbm>>
      tpu.enqueue_indirect_dma source(%dma_start3A_38 : memref<10240x128xf32, #tpu.memory_space<hbm>>) target(%dma_start3A_32 : memref<125x128xf32, #tpu.memory_space<vmem>>) offsets(%dma_start3A_35 : memref<125xi32, #tpu.memory_space<vmem>>) semaphore(%arg10 : memref<!tpu.dma_semaphore, #tpu.memory_space<semaphore_mem>>)
      %dma_wait3A = arith.constant 0 : i32
      %dma_wait3A_39 = arith.constant 0 : i32
      %dma_wait3A_40 = arith.constant 0 : i32
      %dma_wait3A_41 = arith.constant 0 : i32
      %dma_wait3A_42 = tpu.memref_slice %arg7[%dma_wait3A_39, %dma_wait3A_40, %dma_wait3A_41] : memref<2x125x128xf32, #tpu.memory_space<vmem>> -> memref<1x125x128xf32, #tpu.memory_space<vmem>>
      %dma_wait3A_43 = tpu.memref_squeeze %dma_wait3A_42 : memref<1x125x128xf32, #tpu.memory_space<vmem>> -> memref<125x128xf32, #tpu.memory_space<vmem>>
      %dma_wait3A_44 = arith.constant 0 : i32
      %dma_wait3A_45 = tpu.memref_slice %arg5[%dma_wait3A, %dma_wait3A_44] : memref<8x125xi32, #tpu.memory_space<vmem>> -> memref<1x125xi32, #tpu.memory_space<vmem>>
      %dma_wait3A_46 = tpu.memref_squeeze %dma_wait3A_45 : memref<1x125xi32, #tpu.memory_space<vmem>> -> memref<125xi32, #tpu.memory_space<vmem>>
      %dma_wait3A_47 = arith.constant 0 : i32
      %dma_wait3A_48 = arith.constant 0 : i32
      %dma_wait3A_49 = tpu.memref_slice %arg2[%dma_wait3A_47, %dma_wait3A_48] : memref<10240x128xf32, #tpu.memory_space<hbm>> -> memref<10240x128xf32, #tpu.memory_space<hbm>>
      tpu.wait_indirect_dma semaphore(%arg10 : memref<!tpu.dma_semaphore, #tpu.memory_space<semaphore_mem>>) src(%dma_wait3A_49 : memref<10240x128xf32, #tpu.memory_space<hbm>>) dst(%dma_wait3A_43 : memref<125x128xf32, #tpu.memory_space<vmem>>)
      %dma_start3A_50 = arith.constant 1 : i32
      %dma_start3A_51 = arith.constant 1 : i32
      %dma_start3A_52 = arith.constant 0 : i32
      %dma_start3A_53 = arith.constant 0 : i32
      %dma_start3A_54 = tpu.memref_slice %arg7[%dma_start3A_51, %dma_start3A_52, %dma_start3A_53] : memref<2x125x128xf32, #tpu.memory_space<vmem>> -> memref<1x125x128xf32, #tpu.memory_space<vmem>>
      %dma_start3A_55 = tpu.memref_squeeze %dma_start3A_54 : memref<1x125x128xf32, #tpu.memory_space<vmem>> -> memref<125x128xf32, #tpu.memory_space<vmem>>
      %dma_start3A_56 = arith.constant 0 : i32
      %dma_start3A_57 = tpu.memref_slice %arg5[%dma_start3A_50, %dma_start3A_56] : memref<8x125xi32, #tpu.memory_space<vmem>> -> memref<1x125xi32, #tpu.memory_space<vmem>>
      %dma_start3A_58 = tpu.memref_squeeze %dma_start3A_57 : memref<1x125xi32, #tpu.memory_space<vmem>> -> memref<125xi32, #tpu.memory_space<vmem>>
      %dma_start3A_59 = arith.constant 0 : i32
      %dma_start3A_60 = arith.constant 0 : i32
      %dma_start3A_61 = tpu.memref_slice %arg2[%dma_start3A_59, %dma_start3A_60] : memref<10240x128xf32, #tpu.memory_space<hbm>> -> memref<10240x128xf32, #tpu.memory_space<hbm>>
      tpu.enqueue_indirect_dma source(%dma_start3A_61 : memref<10240x128xf32, #tpu.memory_space<hbm>>) target(%dma_start3A_55 : memref<125x128xf32, #tpu.memory_space<vmem>>) offsets(%dma_start3A_58 : memref<125xi32, #tpu.memory_space<vmem>>) semaphore(%arg10 : memref<!tpu.dma_semaphore, #tpu.memory_space<semaphore_mem>>)
      %dma_start3A_62 = arith.constant 0 : i32
      %dma_start3A_63 = arith.constant 0 : i32
      %dma_start3A_64 = arith.constant 0 : i32
      %dma_start3A_65 = arith.constant 0 : i32
      %dma_start3A_66 = tpu.memref_slice %arg7[%dma_start3A_62, %dma_start3A_64, %dma_start3A_65] : memref<2x125x128xf32, #tpu.memory_space<vmem>> -> memref<1x125x128xf32, #tpu.memory_space<vmem>>
      %dma_start3A_67 = tpu.memref_squeeze %dma_start3A_66 : memref<1x125x128xf32, #tpu.memory_space<vmem>> -> memref<125x128xf32, #tpu.memory_space<vmem>>
      %dma_start3A_68 = arith.constant 0 : i32
      %dma_start3A_69 = tpu.memref_slice %arg6[%dma_start3A_63, %dma_start3A_68] : memref<8x125xi32, #tpu.memory_space<vmem>> -> memref<1x125xi32, #tpu.memory_space<vmem>>
      %dma_start3A_70 = tpu.memref_squeeze %dma_start3A_69 : memref<1x125xi32, #tpu.memory_space<vmem>> -> memref<125xi32, #tpu.memory_space<vmem>>
      %dma_start3A_71 = arith.constant 0 : i32
      %dma_start3A_72 = arith.constant 0 : i32
      %dma_start3A_73 = tpu.memref_slice %arg9[%dma_start3A_71, %dma_start3A_72] : memref<10240x128xf32, #tpu.memory_space<vmem_shared>> -> memref<10240x128xf32, #tpu.memory_space<vmem_shared>>
      tpu.enqueue_indirect_dma source(%dma_start3A_67 : memref<125x128xf32, #tpu.memory_space<vmem>>) target(%dma_start3A_73 : memref<10240x128xf32, #tpu.memory_space<vmem_shared>>) offsets(%dma_start3A_70 : memref<125xi32, #tpu.memory_space<vmem>>) semaphore(%arg11 : memref<!tpu.dma_semaphore, #tpu.memory_space<semaphore_mem>>) {add = true}
      %dma_wait3A_74 = arith.constant 1 : i32
      %dma_wait3A_75 = arith.constant 1 : i32
      %dma_wait3A_76 = arith.constant 0 : i32
      %dma_wait3A_77 = arith.constant 0 : i32
      %dma_wait3A_78 = tpu.memref_slice %arg7[%dma_wait3A_75, %dma_wait3A_76, %dma_wait3A_77] : memref<2x125x128xf32, #tpu.memory_space<vmem>> -> memref<1x125x128xf32, #tpu.memory_space<vmem>>
      %dma_wait3A_79 = tpu.memref_squeeze %dma_wait3A_78 : memref<1x125x128xf32, #tpu.memory_space<vmem>> -> memref<125x128xf32, #tpu.memory_space<vmem>>
      %dma_wait3A_80 = arith.constant 0 : i32
      %dma_wait3A_81 = tpu.memref_slice %arg5[%dma_wait3A_74, %dma_wait3A_80] : memref<8x125xi32, #tpu.memory_space<vmem>> -> memref<1x125xi32, #tpu.memory_space<vmem>>
      %dma_wait3A_82 = tpu.memref_squeeze %dma_wait3A_81 : memref<1x125xi32, #tpu.memory_space<vmem>> -> memref<125xi32, #tpu.memory_space<vmem>>
      %dma_wait3A_83 = arith.constant 0 : i32
      %dma_wait3A_84 = arith.constant 0 : i32
      %dma_wait3A_85 = tpu.memref_slice %arg2[%dma_wait3A_83, %dma_wait3A_84] : memref<10240x128xf32, #tpu.memory_space<hbm>> -> memref<10240x128xf32, #tpu.memory_space<hbm>>
      tpu.wait_indirect_dma semaphore(%arg10 : memref<!tpu.dma_semaphore, #tpu.memory_space<semaphore_mem>>) src(%dma_wait3A_85 : memref<10240x128xf32, #tpu.memory_space<hbm>>) dst(%dma_wait3A_79 : memref<125x128xf32, #tpu.memory_space<vmem>>)
      %dma_wait3A_86 = arith.constant 0 : i32
      %dma_wait3A_87 = arith.constant 0 : i32
      %dma_wait3A_88 = arith.constant 0 : i32
      %dma_wait3A_89 = arith.constant 0 : i32
      %dma_wait3A_90 = tpu.memref_slice %arg7[%dma_wait3A_86, %dma_wait3A_88, %dma_wait3A_89] : memref<2x125x128xf32, #tpu.memory_space<vmem>> -> memref<1x125x128xf32, #tpu.memory_space<vmem>>
      %dma_wait3A_91 = tpu.memref_squeeze %dma_wait3A_90 : memref<1x125x128xf32, #tpu.memory_space<vmem>> -> memref<125x128xf32, #tpu.memory_space<vmem>>
      %dma_wait3A_92 = arith.constant 0 : i32
      %dma_wait3A_93 = tpu.memref_slice %arg6[%dma_wait3A_87, %dma_wait3A_92] : memref<8x125xi32, #tpu.memory_space<vmem>> -> memref<1x125xi32, #tpu.memory_space<vmem>>
      %dma_wait3A_94 = tpu.memref_squeeze %dma_wait3A_93 : memref<1x125xi32, #tpu.memory_space<vmem>> -> memref<125xi32, #tpu.memory_space<vmem>>
      %dma_wait3A_95 = arith.constant 0 : i32
      %dma_wait3A_96 = arith.constant 0 : i32
      %dma_wait3A_97 = tpu.memref_slice %arg9[%dma_wait3A_95, %dma_wait3A_96] : memref<10240x128xf32, #tpu.memory_space<vmem_shared>> -> memref<10240x128xf32, #tpu.memory_space<vmem_shared>>
      tpu.wait_indirect_dma semaphore(%arg11 : memref<!tpu.dma_semaphore, #tpu.memory_space<semaphore_mem>>) src(%dma_wait3A_91 : memref<125x128xf32, #tpu.memory_space<vmem>>) dst(%dma_wait3A_97 : memref<10240x128xf32, #tpu.memory_space<vmem_shared>>)
      %dma_start3A_98 = arith.constant 2 : i32
      %dma_start3A_99 = arith.constant 0 : i32
      %dma_start3A_100 = arith.constant 0 : i32
      %dma_start3A_101 = arith.constant 0 : i32
      %dma_start3A_102 = tpu.memref_slice %arg7[%dma_start3A_99, %dma_start3A_100, %dma_start3A_101] : memref<2x125x128xf32, #tpu.memory_space<vmem>> -> memref<1x125x128xf32, #tpu.memory_space<vmem>>
      %dma_start3A_103 = tpu.memref_squeeze %dma_start3A_102 : memref<1x125x128xf32, #tpu.memory_space<vmem>> -> memref<125x128xf32, #tpu.memory_space<vmem>>
      %dma_start3A_104 = arith.constant 0 : i32
      %dma_start3A_105 = tpu.memref_slice %arg5[%dma_start3A_98, %dma_start3A_104] : memref<8x125xi32, #tpu.memory_space<vmem>> -> memref<1x125xi32, #tpu.memory_space<vmem>>
      %dma_start3A_106 = tpu.memref_squeeze %dma_start3A_105 : memref<1x125xi32, #tpu.memory_space<vmem>> -> memref<125xi32, #tpu.memory_space<vmem>>
      %dma_start3A_107 = arith.constant 0 : i32
      %dma_start3A_108 = arith.constant 0 : i32
      %dma_start3A_109 = tpu.memref_slice %arg2[%dma_start3A_107, %dma_start3A_108] : memref<10240x128xf32, #tpu.memory_space<hbm>> -> memref<10240x128xf32, #tpu.memory_space<hbm>>
      tpu.enqueue_indirect_dma source(%dma_start3A_109 : memref<10240x128xf32, #tpu.memory_space<hbm>>) target(%dma_start3A_103 : memref<125x128xf32, #tpu.memory_space<vmem>>) offsets(%dma_start3A_106 : memref<125xi32, #tpu.memory_space<vmem>>) semaphore(%arg10 : memref<!tpu.dma_semaphore, #tpu.memory_space<semaphore_mem>>)
      %dma_start3A_110 = arith.constant 1 : i32
      %dma_start3A_111 = arith.constant 1 : i32
      %dma_start3A_112 = arith.constant 0 : i32
      %dma_start3A_113 = arith.constant 0 : i32
      %dma_start3A_114 = tpu.memref_slice %arg7[%dma_start3A_110, %dma_start3A_112, %dma_start3A_113] : memref<2x125x128xf32, #tpu.memory_space<vmem>> -> memref<1x125x128xf32, #tpu.memory_space<vmem>>
      %dma_start3A_115 = tpu.memref_squeeze %dma_start3A_114 : memref<1x125x128xf32, #tpu.memory_space<vmem>> -> memref<125x128xf32, #tpu.memory_space<vmem>>
      %dma_start3A_116 = arith.constant 0 : i32
      %dma_start3A_117 = tpu.memref_slice %arg6[%dma_start3A_111, %dma_start3A_116] : memref<8x125xi32, #tpu.memory_space<vmem>> -> memref<1x125xi32, #tpu.memory_space<vmem>>
      %dma_start3A_118 = tpu.memref_squeeze %dma_start3A_117 : memref<1x125xi32, #tpu.memory_space<vmem>> -> memref<125xi32, #tpu.memory_space<vmem>>
      %dma_start3A_119 = arith.constant 0 : i32
      %dma_start3A_120 = arith.constant 0 : i32
      %dma_start3A_121 = tpu.memref_slice %arg9[%dma_start3A_119, %dma_start3A_120] : memref<10240x128xf32, #tpu.memory_space<vmem_shared>> -> memref<10240x128xf32, #tpu.memory_space<vmem_shared>>
      tpu.enqueue_indirect_dma source(%dma_start3A_115 : memref<125x128xf32, #tpu.memory_space<vmem>>) target(%dma_start3A_121 : memref<10240x128xf32, #tpu.memory_space<vmem_shared>>) offsets(%dma_start3A_118 : memref<125xi32, #tpu.memory_space<vmem>>) semaphore(%arg11 : memref<!tpu.dma_semaphore, #tpu.memory_space<semaphore_mem>>) {add = true}
      %dma_wait3A_122 = arith.constant 2 : i32
      %dma_wait3A_123 = arith.constant 0 : i32
      %dma_wait3A_124 = arith.constant 0 : i32
      %dma_wait3A_125 = arith.constant 0 : i32
      %dma_wait3A_126 = tpu.memref_slice %arg7[%dma_wait3A_123, %dma_wait3A_124, %dma_wait3A_125] : memref<2x125x128xf32, #tpu.memory_space<vmem>> -> memref<1x125x128xf32, #tpu.memory_space<vmem>>
      %dma_wait3A_127 = tpu.memref_squeeze %dma_wait3A_126 : memref<1x125x128xf32, #tpu.memory_space<vmem>> -> memref<125x128xf32, #tpu.memory_space<vmem>>
      %dma_wait3A_128 = arith.constant 0 : i32
      %dma_wait3A_129 = tpu.memref_slice %arg5[%dma_wait3A_122, %dma_wait3A_128] : memref<8x125xi32, #tpu.memory_space<vmem>> -> memref<1x125xi32, #tpu.memory_space<vmem>>
      %dma_wait3A_130 = tpu.memref_squeeze %dma_wait3A_129 : memref<1x125xi32, #tpu.memory_space<vmem>> -> memref<125xi32, #tpu.memory_space<vmem>>
      %dma_wait3A_131 = arith.constant 0 : i32
      %dma_wait3A_132 = arith.constant 0 : i32
      %dma_wait3A_133 = tpu.memref_slice %arg2[%dma_wait3A_131, %dma_wait3A_132] : memref<10240x128xf32, #tpu.memory_space<hbm>> -> memref<10240x128xf32, #tpu.memory_space<hbm>>
      tpu.wait_indirect_dma semaphore(%arg10 : memref<!tpu.dma_semaphore, #tpu.memory_space<semaphore_mem>>) src(%dma_wait3A_133 : memref<10240x128xf32, #tpu.memory_space<hbm>>) dst(%dma_wait3A_127 : memref<125x128xf32, #tpu.memory_space<vmem>>)
      %dma_wait3A_134 = arith.constant 1 : i32
      %dma_wait3A_135 = arith.constant 1 : i32
      %dma_wait3A_136 = arith.constant 0 : i32
      %dma_wait3A_137 = arith.constant 0 : i32
      %dma_wait3A_138 = tpu.memref_slice %arg7[%dma_wait3A_134, %dma_wait3A_136, %dma_wait3A_137] : memref<2x125x128xf32, #tpu.memory_space<vmem>> -> memref<1x125x128xf32, #tpu.memory_space<vmem>>
      %dma_wait3A_139 = tpu.memref_squeeze %dma_wait3A_138 : memref<1x125x128xf32, #tpu.memory_space<vmem>> -> memref<125x128xf32, #tpu.memory_space<vmem>>
      %dma_wait3A_140 = arith.constant 0 : i32
      %dma_wait3A_141 = tpu.memref_slice %arg6[%dma_wait3A_135, %dma_wait3A_140] : memref<8x125xi32, #tpu.memory_space<vmem>> -> memref<1x125xi32, #tpu.memory_space<vmem>>
      %dma_wait3A_142 = tpu.memref_squeeze %dma_wait3A_141 : memref<1x125xi32, #tpu.memory_space<vmem>> -> memref<125xi32, #tpu.memory_space<vmem>>
      %dma_wait3A_143 = arith.constant 0 : i32
      %dma_wait3A_144 = arith.constant 0 : i32
      %dma_wait3A_145 = tpu.memref_slice %arg9[%dma_wait3A_143, %dma_wait3A_144] : memref<10240x128xf32, #tpu.memory_space<vmem_shared>> -> memref<10240x128xf32, #tpu.memory_space<vmem_shared>>
      tpu.wait_indirect_dma semaphore(%arg11 : memref<!tpu.dma_semaphore, #tpu.memory_space<semaphore_mem>>) src(%dma_wait3A_139 : memref<125x128xf32, #tpu.memory_space<vmem>>) dst(%dma_wait3A_145 : memref<10240x128xf32, #tpu.memory_space<vmem_shared>>)
      %dma_start3A_146 = arith.constant 3 : i32
      %dma_start3A_147 = arith.constant 1 : i32
      %dma_start3A_148 = arith.constant 0 : i32
      %dma_start3A_149 = arith.constant 0 : i32
      %dma_start3A_150 = tpu.memref_slice %arg7[%dma_start3A_147, %dma_start3A_148, %dma_start3A_149] : memref<2x125x128xf32, #tpu.memory_space<vmem>> -> memref<1x125x128xf32, #tpu.memory_space<vmem>>
      %dma_start3A_151 = tpu.memref_squeeze %dma_start3A_150 : memref<1x125x128xf32, #tpu.memory_space<vmem>> -> memref<125x128xf32, #tpu.memory_space<vmem>>
      %dma_start3A_152 = arith.constant 0 : i32
      %dma_start3A_153 = tpu.memref_slice %arg5[%dma_start3A_146, %dma_start3A_152] : memref<8x125xi32, #tpu.memory_space<vmem>> -> memref<1x125xi32, #tpu.memory_space<vmem>>
      %dma_start3A_154 = tpu.memref_squeeze %dma_start3A_153 : memref<1x125xi32, #tpu.memory_space<vmem>> -> memref<125xi32, #tpu.memory_space<vmem>>
      %dma_start3A_155 = arith.constant 0 : i32
      %dma_start3A_156 = arith.constant 0 : i32
      %dma_start3A_157 = tpu.memref_slice %arg2[%dma_start3A_155, %dma_start3A_156] : memref<10240x128xf32, #tpu.memory_space<hbm>> -> memref<10240x128xf32, #tpu.memory_space<hbm>>
      tpu.enqueue_indirect_dma source(%dma_start3A_157 : memref<10240x128xf32, #tpu.memory_space<hbm>>) target(%dma_start3A_151 : memref<125x128xf32, #tpu.memory_space<vmem>>) offsets(%dma_start3A_154 : memref<125xi32, #tpu.memory_space<vmem>>) semaphore(%arg10 : memref<!tpu.dma_semaphore, #tpu.memory_space<semaphore_mem>>)
      %dma_start3A_158 = arith.constant 0 : i32
      %dma_start3A_159 = arith.constant 2 : i32
      %dma_start3A_160 = arith.constant 0 : i32
      %dma_start3A_161 = arith.constant 0 : i32
      %dma_start3A_162 = tpu.memref_slice %arg7[%dma_start3A_158, %dma_start3A_160, %dma_start3A_161] : memref<2x125x128xf32, #tpu.memory_space<vmem>> -> memref<1x125x128xf32, #tpu.memory_space<vmem>>
      %dma_start3A_163 = tpu.memref_squeeze %dma_start3A_162 : memref<1x125x128xf32, #tpu.memory_space<vmem>> -> memref<125x128xf32, #tpu.memory_space<vmem>>
      %dma_start3A_164 = arith.constant 0 : i32
      %dma_start3A_165 = tpu.memref_slice %arg6[%dma_start3A_159, %dma_start3A_164] : memref<8x125xi32, #tpu.memory_space<vmem>> -> memref<1x125xi32, #tpu.memory_space<vmem>>
      %dma_start3A_166 = tpu.memref_squeeze %dma_start3A_165 : memref<1x125xi32, #tpu.memory_space<vmem>> -> memref<125xi32, #tpu.memory_space<vmem>>
      %dma_start3A_167 = arith.constant 0 : i32
      %dma_start3A_168 = arith.constant 0 : i32
      %dma_start3A_169 = tpu.memref_slice %arg9[%dma_start3A_167, %dma_start3A_168] : memref<10240x128xf32, #tpu.memory_space<vmem_shared>> -> memref<10240x128xf32, #tpu.memory_space<vmem_shared>>
      tpu.enqueue_indirect_dma source(%dma_start3A_163 : memref<125x128xf32, #tpu.memory_space<vmem>>) target(%dma_start3A_169 : memref<10240x128xf32, #tpu.memory_space<vmem_shared>>) offsets(%dma_start3A_166 : memref<125xi32, #tpu.memory_space<vmem>>) semaphore(%arg11 : memref<!tpu.dma_semaphore, #tpu.memory_space<semaphore_mem>>) {add = true}
      %dma_wait3A_170 = arith.constant 3 : i32
      %dma_wait3A_171 = arith.constant 1 : i32
      %dma_wait3A_172 = arith.constant 0 : i32
      %dma_wait3A_173 = arith.constant 0 : i32
      %dma_wait3A_174 = tpu.memref_slice %arg7[%dma_wait3A_171, %dma_wait3A_172, %dma_wait3A_173] : memref<2x125x128xf32, #tpu.memory_space<vmem>> -> memref<1x125x128xf32, #tpu.memory_space<vmem>>
      %dma_wait3A_175 = tpu.memref_squeeze %dma_wait3A_174 : memref<1x125x128xf32, #tpu.memory_space<vmem>> -> memref<125x128xf32, #tpu.memory_space<vmem>>
      %dma_wait3A_176 = arith.constant 0 : i32
      %dma_wait3A_177 = tpu.memref_slice %arg5[%dma_wait3A_170, %dma_wait3A_176] : memref<8x125xi32, #tpu.memory_space<vmem>> -> memref<1x125xi32, #tpu.memory_space<vmem>>
      %dma_wait3A_178 = tpu.memref_squeeze %dma_wait3A_177 : memref<1x125xi32, #tpu.memory_space<vmem>> -> memref<125xi32, #tpu.memory_space<vmem>>
      %dma_wait3A_179 = arith.constant 0 : i32
      %dma_wait3A_180 = arith.constant 0 : i32
      %dma_wait3A_181 = tpu.memref_slice %arg2[%dma_wait3A_179, %dma_wait3A_180] : memref<10240x128xf32, #tpu.memory_space<hbm>> -> memref<10240x128xf32, #tpu.memory_space<hbm>>
      tpu.wait_indirect_dma semaphore(%arg10 : memref<!tpu.dma_semaphore, #tpu.memory_space<semaphore_mem>>) src(%dma_wait3A_181 : memref<10240x128xf32, #tpu.memory_space<hbm>>) dst(%dma_wait3A_175 : memref<125x128xf32, #tpu.memory_space<vmem>>)
      %dma_wait3A_182 = arith.constant 0 : i32
      %dma_wait3A_183 = arith.constant 2 : i32
      %dma_wait3A_184 = arith.constant 0 : i32
      %dma_wait3A_185 = arith.constant 0 : i32
      %dma_wait3A_186 = tpu.memref_slice %arg7[%dma_wait3A_182, %dma_wait3A_184, %dma_wait3A_185] : memref<2x125x128xf32, #tpu.memory_space<vmem>> -> memref<1x125x128xf32, #tpu.memory_space<vmem>>
      %dma_wait3A_187 = tpu.memref_squeeze %dma_wait3A_186 : memref<1x125x128xf32, #tpu.memory_space<vmem>> -> memref<125x128xf32, #tpu.memory_space<vmem>>
      %dma_wait3A_188 = arith.constant 0 : i32
      %dma_wait3A_189 = tpu.memref_slice %arg6[%dma_wait3A_183, %dma_wait3A_188] : memref<8x125xi32, #tpu.memory_space<vmem>> -> memref<1x125xi32, #tpu.memory_space<vmem>>
      %dma_wait3A_190 = tpu.memref_squeeze %dma_wait3A_189 : memref<1x125xi32, #tpu.memory_space<vmem>> -> memref<125xi32, #tpu.memory_space<vmem>>
      %dma_wait3A_191 = arith.constant 0 : i32
      %dma_wait3A_192 = arith.constant 0 : i32
      %dma_wait3A_193 = tpu.memref_slice %arg9[%dma_wait3A_191, %dma_wait3A_192] : memref<10240x128xf32, #tpu.memory_space<vmem_shared>> -> memref<10240x128xf32, #tpu.memory_space<vmem_shared>>
      tpu.wait_indirect_dma semaphore(%arg11 : memref<!tpu.dma_semaphore, #tpu.memory_space<semaphore_mem>>) src(%dma_wait3A_187 : memref<125x128xf32, #tpu.memory_space<vmem>>) dst(%dma_wait3A_193 : memref<10240x128xf32, #tpu.memory_space<vmem_shared>>)
      %dma_start3A_194 = arith.constant 4 : i32
      %dma_start3A_195 = arith.constant 0 : i32
      %dma_start3A_196 = arith.constant 0 : i32
      %dma_start3A_197 = arith.constant 0 : i32
      %dma_start3A_198 = tpu.memref_slice %arg7[%dma_start3A_195, %dma_start3A_196, %dma_start3A_197] : memref<2x125x128xf32, #tpu.memory_space<vmem>> -> memref<1x125x128xf32, #tpu.memory_space<vmem>>
      %dma_start3A_199 = tpu.memref_squeeze %dma_start3A_198 : memref<1x125x128xf32, #tpu.memory_space<vmem>> -> memref<125x128xf32, #tpu.memory_space<vmem>>
      %dma_start3A_200 = arith.constant 0 : i32
      %dma_start3A_201 = tpu.memref_slice %arg5[%dma_start3A_194, %dma_start3A_200] : memref<8x125xi32, #tpu.memory_space<vmem>> -> memref<1x125xi32, #tpu.memory_space<vmem>>
      %dma_start3A_202 = tpu.memref_squeeze %dma_start3A_201 : memref<1x125xi32, #tpu.memory_space<vmem>> -> memref<125xi32, #tpu.memory_space<vmem>>
      %dma_start3A_203 = arith.constant 0 : i32
      %dma_start3A_204 = arith.constant 0 : i32
      %dma_start3A_205 = tpu.memref_slice %arg2[%dma_start3A_203, %dma_start3A_204] : memref<10240x128xf32, #tpu.memory_space<hbm>> -> memref<10240x128xf32, #tpu.memory_space<hbm>>
      tpu.enqueue_indirect_dma source(%dma_start3A_205 : memref<10240x128xf32, #tpu.memory_space<hbm>>) target(%dma_start3A_199 : memref<125x128xf32, #tpu.memory_space<vmem>>) offsets(%dma_start3A_202 : memref<125xi32, #tpu.memory_space<vmem>>) semaphore(%arg10 : memref<!tpu.dma_semaphore, #tpu.memory_space<semaphore_mem>>)
      %dma_start3A_206 = arith.constant 1 : i32
      %dma_start3A_207 = arith.constant 3 : i32
      %dma_start3A_208 = arith.constant 0 : i32
      %dma_start3A_209 = arith.constant 0 : i32
      %dma_start3A_210 = tpu.memref_slice %arg7[%dma_start3A_206, %dma_start3A_208, %dma_start3A_209] : memref<2x125x128xf32, #tpu.memory_space<vmem>> -> memref<1x125x128xf32, #tpu.memory_space<vmem>>
      %dma_start3A_211 = tpu.memref_squeeze %dma_start3A_210 : memref<1x125x128xf32, #tpu.memory_space<vmem>> -> memref<125x128xf32, #tpu.memory_space<vmem>>
      %dma_start3A_212 = arith.constant 0 : i32
      %dma_start3A_213 = tpu.memref_slice %arg6[%dma_start3A_207, %dma_start3A_212] : memref<8x125xi32, #tpu.memory_space<vmem>> -> memref<1x125xi32, #tpu.memory_space<vmem>>
      %dma_start3A_214 = tpu.memref_squeeze %dma_start3A_213 : memref<1x125xi32, #tpu.memory_space<vmem>> -> memref<125xi32, #tpu.memory_space<vmem>>
      %dma_start3A_215 = arith.constant 0 : i32
      %dma_start3A_216 = arith.constant 0 : i32
      %dma_start3A_217 = tpu.memref_slice %arg9[%dma_start3A_215, %dma_start3A_216] : memref<10240x128xf32, #tpu.memory_space<vmem_shared>> -> memref<10240x128xf32, #tpu.memory_space<vmem_shared>>
      tpu.enqueue_indirect_dma source(%dma_start3A_211 : memref<125x128xf32, #tpu.memory_space<vmem>>) target(%dma_start3A_217 : memref<10240x128xf32, #tpu.memory_space<vmem_shared>>) offsets(%dma_start3A_214 : memref<125xi32, #tpu.memory_space<vmem>>) semaphore(%arg11 : memref<!tpu.dma_semaphore, #tpu.memory_space<semaphore_mem>>) {add = true}
      %dma_wait3A_218 = arith.constant 4 : i32
      %dma_wait3A_219 = arith.constant 0 : i32
      %dma_wait3A_220 = arith.constant 0 : i32
      %dma_wait3A_221 = arith.constant 0 : i32
      %dma_wait3A_222 = tpu.memref_slice %arg7[%dma_wait3A_219, %dma_wait3A_220, %dma_wait3A_221] : memref<2x125x128xf32, #tpu.memory_space<vmem>> -> memref<1x125x128xf32, #tpu.memory_space<vmem>>
      %dma_wait3A_223 = tpu.memref_squeeze %dma_wait3A_222 : memref<1x125x128xf32, #tpu.memory_space<vmem>> -> memref<125x128xf32, #tpu.memory_space<vmem>>
      %dma_wait3A_224 = arith.constant 0 : i32
      %dma_wait3A_225 = tpu.memref_slice %arg5[%dma_wait3A_218, %dma_wait3A_224] : memref<8x125xi32, #tpu.memory_space<vmem>> -> memref<1x125xi32, #tpu.memory_space<vmem>>
      %dma_wait3A_226 = tpu.memref_squeeze %dma_wait3A_225 : memref<1x125xi32, #tpu.memory_space<vmem>> -> memref<125xi32, #tpu.memory_space<vmem>>
      %dma_wait3A_227 = arith.constant 0 : i32
      %dma_wait3A_228 = arith.constant 0 : i32
      %dma_wait3A_229 = tpu.memref_slice %arg2[%dma_wait3A_227, %dma_wait3A_228] : memref<10240x128xf32, #tpu.memory_space<hbm>> -> memref<10240x128xf32, #tpu.memory_space<hbm>>
      tpu.wait_indirect_dma semaphore(%arg10 : memref<!tpu.dma_semaphore, #tpu.memory_space<semaphore_mem>>) src(%dma_wait3A_229 : memref<10240x128xf32, #tpu.memory_space<hbm>>) dst(%dma_wait3A_223 : memref<125x128xf32, #tpu.memory_space<vmem>>)
      %dma_wait3A_230 = arith.constant 1 : i32
      %dma_wait3A_231 = arith.constant 3 : i32
      %dma_wait3A_232 = arith.constant 0 : i32
      %dma_wait3A_233 = arith.constant 0 : i32
      %dma_wait3A_234 = tpu.memref_slice %arg7[%dma_wait3A_230, %dma_wait3A_232, %dma_wait3A_233] : memref<2x125x128xf32, #tpu.memory_space<vmem>> -> memref<1x125x128xf32, #tpu.memory_space<vmem>>
      %dma_wait3A_235 = tpu.memref_squeeze %dma_wait3A_234 : memref<1x125x128xf32, #tpu.memory_space<vmem>> -> memref<125x128xf32, #tpu.memory_space<vmem>>
      %dma_wait3A_236 = arith.constant 0 : i32
      %dma_wait3A_237 = tpu.memref_slice %arg6[%dma_wait3A_231, %dma_wait3A_236] : memref<8x125xi32, #tpu.memory_space<vmem>> -> memref<1x125xi32, #tpu.memory_space<vmem>>
      %dma_wait3A_238 = tpu.memref_squeeze %dma_wait3A_237 : memref<1x125xi32, #tpu.memory_space<vmem>> -> memref<125xi32, #tpu.memory_space<vmem>>
      %dma_wait3A_239 = arith.constant 0 : i32
      %dma_wait3A_240 = arith.constant 0 : i32
      %dma_wait3A_241 = tpu.memref_slice %arg9[%dma_wait3A_239, %dma_wait3A_240] : memref<10240x128xf32, #tpu.memory_space<vmem_shared>> -> memref<10240x128xf32, #tpu.memory_space<vmem_shared>>
      tpu.wait_indirect_dma semaphore(%arg11 : memref<!tpu.dma_semaphore, #tpu.memory_space<semaphore_mem>>) src(%dma_wait3A_235 : memref<125x128xf32, #tpu.memory_space<vmem>>) dst(%dma_wait3A_241 : memref<10240x128xf32, #tpu.memory_space<vmem_shared>>)
      %dma_start3A_242 = arith.constant 5 : i32
      %dma_start3A_243 = arith.constant 1 : i32
      %dma_start3A_244 = arith.constant 0 : i32
      %dma_start3A_245 = arith.constant 0 : i32
      %dma_start3A_246 = tpu.memref_slice %arg7[%dma_start3A_243, %dma_start3A_244, %dma_start3A_245] : memref<2x125x128xf32, #tpu.memory_space<vmem>> -> memref<1x125x128xf32, #tpu.memory_space<vmem>>
      %dma_start3A_247 = tpu.memref_squeeze %dma_start3A_246 : memref<1x125x128xf32, #tpu.memory_space<vmem>> -> memref<125x128xf32, #tpu.memory_space<vmem>>
      %dma_start3A_248 = arith.constant 0 : i32
      %dma_start3A_249 = tpu.memref_slice %arg5[%dma_start3A_242, %dma_start3A_248] : memref<8x125xi32, #tpu.memory_space<vmem>> -> memref<1x125xi32, #tpu.memory_space<vmem>>
      %dma_start3A_250 = tpu.memref_squeeze %dma_start3A_249 : memref<1x125xi32, #tpu.memory_space<vmem>> -> memref<125xi32, #tpu.memory_space<vmem>>
      %dma_start3A_251 = arith.constant 0 : i32
      %dma_start3A_252 = arith.constant 0 : i32
      %dma_start3A_253 = tpu.memref_slice %arg2[%dma_start3A_251, %dma_start3A_252] : memref<10240x128xf32, #tpu.memory_space<hbm>> -> memref<10240x128xf32, #tpu.memory_space<hbm>>
      tpu.enqueue_indirect_dma source(%dma_start3A_253 : memref<10240x128xf32, #tpu.memory_space<hbm>>) target(%dma_start3A_247 : memref<125x128xf32, #tpu.memory_space<vmem>>) offsets(%dma_start3A_250 : memref<125xi32, #tpu.memory_space<vmem>>) semaphore(%arg10 : memref<!tpu.dma_semaphore, #tpu.memory_space<semaphore_mem>>)
      %dma_start3A_254 = arith.constant 0 : i32
      %dma_start3A_255 = arith.constant 4 : i32
      %dma_start3A_256 = arith.constant 0 : i32
      %dma_start3A_257 = arith.constant 0 : i32
      %dma_start3A_258 = tpu.memref_slice %arg7[%dma_start3A_254, %dma_start3A_256, %dma_start3A_257] : memref<2x125x128xf32, #tpu.memory_space<vmem>> -> memref<1x125x128xf32, #tpu.memory_space<vmem>>
      %dma_start3A_259 = tpu.memref_squeeze %dma_start3A_258 : memref<1x125x128xf32, #tpu.memory_space<vmem>> -> memref<125x128xf32, #tpu.memory_space<vmem>>
      %dma_start3A_260 = arith.constant 0 : i32
      %dma_start3A_261 = tpu.memref_slice %arg6[%dma_start3A_255, %dma_start3A_260] : memref<8x125xi32, #tpu.memory_space<vmem>> -> memref<1x125xi32, #tpu.memory_space<vmem>>
      %dma_start3A_262 = tpu.memref_squeeze %dma_start3A_261 : memref<1x125xi32, #tpu.memory_space<vmem>> -> memref<125xi32, #tpu.memory_space<vmem>>
      %dma_start3A_263 = arith.constant 0 : i32
      %dma_start3A_264 = arith.constant 0 : i32
      %dma_start3A_265 = tpu.memref_slice %arg9[%dma_start3A_263, %dma_start3A_264] : memref<10240x128xf32, #tpu.memory_space<vmem_shared>> -> memref<10240x128xf32, #tpu.memory_space<vmem_shared>>
      tpu.enqueue_indirect_dma source(%dma_start3A_259 : memref<125x128xf32, #tpu.memory_space<vmem>>) target(%dma_start3A_265 : memref<10240x128xf32, #tpu.memory_space<vmem_shared>>) offsets(%dma_start3A_262 : memref<125xi32, #tpu.memory_space<vmem>>) semaphore(%arg11 : memref<!tpu.dma_semaphore, #tpu.memory_space<semaphore_mem>>) {add = true}
      %dma_wait3A_266 = arith.constant 5 : i32
      %dma_wait3A_267 = arith.constant 1 : i32
      %dma_wait3A_268 = arith.constant 0 : i32
      %dma_wait3A_269 = arith.constant 0 : i32
      %dma_wait3A_270 = tpu.memref_slice %arg7[%dma_wait3A_267, %dma_wait3A_268, %dma_wait3A_269] : memref<2x125x128xf32, #tpu.memory_space<vmem>> -> memref<1x125x128xf32, #tpu.memory_space<vmem>>
      %dma_wait3A_271 = tpu.memref_squeeze %dma_wait3A_270 : memref<1x125x128xf32, #tpu.memory_space<vmem>> -> memref<125x128xf32, #tpu.memory_space<vmem>>
      %dma_wait3A_272 = arith.constant 0 : i32
      %dma_wait3A_273 = tpu.memref_slice %arg5[%dma_wait3A_266, %dma_wait3A_272] : memref<8x125xi32, #tpu.memory_space<vmem>> -> memref<1x125xi32, #tpu.memory_space<vmem>>
      %dma_wait3A_274 = tpu.memref_squeeze %dma_wait3A_273 : memref<1x125xi32, #tpu.memory_space<vmem>> -> memref<125xi32, #tpu.memory_space<vmem>>
      %dma_wait3A_275 = arith.constant 0 : i32
      %dma_wait3A_276 = arith.constant 0 : i32
      %dma_wait3A_277 = tpu.memref_slice %arg2[%dma_wait3A_275, %dma_wait3A_276] : memref<10240x128xf32, #tpu.memory_space<hbm>> -> memref<10240x128xf32, #tpu.memory_space<hbm>>
      tpu.wait_indirect_dma semaphore(%arg10 : memref<!tpu.dma_semaphore, #tpu.memory_space<semaphore_mem>>) src(%dma_wait3A_277 : memref<10240x128xf32, #tpu.memory_space<hbm>>) dst(%dma_wait3A_271 : memref<125x128xf32, #tpu.memory_space<vmem>>)
      %dma_wait3A_278 = arith.constant 0 : i32
      %dma_wait3A_279 = arith.constant 4 : i32
      %dma_wait3A_280 = arith.constant 0 : i32
      %dma_wait3A_281 = arith.constant 0 : i32
      %dma_wait3A_282 = tpu.memref_slice %arg7[%dma_wait3A_278, %dma_wait3A_280, %dma_wait3A_281] : memref<2x125x128xf32, #tpu.memory_space<vmem>> -> memref<1x125x128xf32, #tpu.memory_space<vmem>>
      %dma_wait3A_283 = tpu.memref_squeeze %dma_wait3A_282 : memref<1x125x128xf32, #tpu.memory_space<vmem>> -> memref<125x128xf32, #tpu.memory_space<vmem>>
      %dma_wait3A_284 = arith.constant 0 : i32
      %dma_wait3A_285 = tpu.memref_slice %arg6[%dma_wait3A_279, %dma_wait3A_284] : memref<8x125xi32, #tpu.memory_space<vmem>> -> memref<1x125xi32, #tpu.memory_space<vmem>>
      %dma_wait3A_286 = tpu.memref_squeeze %dma_wait3A_285 : memref<1x125xi32, #tpu.memory_space<vmem>> -> memref<125xi32, #tpu.memory_space<vmem>>
      %dma_wait3A_287 = arith.constant 0 : i32
      %dma_wait3A_288 = arith.constant 0 : i32
      %dma_wait3A_289 = tpu.memref_slice %arg9[%dma_wait3A_287, %dma_wait3A_288] : memref<10240x128xf32, #tpu.memory_space<vmem_shared>> -> memref<10240x128xf32, #tpu.memory_space<vmem_shared>>
      tpu.wait_indirect_dma semaphore(%arg11 : memref<!tpu.dma_semaphore, #tpu.memory_space<semaphore_mem>>) src(%dma_wait3A_283 : memref<125x128xf32, #tpu.memory_space<vmem>>) dst(%dma_wait3A_289 : memref<10240x128xf32, #tpu.memory_space<vmem_shared>>)
      %dma_start3A_290 = arith.constant 6 : i32
      %dma_start3A_291 = arith.constant 0 : i32
      %dma_start3A_292 = arith.constant 0 : i32
      %dma_start3A_293 = arith.constant 0 : i32
      %dma_start3A_294 = tpu.memref_slice %arg7[%dma_start3A_291, %dma_start3A_292, %dma_start3A_293] : memref<2x125x128xf32, #tpu.memory_space<vmem>> -> memref<1x125x128xf32, #tpu.memory_space<vmem>>
      %dma_start3A_295 = tpu.memref_squeeze %dma_start3A_294 : memref<1x125x128xf32, #tpu.memory_space<vmem>> -> memref<125x128xf32, #tpu.memory_space<vmem>>
      %dma_start3A_296 = arith.constant 0 : i32
      %dma_start3A_297 = tpu.memref_slice %arg5[%dma_start3A_290, %dma_start3A_296] : memref<8x125xi32, #tpu.memory_space<vmem>> -> memref<1x125xi32, #tpu.memory_space<vmem>>
      %dma_start3A_298 = tpu.memref_squeeze %dma_start3A_297 : memref<1x125xi32, #tpu.memory_space<vmem>> -> memref<125xi32, #tpu.memory_space<vmem>>
      %dma_start3A_299 = arith.constant 0 : i32
      %dma_start3A_300 = arith.constant 0 : i32
      %dma_start3A_301 = tpu.memref_slice %arg2[%dma_start3A_299, %dma_start3A_300] : memref<10240x128xf32, #tpu.memory_space<hbm>> -> memref<10240x128xf32, #tpu.memory_space<hbm>>
      tpu.enqueue_indirect_dma source(%dma_start3A_301 : memref<10240x128xf32, #tpu.memory_space<hbm>>) target(%dma_start3A_295 : memref<125x128xf32, #tpu.memory_space<vmem>>) offsets(%dma_start3A_298 : memref<125xi32, #tpu.memory_space<vmem>>) semaphore(%arg10 : memref<!tpu.dma_semaphore, #tpu.memory_space<semaphore_mem>>)
      %dma_start3A_302 = arith.constant 1 : i32
      %dma_start3A_303 = arith.constant 5 : i32
      %dma_start3A_304 = arith.constant 0 : i32
      %dma_start3A_305 = arith.constant 0 : i32
      %dma_start3A_306 = tpu.memref_slice %arg7[%dma_start3A_302, %dma_start3A_304, %dma_start3A_305] : memref<2x125x128xf32, #tpu.memory_space<vmem>> -> memref<1x125x128xf32, #tpu.memory_space<vmem>>
      %dma_start3A_307 = tpu.memref_squeeze %dma_start3A_306 : memref<1x125x128xf32, #tpu.memory_space<vmem>> -> memref<125x128xf32, #tpu.memory_space<vmem>>
      %dma_start3A_308 = arith.constant 0 : i32
      %dma_start3A_309 = tpu.memref_slice %arg6[%dma_start3A_303, %dma_start3A_308] : memref<8x125xi32, #tpu.memory_space<vmem>> -> memref<1x125xi32, #tpu.memory_space<vmem>>
      %dma_start3A_310 = tpu.memref_squeeze %dma_start3A_309 : memref<1x125xi32, #tpu.memory_space<vmem>> -> memref<125xi32, #tpu.memory_space<vmem>>
      %dma_start3A_311 = arith.constant 0 : i32
      %dma_start3A_312 = arith.constant 0 : i32
      %dma_start3A_313 = tpu.memref_slice %arg9[%dma_start3A_311, %dma_start3A_312] : memref<10240x128xf32, #tpu.memory_space<vmem_shared>> -> memref<10240x128xf32, #tpu.memory_space<vmem_shared>>
      tpu.enqueue_indirect_dma source(%dma_start3A_307 : memref<125x128xf32, #tpu.memory_space<vmem>>) target(%dma_start3A_313 : memref<10240x128xf32, #tpu.memory_space<vmem_shared>>) offsets(%dma_start3A_310 : memref<125xi32, #tpu.memory_space<vmem>>) semaphore(%arg11 : memref<!tpu.dma_semaphore, #tpu.memory_space<semaphore_mem>>) {add = true}
      %dma_wait3A_314 = arith.constant 6 : i32
      %dma_wait3A_315 = arith.constant 0 : i32
      %dma_wait3A_316 = arith.constant 0 : i32
      %dma_wait3A_317 = arith.constant 0 : i32
      %dma_wait3A_318 = tpu.memref_slice %arg7[%dma_wait3A_315, %dma_wait3A_316, %dma_wait3A_317] : memref<2x125x128xf32, #tpu.memory_space<vmem>> -> memref<1x125x128xf32, #tpu.memory_space<vmem>>
      %dma_wait3A_319 = tpu.memref_squeeze %dma_wait3A_318 : memref<1x125x128xf32, #tpu.memory_space<vmem>> -> memref<125x128xf32, #tpu.memory_space<vmem>>
      %dma_wait3A_320 = arith.constant 0 : i32
      %dma_wait3A_321 = tpu.memref_slice %arg5[%dma_wait3A_314, %dma_wait3A_320] : memref<8x125xi32, #tpu.memory_space<vmem>> -> memref<1x125xi32, #tpu.memory_space<vmem>>
      %dma_wait3A_322 = tpu.memref_squeeze %dma_wait3A_321 : memref<1x125xi32, #tpu.memory_space<vmem>> -> memref<125xi32, #tpu.memory_space<vmem>>
      %dma_wait3A_323 = arith.constant 0 : i32
      %dma_wait3A_324 = arith.constant 0 : i32
      %dma_wait3A_325 = tpu.memref_slice %arg2[%dma_wait3A_323, %dma_wait3A_324] : memref<10240x128xf32, #tpu.memory_space<hbm>> -> memref<10240x128xf32, #tpu.memory_space<hbm>>
      tpu.wait_indirect_dma semaphore(%arg10 : memref<!tpu.dma_semaphore, #tpu.memory_space<semaphore_mem>>) src(%dma_wait3A_325 : memref<10240x128xf32, #tpu.memory_space<hbm>>) dst(%dma_wait3A_319 : memref<125x128xf32, #tpu.memory_space<vmem>>)
      %dma_wait3A_326 = arith.constant 1 : i32
      %dma_wait3A_327 = arith.constant 5 : i32
      %dma_wait3A_328 = arith.constant 0 : i32
      %dma_wait3A_329 = arith.constant 0 : i32
      %dma_wait3A_330 = tpu.memref_slice %arg7[%dma_wait3A_326, %dma_wait3A_328, %dma_wait3A_329] : memref<2x125x128xf32, #tpu.memory_space<vmem>> -> memref<1x125x128xf32, #tpu.memory_space<vmem>>
      %dma_wait3A_331 = tpu.memref_squeeze %dma_wait3A_330 : memref<1x125x128xf32, #tpu.memory_space<vmem>> -> memref<125x128xf32, #tpu.memory_space<vmem>>
      %dma_wait3A_332 = arith.constant 0 : i32
      %dma_wait3A_333 = tpu.memref_slice %arg6[%dma_wait3A_327, %dma_wait3A_332] : memref<8x125xi32, #tpu.memory_space<vmem>> -> memref<1x125xi32, #tpu.memory_space<vmem>>
      %dma_wait3A_334 = tpu.memref_squeeze %dma_wait3A_333 : memref<1x125xi32, #tpu.memory_space<vmem>> -> memref<125xi32, #tpu.memory_space<vmem>>
      %dma_wait3A_335 = arith.constant 0 : i32
      %dma_wait3A_336 = arith.constant 0 : i32
      %dma_wait3A_337 = tpu.memref_slice %arg9[%dma_wait3A_335, %dma_wait3A_336] : memref<10240x128xf32, #tpu.memory_space<vmem_shared>> -> memref<10240x128xf32, #tpu.memory_space<vmem_shared>>
      tpu.wait_indirect_dma semaphore(%arg11 : memref<!tpu.dma_semaphore, #tpu.memory_space<semaphore_mem>>) src(%dma_wait3A_331 : memref<125x128xf32, #tpu.memory_space<vmem>>) dst(%dma_wait3A_337 : memref<10240x128xf32, #tpu.memory_space<vmem_shared>>)
      %dma_start3A_338 = arith.constant 7 : i32
      %dma_start3A_339 = arith.constant 1 : i32
      %dma_start3A_340 = arith.constant 0 : i32
      %dma_start3A_341 = arith.constant 0 : i32
      %dma_start3A_342 = tpu.memref_slice %arg7[%dma_start3A_339, %dma_start3A_340, %dma_start3A_341] : memref<2x125x128xf32, #tpu.memory_space<vmem>> -> memref<1x125x128xf32, #tpu.memory_space<vmem>>
      %dma_start3A_343 = tpu.memref_squeeze %dma_start3A_342 : memref<1x125x128xf32, #tpu.memory_space<vmem>> -> memref<125x128xf32, #tpu.memory_space<vmem>>
      %dma_start3A_344 = arith.constant 0 : i32
      %dma_start3A_345 = tpu.memref_slice %arg5[%dma_start3A_338, %dma_start3A_344] : memref<8x125xi32, #tpu.memory_space<vmem>> -> memref<1x125xi32, #tpu.memory_space<vmem>>
      %dma_start3A_346 = tpu.memref_squeeze %dma_start3A_345 : memref<1x125xi32, #tpu.memory_space<vmem>> -> memref<125xi32, #tpu.memory_space<vmem>>
      %dma_start3A_347 = arith.constant 0 : i32
      %dma_start3A_348 = arith.constant 0 : i32
      %dma_start3A_349 = tpu.memref_slice %arg2[%dma_start3A_347, %dma_start3A_348] : memref<10240x128xf32, #tpu.memory_space<hbm>> -> memref<10240x128xf32, #tpu.memory_space<hbm>>
      tpu.enqueue_indirect_dma source(%dma_start3A_349 : memref<10240x128xf32, #tpu.memory_space<hbm>>) target(%dma_start3A_343 : memref<125x128xf32, #tpu.memory_space<vmem>>) offsets(%dma_start3A_346 : memref<125xi32, #tpu.memory_space<vmem>>) semaphore(%arg10 : memref<!tpu.dma_semaphore, #tpu.memory_space<semaphore_mem>>)
      %dma_start3A_350 = arith.constant 0 : i32
      %dma_start3A_351 = arith.constant 6 : i32
      %dma_start3A_352 = arith.constant 0 : i32
      %dma_start3A_353 = arith.constant 0 : i32
      %dma_start3A_354 = tpu.memref_slice %arg7[%dma_start3A_350, %dma_start3A_352, %dma_start3A_353] : memref<2x125x128xf32, #tpu.memory_space<vmem>> -> memref<1x125x128xf32, #tpu.memory_space<vmem>>
      %dma_start3A_355 = tpu.memref_squeeze %dma_start3A_354 : memref<1x125x128xf32, #tpu.memory_space<vmem>> -> memref<125x128xf32, #tpu.memory_space<vmem>>
      %dma_start3A_356 = arith.constant 0 : i32
      %dma_start3A_357 = tpu.memref_slice %arg6[%dma_start3A_351, %dma_start3A_356] : memref<8x125xi32, #tpu.memory_space<vmem>> -> memref<1x125xi32, #tpu.memory_space<vmem>>
      %dma_start3A_358 = tpu.memref_squeeze %dma_start3A_357 : memref<1x125xi32, #tpu.memory_space<vmem>> -> memref<125xi32, #tpu.memory_space<vmem>>
      %dma_start3A_359 = arith.constant 0 : i32
      %dma_start3A_360 = arith.constant 0 : i32
      %dma_start3A_361 = tpu.memref_slice %arg9[%dma_start3A_359, %dma_start3A_360] : memref<10240x128xf32, #tpu.memory_space<vmem_shared>> -> memref<10240x128xf32, #tpu.memory_space<vmem_shared>>
      tpu.enqueue_indirect_dma source(%dma_start3A_355 : memref<125x128xf32, #tpu.memory_space<vmem>>) target(%dma_start3A_361 : memref<10240x128xf32, #tpu.memory_space<vmem_shared>>) offsets(%dma_start3A_358 : memref<125xi32, #tpu.memory_space<vmem>>) semaphore(%arg11 : memref<!tpu.dma_semaphore, #tpu.memory_space<semaphore_mem>>) {add = true}
      %dma_wait3A_362 = arith.constant 7 : i32
      %dma_wait3A_363 = arith.constant 1 : i32
      %dma_wait3A_364 = arith.constant 0 : i32
      %dma_wait3A_365 = arith.constant 0 : i32
      %dma_wait3A_366 = tpu.memref_slice %arg7[%dma_wait3A_363, %dma_wait3A_364, %dma_wait3A_365] : memref<2x125x128xf32, #tpu.memory_space<vmem>> -> memref<1x125x128xf32, #tpu.memory_space<vmem>>
      %dma_wait3A_367 = tpu.memref_squeeze %dma_wait3A_366 : memref<1x125x128xf32, #tpu.memory_space<vmem>> -> memref<125x128xf32, #tpu.memory_space<vmem>>
      %dma_wait3A_368 = arith.constant 0 : i32
      %dma_wait3A_369 = tpu.memref_slice %arg5[%dma_wait3A_362, %dma_wait3A_368] : memref<8x125xi32, #tpu.memory_space<vmem>> -> memref<1x125xi32, #tpu.memory_space<vmem>>
      %dma_wait3A_370 = tpu.memref_squeeze %dma_wait3A_369 : memref<1x125xi32, #tpu.memory_space<vmem>> -> memref<125xi32, #tpu.memory_space<vmem>>
      %dma_wait3A_371 = arith.constant 0 : i32
      %dma_wait3A_372 = arith.constant 0 : i32
      %dma_wait3A_373 = tpu.memref_slice %arg2[%dma_wait3A_371, %dma_wait3A_372] : memref<10240x128xf32, #tpu.memory_space<hbm>> -> memref<10240x128xf32, #tpu.memory_space<hbm>>
      tpu.wait_indirect_dma semaphore(%arg10 : memref<!tpu.dma_semaphore, #tpu.memory_space<semaphore_mem>>) src(%dma_wait3A_373 : memref<10240x128xf32, #tpu.memory_space<hbm>>) dst(%dma_wait3A_367 : memref<125x128xf32, #tpu.memory_space<vmem>>)
      %dma_wait3A_374 = arith.constant 0 : i32
      %dma_wait3A_375 = arith.constant 6 : i32
      %dma_wait3A_376 = arith.constant 0 : i32
      %dma_wait3A_377 = arith.constant 0 : i32
      %dma_wait3A_378 = tpu.memref_slice %arg7[%dma_wait3A_374, %dma_wait3A_376, %dma_wait3A_377] : memref<2x125x128xf32, #tpu.memory_space<vmem>> -> memref<1x125x128xf32, #tpu.memory_space<vmem>>
      %dma_wait3A_379 = tpu.memref_squeeze %dma_wait3A_378 : memref<1x125x128xf32, #tpu.memory_space<vmem>> -> memref<125x128xf32, #tpu.memory_space<vmem>>
      %dma_wait3A_380 = arith.constant 0 : i32
      %dma_wait3A_381 = tpu.memref_slice %arg6[%dma_wait3A_375, %dma_wait3A_380] : memref<8x125xi32, #tpu.memory_space<vmem>> -> memref<1x125xi32, #tpu.memory_space<vmem>>
      %dma_wait3A_382 = tpu.memref_squeeze %dma_wait3A_381 : memref<1x125xi32, #tpu.memory_space<vmem>> -> memref<125xi32, #tpu.memory_space<vmem>>
      %dma_wait3A_383 = arith.constant 0 : i32
      %dma_wait3A_384 = arith.constant 0 : i32
      %dma_wait3A_385 = tpu.memref_slice %arg9[%dma_wait3A_383, %dma_wait3A_384] : memref<10240x128xf32, #tpu.memory_space<vmem_shared>> -> memref<10240x128xf32, #tpu.memory_space<vmem_shared>>
      tpu.wait_indirect_dma semaphore(%arg11 : memref<!tpu.dma_semaphore, #tpu.memory_space<semaphore_mem>>) src(%dma_wait3A_379 : memref<125x128xf32, #tpu.memory_space<vmem>>) dst(%dma_wait3A_385 : memref<10240x128xf32, #tpu.memory_space<vmem_shared>>)
      %dma_start3A_386 = arith.constant 1 : i32
      %dma_start3A_387 = arith.constant 7 : i32
      %dma_start3A_388 = arith.constant 0 : i32
      %dma_start3A_389 = arith.constant 0 : i32
      %dma_start3A_390 = tpu.memref_slice %arg7[%dma_start3A_386, %dma_start3A_388, %dma_start3A_389] : memref<2x125x128xf32, #tpu.memory_space<vmem>> -> memref<1x125x128xf32, #tpu.memory_space<vmem>>
      %dma_start3A_391 = tpu.memref_squeeze %dma_start3A_390 : memref<1x125x128xf32, #tpu.memory_space<vmem>> -> memref<125x128xf32, #tpu.memory_space<vmem>>
      %dma_start3A_392 = arith.constant 0 : i32
      %dma_start3A_393 = tpu.memref_slice %arg6[%dma_start3A_387, %dma_start3A_392] : memref<8x125xi32, #tpu.memory_space<vmem>> -> memref<1x125xi32, #tpu.memory_space<vmem>>
      %dma_start3A_394 = tpu.memref_squeeze %dma_start3A_393 : memref<1x125xi32, #tpu.memory_space<vmem>> -> memref<125xi32, #tpu.memory_space<vmem>>
      %dma_start3A_395 = arith.constant 0 : i32
      %dma_start3A_396 = arith.constant 0 : i32
      %dma_start3A_397 = tpu.memref_slice %arg9[%dma_start3A_395, %dma_start3A_396] : memref<10240x128xf32, #tpu.memory_space<vmem_shared>> -> memref<10240x128xf32, #tpu.memory_space<vmem_shared>>
      tpu.enqueue_indirect_dma source(%dma_start3A_391 : memref<125x128xf32, #tpu.memory_space<vmem>>) target(%dma_start3A_397 : memref<10240x128xf32, #tpu.memory_space<vmem_shared>>) offsets(%dma_start3A_394 : memref<125xi32, #tpu.memory_space<vmem>>) semaphore(%arg11 : memref<!tpu.dma_semaphore, #tpu.memory_space<semaphore_mem>>) {add = true}
      %dma_wait3A_398 = arith.constant 1 : i32
      %dma_wait3A_399 = arith.constant 7 : i32
      %dma_wait3A_400 = arith.constant 0 : i32
      %dma_wait3A_401 = arith.constant 0 : i32
      %dma_wait3A_402 = tpu.memref_slice %arg7[%dma_wait3A_398, %dma_wait3A_400, %dma_wait3A_401] : memref<2x125x128xf32, #tpu.memory_space<vmem>> -> memref<1x125x128xf32, #tpu.memory_space<vmem>>
      %dma_wait3A_403 = tpu.memref_squeeze %dma_wait3A_402 : memref<1x125x128xf32, #tpu.memory_space<vmem>> -> memref<125x128xf32, #tpu.memory_space<vmem>>
      %dma_wait3A_404 = arith.constant 0 : i32
      %dma_wait3A_405 = tpu.memref_slice %arg6[%dma_wait3A_399, %dma_wait3A_404] : memref<8x125xi32, #tpu.memory_space<vmem>> -> memref<1x125xi32, #tpu.memory_space<vmem>>
      %dma_wait3A_406 = tpu.memref_squeeze %dma_wait3A_405 : memref<1x125xi32, #tpu.memory_space<vmem>> -> memref<125xi32, #tpu.memory_space<vmem>>
      %dma_wait3A_407 = arith.constant 0 : i32
      %dma_wait3A_408 = arith.constant 0 : i32
      %dma_wait3A_409 = tpu.memref_slice %arg9[%dma_wait3A_407, %dma_wait3A_408] : memref<10240x128xf32, #tpu.memory_space<vmem_shared>> -> memref<10240x128xf32, #tpu.memory_space<vmem_shared>>
      tpu.wait_indirect_dma semaphore(%arg11 : memref<!tpu.dma_semaphore, #tpu.memory_space<semaphore_mem>>) src(%dma_wait3A_403 : memref<125x128xf32, #tpu.memory_space<vmem>>) dst(%dma_wait3A_409 : memref<10240x128xf32, #tpu.memory_space<vmem_shared>>)
    }
    %scan3A_19 = arith.constant 10 : i32
    %barrier3A_20 = arith.constant 0 : index
    tpu.barrier barrier_id(%barrier3A_20)
    %mul3A_21 = arith.constant 640 : i32
    %mul3A_22 = arith.muli %arg1, %mul3A_21 : i32
    "tpu.region"() ({
      %run_scoped3A = tpu.sem_alloc : memref<!tpu.dma_semaphore, #tpu.memory_space<semaphore_mem>>
      %dma_start3A = arith.constant 0 : i32
      %dma_start3A_23 = tpu.memref_slice %arg4[%arg0, %mul3A_22, %dma_start3A] : memref<2x10240x128xf32, #tpu.memory_space<hbm>> -> memref<1x640x128xf32, #tpu.memory_space<hbm>>
      %dma_start3A_24 = tpu.memref_squeeze %dma_start3A_23 : memref<1x640x128xf32, #tpu.memory_space<hbm>> -> memref<640x128xf32, #tpu.memory_space<hbm>>
      %dma_start3A_25 = arith.constant 0 : i32
      %dma_start3A_26 = tpu.memref_slice %arg9[%mul3A_22, %dma_start3A_25] : memref<10240x128xf32, #tpu.memory_space<vmem_shared>> -> memref<640x128xf32, #tpu.memory_space<vmem_shared>>
      tpu.enqueue_dma source(%dma_start3A_26 : memref<640x128xf32, #tpu.memory_space<vmem_shared>>) target(%dma_start3A_24 : memref<640x128xf32, #tpu.memory_space<hbm>>) target_semaphore(%run_scoped3A : memref<!tpu.dma_semaphore, #tpu.memory_space<semaphore_mem>>)
      %dma_wait3A = arith.constant 0 : i32
      %dma_wait3A_27 = tpu.memref_slice %arg4[%arg0, %mul3A_22, %dma_wait3A] : memref<2x10240x128xf32, #tpu.memory_space<hbm>> -> memref<1x640x128xf32, #tpu.memory_space<hbm>>
      %dma_wait3A_28 = tpu.memref_squeeze %dma_wait3A_27 : memref<1x640x128xf32, #tpu.memory_space<hbm>> -> memref<640x128xf32, #tpu.memory_space<hbm>>
      %dma_wait3A_29 = arith.constant 0 : i32
      %dma_wait3A_30 = tpu.memref_slice %arg9[%mul3A_22, %dma_wait3A_29] : memref<10240x128xf32, #tpu.memory_space<vmem_shared>> -> memref<640x128xf32, #tpu.memory_space<vmem_shared>>
      tpu.wait_dma2 semaphore(%run_scoped3A : memref<!tpu.dma_semaphore, #tpu.memory_space<semaphore_mem>>) src(%dma_wait3A_30 : memref<640x128xf32, #tpu.memory_space<vmem_shared>>) dst(%dma_wait3A_28 : memref<640x128xf32, #tpu.memory_space<hbm>>)
      tpu.yield
    }) : () -> ()
    return
  }
}

module attributes {stable_mosaic.version = 14 : i64} {
  func.func @_deg_body(%arg0: i32, %arg1: memref<2x2560xi32, #tpu.memory_space<vmem>>, %arg2: memref<2560x2xi32, #tpu.memory_space<vmem>>, %arg3: memref<2x80x128xf32, #tpu.memory_space<vmem>>) attributes {dimension_semantics = [#tpu.dimension_semantics<arbitrary>], iteration_bounds = array<i64: 125>, scalar_prefetch = 0 : i64, scratch_operands = 0 : i64, tpu.core_type = #tpu.core_type<tc>, window_params = [{transform_indices = @transform_0, window_bounds = array<i64: 2, 2560>}, {transform_indices = @transform_1, window_bounds = array<i64: 2560, 2>}, {pipeline_mode = #tpu.pipeline_mode<synchronous>, transform_indices = @transform_2, window_bounds = array<i64: 2, 80, 128>}]} {
    %eq3A = arith.constant 0 : i32
    %eq3A_0 = arith.cmpi eq, %arg0, %eq3A : i32
    %convert_element_type3A = arith.extui %eq3A_0 : i1 to i32
    %cond3A = arith.constant 0 : i32
    %cond3A_1 = arith.cmpi ne, %convert_element_type3A, %cond3A : i32
    scf.if %cond3A_1 {
      %broadcast_in_dim3A = arith.constant 0.000000e+00 : f32
      %broadcast_in_dim3A_65 = vector.broadcast %broadcast_in_dim3A : f32 to vector<2x80x128xf32>
      %swap3A_66 = arith.constant 0 : index
      %swap3A_67 = arith.constant 0 : index
      %swap3A_68 = arith.constant 0 : index
      %swap3A_69 = vector.load %arg3[%swap3A_66, %swap3A_67, %swap3A_68] : memref<2x80x128xf32, #tpu.memory_space<vmem>>, vector<2x80x128xf32>
      tpu.vector_store %arg3[%swap3A_66, %swap3A_67, %swap3A_68], %broadcast_in_dim3A_65 {strides = array<i32>} : memref<2x80x128xf32, #tpu.memory_space<vmem>>, vector<2x80x128xf32>,
    } else {
    }
    %iota3A = tpu.iota {dimensions = array<i32: 0>} : vector<80x2560xi32>
    %iota3A_2 = tpu.iota {dimensions = array<i32: 1>} : vector<2560x128xi32>
    %get3A = arith.constant 0 : index
    %get3A_3 = arith.constant 0 : index
    %get3A_4 = vector.load %arg1[%get3A, %get3A_3] : memref<2x2560xi32, #tpu.memory_space<vmem>>, vector<1x2560xi32>
    %shift_right_arithmetic3A = arith.constant 7 : i32
    %shift_right_arithmetic3A_5 = vector.broadcast %shift_right_arithmetic3A : i32 to vector<1x2560xi32>
    %shift_right_arithmetic3A_6 = arith.shrsi %get3A_4, %shift_right_arithmetic3A_5 : vector<1x2560xi32>
    %get3A_7 = arith.constant 0 : index
    %get3A_8 = arith.constant 0 : index
    %get3A_9 = vector.load %arg2[%get3A_7, %get3A_8] : memref<2560x2xi32, #tpu.memory_space<vmem>>, vector<2560x1xi32>
    %and3A = arith.constant 127 : i32
    %and3A_10 = vector.broadcast %and3A : i32 to vector<2560x1xi32>
    %and3A_11 = arith.andi %get3A_9, %and3A_10 : vector<2560x1xi32>
    %eq3A_12 = vector.broadcast %shift_right_arithmetic3A_6 : vector<1x2560xi32> to vector<80x2560xi32>
    %eq3A_13 = arith.cmpi eq, %iota3A, %eq3A_12 : vector<80x2560xi32>
    %convert_element_type3A_14 = arith.extui %eq3A_13 : vector<80x2560xi1> to vector<80x2560xi32>
    %convert_element_type3A_15 = arith.sitofp %convert_element_type3A_14 : vector<80x2560xi32> to vector<80x2560xf32>
    %eq3A_16 = vector.broadcast %and3A_11 : vector<2560x1xi32> to vector<2560x128xi32>
    %eq3A_17 = arith.cmpi eq, %iota3A_2, %eq3A_16 : vector<2560x128xi32>
    %convert_element_type3A_18 = arith.extui %eq3A_17 : vector<2560x128xi1> to vector<2560x128xi32>
    %convert_element_type3A_19 = arith.sitofp %convert_element_type3A_18 : vector<2560x128xi32> to vector<2560x128xf32>
    %get3A_20 = arith.constant 0 : index
    %get3A_21 = arith.constant 0 : index
    %get3A_22 = arith.constant 0 : index
    %get3A_23 = vector.load %arg3[%get3A_20, %get3A_21, %get3A_22] : memref<2x80x128xf32, #tpu.memory_space<vmem>>, vector<1x80x128xf32>
    %get3A_24 = vector.shape_cast %get3A_23 : vector<1x80x128xf32> to vector<80x128xf32>
    %dot_general3A = arith.constant dense<0.000000e+00> : vector<80x128xf32>
    %dot_general3A_25 = tpu.matmul %convert_element_type3A_15, %convert_element_type3A_19, %dot_general3A {dimension_numbers = #tpu.dot_dimension_numbers<[1], [0], [0], [1], [0, 0, 1, 1], [], []>, transpose_lhs_hint = false} : vector<80x2560xf32>, vector<2560x128xf32>, vector<80x128xf32> -> vector<80x128xf32>
    %add3A = arith.addf %get3A_24, %dot_general3A_25 : vector<80x128xf32>
    %swap3A = arith.constant 0 : index
    %swap3A_26 = arith.constant 0 : index
    %swap3A_27 = arith.constant 0 : index
    %swap3A_28 = vector.load %arg3[%swap3A, %swap3A_26, %swap3A_27] : memref<2x80x128xf32, #tpu.memory_space<vmem>>, vector<1x80x128xf32>
    %swap3A_29 = vector.shape_cast %swap3A_28 : vector<1x80x128xf32> to vector<80x128xf32>
    %swap3A_30 = vector.shape_cast %add3A : vector<80x128xf32> to vector<1x80x128xf32>
    tpu.vector_store %arg3[%swap3A, %swap3A_26, %swap3A_27], %swap3A_30 {strides = array<i32>} : memref<2x80x128xf32, #tpu.memory_space<vmem>>, vector<1x80x128xf32>,
    %get3A_31 = arith.constant 1 : index
    %get3A_32 = arith.constant 0 : index
    %get3A_33 = vector.load %arg1[%get3A_31, %get3A_32] : memref<2x2560xi32, #tpu.memory_space<vmem>>, vector<1x2560xi32>
    %shift_right_arithmetic3A_34 = arith.constant 7 : i32
    %shift_right_arithmetic3A_35 = vector.broadcast %shift_right_arithmetic3A_34 : i32 to vector<1x2560xi32>
    %shift_right_arithmetic3A_36 = arith.shrsi %get3A_33, %shift_right_arithmetic3A_35 : vector<1x2560xi32>
    %get3A_37 = arith.constant 0 : index
    %get3A_38 = arith.constant 1 : index
    %get3A_39 = vector.load %arg2[%get3A_37, %get3A_38] : memref<2560x2xi32, #tpu.memory_space<vmem>>, vector<2560x1xi32>
    %and3A_40 = arith.constant 127 : i32
    %and3A_41 = vector.broadcast %and3A_40 : i32 to vector<2560x1xi32>
    %and3A_42 = arith.andi %get3A_39, %and3A_41 : vector<2560x1xi32>
    %eq3A_43 = vector.broadcast %shift_right_arithmetic3A_36 : vector<1x2560xi32> to vector<80x2560xi32>
    %eq3A_44 = arith.cmpi eq, %iota3A, %eq3A_43 : vector<80x2560xi32>
    %convert_element_type3A_45 = arith.extui %eq3A_44 : vector<80x2560xi1> to vector<80x2560xi32>
    %convert_element_type3A_46 = arith.sitofp %convert_element_type3A_45 : vector<80x2560xi32> to vector<80x2560xf32>
    %eq3A_47 = vector.broadcast %and3A_42 : vector<2560x1xi32> to vector<2560x128xi32>
    %eq3A_48 = arith.cmpi eq, %iota3A_2, %eq3A_47 : vector<2560x128xi32>
    %convert_element_type3A_49 = arith.extui %eq3A_48 : vector<2560x128xi1> to vector<2560x128xi32>
    %convert_element_type3A_50 = arith.sitofp %convert_element_type3A_49 : vector<2560x128xi32> to vector<2560x128xf32>
    %get3A_51 = arith.constant 1 : index
    %get3A_52 = arith.constant 0 : index
    %get3A_53 = arith.constant 0 : index
    %get3A_54 = vector.load %arg3[%get3A_51, %get3A_52, %get3A_53] : memref<2x80x128xf32, #tpu.memory_space<vmem>>, vector<1x80x128xf32>
    %get3A_55 = vector.shape_cast %get3A_54 : vector<1x80x128xf32> to vector<80x128xf32>
    %dot_general3A_56 = arith.constant dense<0.000000e+00> : vector<80x128xf32>
    %dot_general3A_57 = tpu.matmul %convert_element_type3A_46, %convert_element_type3A_50, %dot_general3A_56 {dimension_numbers = #tpu.dot_dimension_numbers<[1], [0], [0], [1], [0, 0, 1, 1], [], []>, transpose_lhs_hint = false} : vector<80x2560xf32>, vector<2560x128xf32>, vector<80x128xf32> -> vector<80x128xf32>
    %add3A_58 = arith.addf %get3A_55, %dot_general3A_57 : vector<80x128xf32>
    %swap3A_59 = arith.constant 1 : index
    %swap3A_60 = arith.constant 0 : index
    %swap3A_61 = arith.constant 0 : index
    %swap3A_62 = vector.load %arg3[%swap3A_59, %swap3A_60, %swap3A_61] : memref<2x80x128xf32, #tpu.memory_space<vmem>>, vector<1x80x128xf32>
    %swap3A_63 = vector.shape_cast %swap3A_62 : vector<1x80x128xf32> to vector<80x128xf32>
    %swap3A_64 = vector.shape_cast %add3A_58 : vector<80x128xf32> to vector<1x80x128xf32>
    tpu.vector_store %arg3[%swap3A_59, %swap3A_60, %swap3A_61], %swap3A_64 {strides = array<i32>} : memref<2x80x128xf32, #tpu.memory_space<vmem>>, vector<1x80x128xf32>,
    return
  }
  func.func @transform_0(%arg0: i32) -> (i32, i32) {
    %c0_i32 = arith.constant 0 : i32
    %c0_i32_0 = arith.constant 0 : i32
    return %c0_i32, %arg0 : i32, i32
  }
  func.func @transform_1(%arg0: i32) -> (i32, i32) {
    %c0_i32 = arith.constant 0 : i32
    %c0_i32_0 = arith.constant 0 : i32
    return %arg0, %c0_i32 : i32, i32
  }
  func.func @transform_2(%arg0: i32) -> (i32, i32, i32) {
    %c0_i32 = arith.constant 0 : i32
    %c0_i32_0 = arith.constant 0 : i32
    %c0_i32_1 = arith.constant 0 : i32
    %c0_i32_2 = arith.constant 0 : i32
    return %c0_i32, %c0_i32_0, %c0_i32_1 : i32, i32, i32
  }
}

module attributes {stable_mosaic.version = 14 : i64} {
  func.func @_tc_b_body(%arg0: i32, %arg1: memref<640x64xf32, #tpu.memory_space<vmem>>, %arg2: memref<640x64xf32, #tpu.memory_space<vmem>>, %arg3: memref<128x128xf32, #tpu.memory_space<vmem>>, %arg4: memref<640x2xf32, #tpu.memory_space<vmem>>, %arg5: memref<640x128xf32, #tpu.memory_space<vmem>>) attributes {dimension_semantics = [#tpu.dimension_semantics<arbitrary>], iteration_bounds = array<i64: 16>, scalar_prefetch = 0 : i64, scratch_operands = 0 : i64, tpu.core_type = #tpu.core_type<tc>, window_params = [{transform_indices = @transform_0, window_bounds = array<i64: 640, 64>}, {transform_indices = @transform_1, window_bounds = array<i64: 640, 64>}, {pipeline_mode = #tpu.pipeline_mode<synchronous>, transform_indices = @transform_2, window_bounds = array<i64: 128, 128>}, {transform_indices = @transform_3, window_bounds = array<i64: 640, 2>}, {transform_indices = @transform_4, window_bounds = array<i64: 640, 128>}]} {
    %get3A = arith.constant 0 : index
    %get3A_0 = arith.constant 0 : index
    %get3A_1 = vector.load %arg1[%get3A, %get3A_0] : memref<640x64xf32, #tpu.memory_space<vmem>>, vector<640x64xf32>
    %get3A_2 = arith.constant 0 : index
    %get3A_3 = arith.constant 0 : index
    %get3A_4 = vector.load %arg2[%get3A_2, %get3A_3] : memref<640x64xf32, #tpu.memory_space<vmem>>, vector<640x64xf32>
    %concatenate3A = tpu.concatenate %get3A_1, %get3A_4 in 1 : vector<640x64xf32>, vector<640x64xf32> -> vector<640x128xf32>
    %get3A_5 = arith.constant 0 : index
    %get3A_6 = arith.constant 0 : index
    %get3A_7 = vector.load %arg4[%get3A_5, %get3A_6] : memref<640x2xf32, #tpu.memory_space<vmem>>, vector<640x1xf32>
    %max3A = arith.constant 1.000000e+00 : f32
    %max3A_8 = vector.broadcast %max3A : f32 to vector<640x1xf32>
    %max3A_9 = arith.maximumf %get3A_7, %max3A_8 : vector<640x1xf32>
    %rsqrt3A = math.rsqrt %max3A_9 : vector<640x1xf32>
    %mul3A = vector.broadcast %rsqrt3A : vector<640x1xf32> to vector<640x128xf32>
    %mul3A_10 = arith.mulf %concatenate3A, %mul3A : vector<640x128xf32>
    %get3A_11 = arith.constant 0 : index
    %get3A_12 = arith.constant 0 : index
    %get3A_13 = vector.load %arg3[%get3A_11, %get3A_12] : memref<128x128xf32, #tpu.memory_space<vmem>>, vector<128x128xf32>
    %dot_general3A = arith.constant dense<0.000000e+00> : vector<640x128xf32>
    %dot_general3A_14 = tpu.matmul %mul3A_10, %get3A_13, %dot_general3A {dimension_numbers = #tpu.dot_dimension_numbers<[1], [0], [0], [1], [0, 0, 1, 1], [], []>, transpose_lhs_hint = false} : vector<640x128xf32>, vector<128x128xf32>, vector<640x128xf32> -> vector<640x128xf32>
    %swap3A = arith.constant 0 : index
    %swap3A_15 = arith.constant 0 : index
    %swap3A_16 = vector.load %arg5[%swap3A, %swap3A_15] : memref<640x128xf32, #tpu.memory_space<vmem>>, vector<640x128xf32>
    tpu.vector_store %arg5[%swap3A, %swap3A_15], %dot_general3A_14 {strides = array<i32>} : memref<640x128xf32, #tpu.memory_space<vmem>>, vector<640x128xf32>,
    return
  }
  func.func @transform_0(%arg0: i32) -> (i32, i32) {
    %c0_i32 = arith.constant 0 : i32
    %c0_i32_0 = arith.constant 0 : i32
    return %arg0, %c0_i32 : i32, i32
  }
  func.func @transform_1(%arg0: i32) -> (i32, i32) {
    %c0_i32 = arith.constant 0 : i32
    %c0_i32_0 = arith.constant 0 : i32
    return %arg0, %c0_i32 : i32, i32
  }
  func.func @transform_2(%arg0: i32) -> (i32, i32) {
    %c0_i32 = arith.constant 0 : i32
    %c0_i32_0 = arith.constant 0 : i32
    %c0_i32_1 = arith.constant 0 : i32
    return %c0_i32, %c0_i32_0 : i32, i32
  }
  func.func @transform_3(%arg0: i32) -> (i32, i32) {
    %c0_i32 = arith.constant 0 : i32
    %c0_i32_0 = arith.constant 0 : i32
    return %arg0, %c0_i32 : i32, i32
  }
  func.func @transform_4(%arg0: i32) -> (i32, i32) {
    %c0_i32 = arith.constant 0 : i32
    %c0_i32_0 = arith.constant 0 : i32
    return %arg0, %c0_i32 : i32, i32
  }
}

module attributes {stable_mosaic.version = 14 : i64} {
  func.func @_tc_d_body(%arg0: i32, %arg1: memref<2x640x128xf32, #tpu.memory_space<vmem>>, %arg2: memref<640x2xf32, #tpu.memory_space<vmem>>, %arg3: memref<1x128xf32, #tpu.memory_space<vmem>>, %arg4: memref<640x128xf32, #tpu.memory_space<vmem>>) attributes {dimension_semantics = [#tpu.dimension_semantics<arbitrary>], iteration_bounds = array<i64: 16>, scalar_prefetch = 0 : i64, scratch_operands = 0 : i64, tpu.core_type = #tpu.core_type<tc>, window_params = [{transform_indices = @transform_0, window_bounds = array<i64: 2, 640, 128>}, {transform_indices = @transform_1, window_bounds = array<i64: 640, 2>}, {pipeline_mode = #tpu.pipeline_mode<synchronous>, transform_indices = @transform_2, window_bounds = array<i64: 1, 128>}, {transform_indices = @transform_3, window_bounds = array<i64: 640, 128>}]} {
    %get3A = arith.constant 0 : index
    %get3A_0 = arith.constant 0 : index
    %get3A_1 = arith.constant 0 : index
    %get3A_2 = vector.load %arg1[%get3A, %get3A_0, %get3A_1] : memref<2x640x128xf32, #tpu.memory_space<vmem>>, vector<1x640x128xf32>
    %get3A_3 = vector.shape_cast %get3A_2 : vector<1x640x128xf32> to vector<640x128xf32>
    %get3A_4 = arith.constant 1 : index
    %get3A_5 = arith.constant 0 : index
    %get3A_6 = arith.constant 0 : index
    %get3A_7 = vector.load %arg1[%get3A_4, %get3A_5, %get3A_6] : memref<2x640x128xf32, #tpu.memory_space<vmem>>, vector<1x640x128xf32>
    %get3A_8 = vector.shape_cast %get3A_7 : vector<1x640x128xf32> to vector<640x128xf32>
    %add3A = arith.addf %get3A_3, %get3A_8 : vector<640x128xf32>
    %get3A_9 = arith.constant 0 : index
    %get3A_10 = arith.constant 0 : index
    %get3A_11 = vector.load %arg2[%get3A_9, %get3A_10] : memref<640x2xf32, #tpu.memory_space<vmem>>, vector<640x1xf32>
    %max3A = arith.constant 1.000000e+00 : f32
    %max3A_12 = vector.broadcast %max3A : f32 to vector<640x1xf32>
    %max3A_13 = arith.maximumf %get3A_11, %max3A_12 : vector<640x1xf32>
    %rsqrt3A = math.rsqrt %max3A_13 : vector<640x1xf32>
    %get3A_14 = arith.constant 0 : index
    %get3A_15 = arith.constant 1 : index
    %get3A_16 = vector.load %arg2[%get3A_14, %get3A_15] : memref<640x2xf32, #tpu.memory_space<vmem>>, vector<640x1xf32>
    %max3A_17 = arith.constant 1.000000e+00 : f32
    %max3A_18 = vector.broadcast %max3A_17 : f32 to vector<640x1xf32>
    %max3A_19 = arith.maximumf %get3A_16, %max3A_18 : vector<640x1xf32>
    %rsqrt3A_20 = math.rsqrt %max3A_19 : vector<640x1xf32>
    %mul3A = vector.broadcast %rsqrt3A_20 : vector<640x1xf32> to vector<640x128xf32>
    %mul3A_21 = arith.mulf %add3A, %mul3A : vector<640x128xf32>
    %get3A_22 = arith.constant 0 : index
    %get3A_23 = arith.constant 0 : index
    %get3A_24 = vector.load %arg3[%get3A_22, %get3A_23] : memref<1x128xf32, #tpu.memory_space<vmem>>, vector<1x128xf32>
    %add3A_25 = vector.broadcast %get3A_24 : vector<1x128xf32> to vector<640x128xf32>
    %add3A_26 = arith.addf %mul3A_21, %add3A_25 : vector<640x128xf32>
    %max3A_27 = arith.constant 0.000000e+00 : f32
    %max3A_28 = vector.broadcast %max3A_27 : f32 to vector<640x128xf32>
    %max3A_29 = arith.maximumf %add3A_26, %max3A_28 : vector<640x128xf32>
    %mul3A_30 = vector.broadcast %rsqrt3A : vector<640x1xf32> to vector<640x128xf32>
    %mul3A_31 = arith.mulf %max3A_29, %mul3A_30 : vector<640x128xf32>
    %swap3A = arith.constant 0 : index
    %swap3A_32 = arith.constant 0 : index
    %swap3A_33 = vector.load %arg4[%swap3A, %swap3A_32] : memref<640x128xf32, #tpu.memory_space<vmem>>, vector<640x128xf32>
    tpu.vector_store %arg4[%swap3A, %swap3A_32], %mul3A_31 {strides = array<i32>} : memref<640x128xf32, #tpu.memory_space<vmem>>, vector<640x128xf32>,
    return
  }
  func.func @transform_0(%arg0: i32) -> (i32, i32, i32) {
    %c0_i32 = arith.constant 0 : i32
    %c0_i32_0 = arith.constant 0 : i32
    %c0_i32_1 = arith.constant 0 : i32
    return %c0_i32, %arg0, %c0_i32_0 : i32, i32, i32
  }
  func.func @transform_1(%arg0: i32) -> (i32, i32) {
    %c0_i32 = arith.constant 0 : i32
    %c0_i32_0 = arith.constant 0 : i32
    return %arg0, %c0_i32 : i32, i32
  }
  func.func @transform_2(%arg0: i32) -> (i32, i32) {
    %c0_i32 = arith.constant 0 : i32
    %c0_i32_0 = arith.constant 0 : i32
    %c0_i32_1 = arith.constant 0 : i32
    return %c0_i32, %c0_i32_0 : i32, i32
  }
  func.func @transform_3(%arg0: i32) -> (i32, i32) {
    %c0_i32 = arith.constant 0 : i32
    %c0_i32_0 = arith.constant 0 : i32
    return %arg0, %c0_i32 : i32, i32
  }
}

module attributes {stable_mosaic.version = 14 : i64} {
  func.func @_tc_f_body(%arg0: i32, %arg1: memref<2x640x128xf32, #tpu.memory_space<vmem>>, %arg2: memref<640x2xf32, #tpu.memory_space<vmem>>, %arg3: memref<128x16xf32, #tpu.memory_space<vmem>>, %arg4: memref<1x16xf32, #tpu.memory_space<vmem>>, %arg5: memref<640x16xf32, #tpu.memory_space<vmem>>) attributes {dimension_semantics = [#tpu.dimension_semantics<arbitrary>], iteration_bounds = array<i64: 16>, scalar_prefetch = 0 : i64, scratch_operands = 0 : i64, tpu.core_type = #tpu.core_type<tc>, window_params = [{transform_indices = @transform_0, window_bounds = array<i64: 2, 640, 128>}, {transform_indices = @transform_1, window_bounds = array<i64: 640, 2>}, {pipeline_mode = #tpu.pipeline_mode<synchronous>, transform_indices = @transform_2, window_bounds = array<i64: 128, 16>}, {pipeline_mode = #tpu.pipeline_mode<synchronous>, transform_indices = @transform_3, window_bounds = array<i64: 1, 16>}, {transform_indices = @transform_4, window_bounds = array<i64: 640, 16>}]} {
    %get3A = arith.constant 0 : index
    %get3A_0 = arith.constant 0 : index
    %get3A_1 = arith.constant 0 : index
    %get3A_2 = vector.load %arg1[%get3A, %get3A_0, %get3A_1] : memref<2x640x128xf32, #tpu.memory_space<vmem>>, vector<1x640x128xf32>
    %get3A_3 = vector.shape_cast %get3A_2 : vector<1x640x128xf32> to vector<640x128xf32>
    %get3A_4 = arith.constant 1 : index
    %get3A_5 = arith.constant 0 : index
    %get3A_6 = arith.constant 0 : index
    %get3A_7 = vector.load %arg1[%get3A_4, %get3A_5, %get3A_6] : memref<2x640x128xf32, #tpu.memory_space<vmem>>, vector<1x640x128xf32>
    %get3A_8 = vector.shape_cast %get3A_7 : vector<1x640x128xf32> to vector<640x128xf32>
    %add3A = arith.addf %get3A_3, %get3A_8 : vector<640x128xf32>
    %get3A_9 = arith.constant 0 : index
    %get3A_10 = arith.constant 1 : index
    %get3A_11 = vector.load %arg2[%get3A_9, %get3A_10] : memref<640x2xf32, #tpu.memory_space<vmem>>, vector<640x1xf32>
    %max3A = arith.constant 1.000000e+00 : f32
    %max3A_12 = vector.broadcast %max3A : f32 to vector<640x1xf32>
    %max3A_13 = arith.maximumf %get3A_11, %max3A_12 : vector<640x1xf32>
    %rsqrt3A = math.rsqrt %max3A_13 : vector<640x1xf32>
    %mul3A = vector.broadcast %rsqrt3A : vector<640x1xf32> to vector<640x128xf32>
    %mul3A_14 = arith.mulf %add3A, %mul3A : vector<640x128xf32>
    %get3A_15 = arith.constant 0 : index
    %get3A_16 = arith.constant 0 : index
    %get3A_17 = vector.load %arg3[%get3A_15, %get3A_16] : memref<128x16xf32, #tpu.memory_space<vmem>>, vector<128x16xf32>
    %dot_general3A = arith.constant dense<0.000000e+00> : vector<640x16xf32>
    %dot_general3A_18 = tpu.matmul %mul3A_14, %get3A_17, %dot_general3A {dimension_numbers = #tpu.dot_dimension_numbers<[1], [0], [0], [1], [0, 0, 1, 1], [], []>, transpose_lhs_hint = false} : vector<640x128xf32>, vector<128x16xf32>, vector<640x16xf32> -> vector<640x16xf32>
    %get3A_19 = arith.constant 0 : index
    %get3A_20 = arith.constant 0 : index
    %get3A_21 = vector.load %arg4[%get3A_19, %get3A_20] : memref<1x16xf32, #tpu.memory_space<vmem>>, vector<1x16xf32>
    %add3A_22 = vector.broadcast %get3A_21 : vector<1x16xf32> to vector<640x16xf32>
    %add3A_23 = arith.addf %dot_general3A_18, %add3A_22 : vector<640x16xf32>
    %swap3A = arith.constant 0 : index
    %swap3A_24 = arith.constant 0 : index
    %swap3A_25 = vector.load %arg5[%swap3A, %swap3A_24] : memref<640x16xf32, #tpu.memory_space<vmem>>, vector<640x16xf32>
    tpu.vector_store %arg5[%swap3A, %swap3A_24], %add3A_23 {strides = array<i32>} : memref<640x16xf32, #tpu.memory_space<vmem>>, vector<640x16xf32>,
    return
  }
  func.func @transform_0(%arg0: i32) -> (i32, i32, i32) {
    %c0_i32 = arith.constant 0 : i32
    %c0_i32_0 = arith.constant 0 : i32
    %c0_i32_1 = arith.constant 0 : i32
    return %c0_i32, %arg0, %c0_i32_0 : i32, i32, i32
  }
  func.func @transform_1(%arg0: i32) -> (i32, i32) {
    %c0_i32 = arith.constant 0 : i32
    %c0_i32_0 = arith.constant 0 : i32
    return %arg0, %c0_i32 : i32, i32
  }
  func.func @transform_2(%arg0: i32) -> (i32, i32) {
    %c0_i32 = arith.constant 0 : i32
    %c0_i32_0 = arith.constant 0 : i32
    %c0_i32_1 = arith.constant 0 : i32
    return %c0_i32, %c0_i32_0 : i32, i32
  }
  func.func @transform_3(%arg0: i32) -> (i32, i32) {
    %c0_i32 = arith.constant 0 : i32
    %c0_i32_0 = arith.constant 0 : i32
    %c0_i32_1 = arith.constant 0 : i32
    return %c0_i32, %c0_i32_0 : i32, i32
  }
  func.func @transform_4(%arg0: i32) -> (i32, i32) {
    %c0_i32 = arith.constant 0 : i32
    %c0_i32_0 = arith.constant 0 : i32
    return %arg0, %c0_i32 : i32, i32
  }
}

</mosaic_0001>

<sc_bundles>
// kernel: kernel.11.cloned.1.call-start
scs
__scs_entry_jumppad:
0x0: {  	(pc) =	sbr.rel $0x88, $3  }
0x1: {  	(tag) =	ssettag $0x0;
	lr =	simm.s32 $0x1  }
0x2: {  	[smem:$0x3F9A] =	sst lr;
	_ =	strace $0xD0000000  }
0x3: {  	_ = 	snop  }
0x4: {  	_ = 	snop  }
0x5: {  	_ = 	snop  }
0x6: {  	_ = 	snop  }
0x7: {  	_ = 	snop  }
__scs_overlays_trampoline_lowered:
0x8: {  	[smem:$0x3FA9] =	sst s0  }
0x9: {  	[smem:$0x3FAA] =	sst s1  }
0xa: {  	[smem:$0x3FAB] =	sst s2  }
0xb: {  	[smem:$0x3FAC] =	sst s3  }
0xc: {  	[smem:$0x3FAD] =	sst s4  }
0xd: {  	[smem:$0x3FAE] =	sst s5  }
0xe: {  	[smem:$0x3FAF] =	sst s6  }
0xf: {  	[smem:$0x3FB0] =	sst s7  }
0x10: {  	[smem:$0x3FB1] =	sst s8  }
0x11: {  	[smem:$0x3FB2] =	sst s9;
	s0 =	simm.s32 @!p0 $0x0  }
0x12: {  	s1 =	sld [smem:$0x3F98];
	s0 =	simm.s32 @p0 $0x1  }
0x13: {  	[smem:$0x3FB3] =	sst s0;
	s0 =	simm.s32 @!p1 $0x0  }
0x14: {  	s2 =	sld [smem:$0x3F97];
	s0 =	simm.s32 @p1 $0x1  }
0x15: {  	[smem:$0x3FB4] =	sst s0;
	s0 =	simm.s32 @!p2 $0x0  }
0x16: {  	s3 =	sld [smem:$0x3FDB];
	s0 =	simm.s32 @p2 $0x1  }
0x17: {  	s4 =	simm.s32 $0x1BF5;
	[smem:$0x3FB6] =	sst s0  }
0x18: {  	s0 =	sld [smem:$0x3F99];
	_ =	swait.ge [sflag:s4], $0x0  }
0x19: {  	s7 =	sld [smem:$0x3F9A]  }
0x1a: {  	s8 =	sadd.s32 $0xFFFFE003, lr  }
0x1b: {  	s9 =	sadd.s32 $0xFFFFFEF7, lr;
	s5 =	simm.s32 $0xFFFFFFFF;
	p2 =	slt.u32 s8, $0xFFFFF086  }
0x1c: {  	p1 =	slt.u32 s9, $0xF7A;
	s5 =	simm.s32 @!p2 $0x0  }
0x1d: {  	s5 =	simm.s32 @p1 $0x1;
	p0 =	seq.s32 s7, s2  }
0x1e: {  	s7 =	smul.u32 @!p0 $0xF7A, s2;
	p2 =	seq.s32 @!p0 s5, $0x0  }
0x1f: {  	s9 =	smul.u32 $0xF7A, s1;
	s8 =	simm.s32 @!p0 $0x1BF5;
	p2 =	por !p2, p0  }
0x20: {  	[sflag:s8] =	ssyncset.s32 @!p0 $0xFFFFF086;
	s6 =	sadd.s32 @!p0 s3, s7;
	s7 =	simm.s32 @!p0 $0x108  }
0x21: {  	s3 =	sadd.s32 s3, s9;
	s6 =	sadd.s32 @!p0 $0x88, s6;
	s7 =	simm.s32 @p2 $0x1082  }
0x22: {  	[simem:s7], [sflag:s8] =	dma.local @!p0 [hbm:s6], $0xF7A  }
0x23: {  	s9 =	sor.u32 $0xD0000000, s2;
	s6 =	simm.s32 $0x108;
	_ =	swait.ge @!p0 [sflag:s8], $0x0  }
0x24: {  	s3 =	sadd.s32 $0x88, s3;
	s6 =	simm.s32 @!p1 $0x1082;
	[sflag:s4] =	ssyncset.s32 $0xFFFFF086  }
0x25: {  	[simem:s6], [sflag:s4] =	dma.local [hbm:s3], $0xF7A  }
0x26: {  	[smem:$0x3F9A] =	sst s1;
	(tag) =	ssettag s2;
	_ =	strace s9  }
0x27: {  	s1 =	sld [smem:$0x3FAA]  }
0x28: {  	s2 =	sld [smem:$0x3FAB]  }
0x29: {  	s4 =	sld [smem:$0x3FAD]  }
0x2a: {  	p0 =	seq.s32 s5, $0x0;
	s5 =	sld [smem:$0x3FAE]  }
0x2b: {  	s6 =	sld [smem:$0x3FAF]  }
0x2c: {  	s7 =	sld [smem:$0x3FB0]  }
0x2d: {  	s3 =	simm.s32 $0x108;
	s8 =	sld [smem:$0x3FB1]  }
0x2e: {  	s3 =	simm.s32 @!p0 $0x1082;
	s9 =	sld [smem:$0x3FB2]  }
0x2f: {  	lr =	sadd.s32 s0, s3;
	s0 =	sld [smem:$0x3FA9]  }
0x30: {  	s3 =	sld [smem:$0x3FAC]  }
0x31: {  	[smem:$0x3FB5] =	sst s10  }
0x32: {  	s10 =	sld [smem:$0x3FB3];
	_ =	sdelay $0x3  }
0x33: {  	p0 =	seq.s32 s10, $0x1;
	s10 =	sld [smem:$0x3FB5];
	_ =	sdelay $0x3  }
0x34: {  	[smem:$0x3FB5] =	sst s10  }
0x35: {  	s10 =	sld [smem:$0x3FB4];
	_ =	sdelay $0x3  }
0x36: {  	p1 =	seq.s32 s10, $0x1;
	s10 =	sld [smem:$0x3FB5];
	_ =	sdelay $0x3  }
0x37: {  	[smem:$0x3FB5] =	sst s10  }
0x38: {  	s10 =	sld [smem:$0x3FB6]  }
0x39: {  	_ = 	snop;
	(pc) =	sbr.ind lr, $3  }
0x3a: {  	_ = 	snop  }
0x3b: {  	_ = 	snop  }
0x3c: {  	p2 =	seq.s32 s10, $0x1;
	s10 =	sld [smem:$0x3FB5]  }
0x3d: {  	_ =	shalt  }
0x3e: {  	_ =	shalt  }
0x3f: {  	_ =	shalt  }
0x40: {  	_ =	shalt  }
0x41: {  	_ =	shalt  }
0x42: {  	_ =	shalt  }
0x43: {  	_ =	shalt  }
0x44: {  	_ =	shalt  }
0x45: {  	_ =	shalt  }
0x46: {  	_ =	shalt  }
0x47: {  	_ =	shalt  }
0x48: {  	_ =	shalt  }
0x49: {  	_ =	shalt  }
0x4a: {  	_ =	shalt  }
0x4b: {  	_ =	shalt  }
0x4c: {  	_ =	shalt  }
0x4d: {  	_ =	shalt  }
0x4e: {  	_ =	shalt  }
0x4f: {  	_ =	shalt  }
0x50: {  	_ =	shalt  }
0x51: {  	_ =	shalt  }
0x52: {  	_ =	shalt  }
0x53: {  	_ =	shalt  }
0x54: {  	_ =	shalt  }
0x55: {  	_ =	shalt  }
0x56: {  	_ =	shalt  }
0x57: {  	_ =	shalt  }
0x58: {  	_ =	shalt  }
0x59: {  	_ =	shalt  }
0x5a: {  	_ =	shalt  }
0x5b: {  	_ =	shalt  }
0x5c: {  	_ =	shalt  }
0x5d: {  	_ =	shalt  }
0x5e: {  	_ =	shalt  }
0x5f: {  	_ =	shalt  }
0x60: {  	_ =	shalt  }
0x61: {  	_ =	shalt  }
0x62: {  	_ =	shalt  }
0x63: {  	_ =	shalt  }
0x64: {  	_ =	shalt  }
0x65: {  	_ =	shalt  }
0x66: {  	_ =	shalt  }
0x67: {  	_ =	shalt  }
0x68: {  	_ =	shalt  }
0x69: {  	_ =	shalt  }
0x6a: {  	_ =	shalt  }
0x6b: {  	_ =	shalt  }
0x6c: {  	_ =	shalt  }
0x6d: {  	_ =	shalt  }
0x6e: {  	_ =	shalt  }
0x6f: {  	_ =	shalt  }
0x70: {  	_ =	shalt  }
0x71: {  	_ =	shalt  }
0x72: {  	_ =	shalt  }
0x73: {  	_ =	shalt  }
0x74: {  	_ =	shalt  }
0x75: {  	_ =	shalt  }
0x76: {  	_ =	shalt  }
0x77: {  	_ =	shalt  }
0x78: {  	_ =	shalt  }
0x79: {  	_ =	shalt  }
0x7a: {  	_ =	shalt  }
0x7b: {  	_ =	shalt  }
0x7c: {  	_ =	shalt  }
0x7d: {  	_ =	shalt  }
0x7e: {  	_ =	shalt  }
0x7f: {  	_ =	shalt  }
0x80: {  	_ =	shalt  }
0x81: {  	_ =	shalt  }
0x82: {  	_ =	shalt  }
0x83: {  	_ =	shalt  }
0x84: {  	_ =	shalt  }
0x85: {  	_ =	shalt  }
0x86: {  	_ =	shalt  }
0x87: {  	_ =	shalt  }
.Lfunc_end0:
.L_simem_size_0:
called_computation.1_lowered:
.L_overlay_start_0:
0x88: {  	s2 =	sld [smem:$0x3FD9]  }
0x89: {  	s3 =	sld [smem:$0x3FFE];
	_ =	sdelay $0x1  }
0x8a: {  	s1 =	srdreg.scid  }
0x8b: {  	s0 =	sand.u32 $0x1, s1  }
0x8c: {  	s16 =	sshll.u32 s0, $0xA;
	s2 =	sadd.s32 s3, s2  }
0x8d: {  	s2 =	sadd.s32 s2, s16  }
0x8e: {  	[smem:$0x3FC1] =	sst s2  }
0x8f: {  	_ = 	snop  }
0x90: {  	(tm) =	ssettm $0x1  }
0x91: {  	s17 =	sld [smem:$0x3FFB];
	_ =	sdelay $0x3  }
0x92: {  	_ =	strace s17  }
0x93: {  	s2 =	sld [smem:$0x3FFC];
	_ =	sdelay $0x3  }
0x94: {  	_ =	strace s2  }
0x95: {  	s2 =	sld [smem:$0x3FFD];
	_ =	sdelay $0x3  }
0x96: {  	_ =	strace s2  }
0x97: {  	_ =	strace $0x8FFFFFFF  }
0x98: {  	s18 =	sld [smem:$0x3FDB];
	_ =	sdelay $0x1  }
0x99: {  	s19 =	simm.s32 $_scs_section_size  }
0x9a: {  	s4 =	simm.s32 $_size__tile_overlayer_lowered;
	s5 =	simm.s32 $_tile_overlayer_lowered  }
0x9b: {  	s22 =	simm.s32 $0x1BFF;
	s21 =	sshll.u32 s5, $0x1;
	s2 =	sadd.s32 s19, s18  }
0x9c: {  	s6 =	simm.s32 $0x0;
	s20 =	sshll.u32 s4, $0x1;
	s4 =	sadd.s32 s21, s2  }
0x9d: {  	[timem:s6], [sflag:s22] =	dma.local [hbm:s4], s20  }
0x9e: {  	_ =	swait.ge [sflag:s22], s20  }
0x9f: {  	s3 =	ssub.s32 $0x0, s20;
	[sflag:s22] =	ssyncset.done $0x0  }
0xa0: {  	[sflag:s22] =	ssyncadd.s32 s3;
	_ =	sdelay $0x1  }
0xa1: {  	s23 =	simm.s32 $0x1B8B  }
0xa2: {  	_ =	swait.ge [sflag:s23], $0x1  }
0xa3: {  	[sflag:s23] =	ssyncset.done $0x0  }
0xa4: {  	s25 =	simm.s32 $0x1B8E;
	s24 =	sld [smem:$0x3FFE];
	[sflag:s23] =	ssyncadd.s32 $0xFFFFFFFF  }
0xa5: {  	s26 =	simm.s32 $execute0_lowered;
	[smem:$0x3FD2] =	sst s25  }
0xa6: {  	s4 =	sshll.u32 s26, $0x1;
	_ =	strace $0x80000049;
	[dreg:$0x1] =	wrdreg $0xFFFFFFFF  }
0xa7: {  	s28 =	simm.s32 $_size_execute0_lowered;
	s2 =	sadd.s32 s2, s4;
	[dreg:$0x0] =	wrdreg $0x0  }
0xa8: {  	s4 =	sshll.u32 s28, $0x1;
	[dreg:$0x2] =	wrdreg s2  }
0xa9: {  	[dreg:$0x3] =	wrdreg s4  }
0xaa: {  	[dreg:$0x4] =	wrdreg $0xC0  }
0xab: {  	_ =	task [dreg:s6], $0x5FFFF  }
0xac: {  	[dreg:$0x1] =	wrdreg $0xFFFFFFFF  }
0xad: {  	[dreg:$0x0] =	wrdreg $0x60  }
0xae: {  	[dreg:$0x2] =	wrdreg s24  }
0xaf: {  	[dreg:$0x3] =	wrdreg $0x9C000  }
0xb0: {  	[dreg:$0x4] =	wrdreg $0x9  }
0xb1: {  	_ =	task.clear_ibuf [dreg:s6], $0x5FFFF;
	_ =	strace $0x90000049  }
0xb2: {  	s29 =	simm.s32 $0x9;
	_ =	strace $0x8000004B  }
0xb3: {  	_ =	swait.ge [sflag:s29], $0x1  }
0xb4: {  	[sflag:s29] =	ssyncadd.s32 $0xFFFFFFFF  }
0xb5: {  	_ =	strace $0x9000004B  }
0xb6: {  	_ =	sfence  }
0xb7: {  	s30 =	sld [smem:$0x0];
	_ =	sdelay $0x2  }
0xb8: {  	s31 =	sshll.u32 s1, $0xD;
	s1 =	sshrl.u32 s1, $0x2  }
0xb9: {  	s3 =	sand.u32 $0x4000, s31;
	s1 =	sadd.s32 s1, s30  }
0xba: {  	s0 =	sor.u32 s3, s0;
	s1 =	sshll.u32 s1, $0x11  }
0xbb: {  	s0 =	sor.u32 s1, s0  }
0xbc: {  	s0 =	sadd.s32 $0x8F2B, s0  }
0xbd: {  	[sflag:s0] =	ssyncadd.remote.s32 $0x1  }
0xbe: {  	_ =	sfence.sel $0xFFFF  }
0xbf: {  	[dreg:$0x0] =	wrdreg $0xFFFFFFFF;
	(pc) =	sbr.abs _section_cstart, $3  }
0xc0: {  	[dreg:$0x1] =	wrdreg $0xFFFFFFFF  }
0xc1: {  	_ =	task.clear_ibuf [dreg:s6], $0x2FFFF;
	_ =	strace $0x9FFFFFFF  }
0xc2: {  	(tm) =	ssettm $0x7FFFFFFF  }
0xc3: {  	_ =	shalt  }
tec
execute0_lowered:
.L_overlay_start_1:
0x0: {  	(tag) =	ssettag $0x1  }
0x1: {  	s2 =	srdreg.scid;
	s8 =	stileid.u32  }
0x2: {  	s2 =	sand.u32 $0x1, s2;
	s6 =	smul.u32 $0x14000, s8  }
0x3: {  	s0 =	rddreg [dreg:$0x0];
	s5 =	smul.u32 $0x140000, s2  }
0x4: {  	s1 =	rddreg [dreg:$0x1];
	s7 =	smul.u32 $0x5000, s2;
	s2 =	ssub.s32 $0x2, s2  }
0x5: {  	s3 =	simm.s32 $0x0;
	s25 =	smul.u32 $0x50000, s8;
	s26 =	sshrl.u32 s2, $0x1  }
0x6: {  	[smem:$0x7FF] =	sst s3;
	s2 =	ssub.s32 s2, s26  }
0x7: {  	s5 =	sadd.s32 s6, s5;
	s6 =	sshrl.u32 s25, $0x2;
	s10 =	smax.u32 s2, $0x1  }
0x8: {  	_ =	strace $0x8000004A;
	s9 =	sadd.s32 s6, s1;
	[dreg:$0x5] =	wrdreg s10  }
0x9: {  	s28 =	simm.s32 $0x7D;
	s11 =	sadd.s32 $0x1400, s9;
	[dreg:$0x4] =	wrdreg s9  }
0xa: {  	s29 =	simm.s32 $0x800;
	s12 =	sadd.s32 $0x2800, s9;
	[dreg:$0x6] =	wrdreg s11  }
0xb: {  	s30 =	simm.s32 $0x1;
	s13 =	sadd.s32 $0x3C00, s9;
	[dreg:$0x7] =	wrdreg s12  }
0xc: {  	s31 =	simm.s32 $0x80;
	s14 =	sadd.s32 $0x5000, s9;
	[dreg:$0x8] =	wrdreg s13  }
0xd: {  	s4 =	sadd.s32 $0x1E00, s0;
	s15 =	sadd.s32 $0x6400, s9;
	[dreg:$0x9] =	wrdreg s14  }
0xe: {  	s21 =	smul.u32 $0x500, s8;
	s16 =	sadd.s32 $0x7800, s9;
	[dreg:$0xa] =	wrdreg s15  }
0xf: {  	s8 =	simm.s32 $0x180;
	s17 =	sadd.s32 $0x8C00, s9;
	[dreg:$0xb] =	wrdreg s16  }
0x10: {  	s7 =	sadd.s32 s7, s0;
	s18 =	sadd.s32 $0xA000, s9;
	[dreg:$0xc] =	wrdreg s17  }
0x11: {  	s5 =	sshrl.u32 s5, $0x3;
	s19 =	sadd.s32 $0xB400, s9;
	[dreg:$0xd] =	wrdreg s18  }
0x12: {  	s2 =	simm.s32 $0x2;
	s20 =	sadd.s32 $0xC800, s9;
	[dreg:$0xe] =	wrdreg s19  }
0x13: {  	s0 =	sadd.s32 s5, s0;
	s22 =	sadd.s32 $0xDC00, s9;
	[dreg:$0xf] =	wrdreg s20  }
0x14: {  	s23 =	sadd.s32 $0xF000, s9;
	s24 =	sadd.s32 $0x10400, s9;
	[dreg:$0x10] =	wrdreg s22  }
0x15: {  	s25 =	sadd.s32 $0x11800, s9;
	s26 =	sadd.s32 $0x12C00, s9;
	[dreg:$0x11] =	wrdreg s23  }
0x16: {  	s5 =	simm.s32 $0x100;
	s9 =	simm.s32 $0x500;
	[dreg:$0x12] =	wrdreg s24  }
0x17: {  	s10 =	simm.s32 $0x200;
	s0 =	sadd.s32 $0x29E00, s0;
	[dreg:$0x13] =	wrdreg s25  }
0x18: {  	[dreg:$0x14] =	wrdreg s26;
	s24 =	simm.s32 $0x8800;
	s25 =	simm.s32 $0x3  }
0x19: {  	s26 =	simm.s32 $0x400;
	s11 =	simm.s32 $0x580;
	s12 =	simm.s32 $0x280  }
0x1a: {  	s13 =	simm.s32 $0x600;
	s14 =	simm.s32 $0x300;
	s15 =	simm.s32 $0x680  }
0x1b: {  	s16 =	simm.s32 $0x380;
	s17 =	simm.s32 $0x700;
	s18 =	simm.s32 $0x780  }
0x1c: {  	s19 =	simm.s32 $0x0;
	[dreg:$0x3] =	wrdreg s0;
	s0 =	sadd.s32 s21, s7  }
0x1d: {  	v0 =	vimm.f32 $0.0e+00;
	s7 =	simm.s32 $0x480;
	s23 =	sadd.s32 $0x4E3E00, s0;
	s0 =	simm.s32 $0x4800  }
.LBB2_1:
0x1e: {  	s20 =	sand.u32 $0x7E00, s3  }
0x1f: {  	s21 =	sand.u32 $0x70, s3;
	s22 =	sshrl.u32 s20, $0x2  }
0x20: {  	s20 =	simm.s32 $0x40;
	s22 =	sor.u32 s21, s22;
	s21 =	simm.s32 $0x0  }
.LBB2_2:
0x21: {  	p0 =	sne.s32 s20, $0x4FC0  }
0x22: {  	[tilespmem:s22+$0x8800] =	vst v0;
	s21 =	sadd.s32 $0x10, s21;
	s22 =	smov.u32 s20;
	s20 =	sadd.s32 $0x40, s20  }
.Ltmp0:
0x23: {  	(pc) =	sbr.rel @p0 .LBB2_2-.Ltmp0, $4  }
0x24: {  	_ = 	snop  }
0x25: {  	s22 =	sand.u32 $0x7E00, s22  }
0x26: {  	s6 =	sand.u32 $0x70, s21;
	s22 =	sshrl.u32 s22, $0x2  }
0x27: {  	s22 =	sor.u32 s6, s22  }
0x28: {  	[tilespmem:s22+$0x8800] =	vst v0;
	s6 =	rddreg [dreg:$0x4]  }
0x29: {  	[spmem:s6] =	stream.linear.scatter [tilespmem:s24], [sflag:$0x3], $0x1400, $0x38;
	[tilespmem:$0x1DC00] =	vst v63  }
0x2a: {  	_ =	swait.ge [sflag:s25], $0x1400  }
0x2b: {  	[sflag:s25] =	ssyncset.done $0x0  }
0x2c: {  	s22 =	rddreg [dreg:$0x6];
	[sflag:s25] =	ssyncadd.s32 $0xFFFFEC00  }
0x2d: {  	[spmem:s22] =	stream.linear.scatter [tilespmem:s24], [sflag:$0x3], $0x1400, $0x38;
	[tilespmem:$0x1DC00] =	vst v63  }
0x2e: {  	_ =	swait.ge [sflag:s25], $0x1400  }
0x2f: {  	[sflag:s25] =	ssyncset.done $0x0  }
0x30: {  	s20 =	rddreg [dreg:$0x7];
	[sflag:s25] =	ssyncadd.s32 $0xFFFFEC00  }
0x31: {  	[spmem:s20] =	stream.linear.scatter [tilespmem:s24], [sflag:$0x3], $0x1400, $0x38;
	[tilespmem:$0x1DC00] =	vst v63  }
0x32: {  	_ =	swait.ge [sflag:s25], $0x1400  }
0x33: {  	[sflag:s25] =	ssyncset.done $0x0  }
0x34: {  	s21 =	rddreg [dreg:$0x8];
	[sflag:s25] =	ssyncadd.s32 $0xFFFFEC00  }
0x35: {  	[spmem:s21] =	stream.linear.scatter [tilespmem:s24], [sflag:$0x3], $0x1400, $0x38;
	[tilespmem:$0x1DC00] =	vst v63  }
0x36: {  	_ =	swait.ge [sflag:s25], $0x1400  }
0x37: {  	[sflag:s25] =	ssyncset.done $0x0  }
0x38: {  	s22 =	rddreg [dreg:$0x9];
	[sflag:s25] =	ssyncadd.s32 $0xFFFFEC00  }
0x39: {  	[spmem:s22] =	stream.linear.scatter [tilespmem:s24], [sflag:$0x3], $0x1400, $0x38;
	[tilespmem:$0x1DC00] =	vst v63  }
0x3a: {  	_ =	swait.ge [sflag:s25], $0x1400  }
0x3b: {  	[sflag:s25] =	ssyncset.done $0x0  }
0x3c: {  	s20 =	rddreg [dreg:$0xa];
	[sflag:s25] =	ssyncadd.s32 $0xFFFFEC00  }
0x3d: {  	[spmem:s20] =	stream.linear.scatter [tilespmem:s24], [sflag:$0x3], $0x1400, $0x38;
	[tilespmem:$0x1DC00] =	vst v63  }
0x3e: {  	_ =	swait.ge [sflag:s25], $0x1400  }
0x3f: {  	[sflag:s25] =	ssyncset.done $0x0  }
0x40: {  	s21 =	rddreg [dreg:$0xb];
	[sflag:s25] =	ssyncadd.s32 $0xFFFFEC00  }
0x41: {  	[spmem:s21] =	stream.linear.scatter [tilespmem:s24], [sflag:$0x3], $0x1400, $0x38;
	[tilespmem:$0x1DC00] =	vst v63  }
0x42: {  	_ =	swait.ge [sflag:s25], $0x1400  }
0x43: {  	[sflag:s25] =	ssyncset.done $0x0  }
0x44: {  	s22 =	rddreg [dreg:$0xc];
	[sflag:s25] =	ssyncadd.s32 $0xFFFFEC00  }
0x45: {  	[spmem:s22] =	stream.linear.scatter [tilespmem:s24], [sflag:$0x3], $0x1400, $0x38;
	[tilespmem:$0x1DC00] =	vst v63  }
0x46: {  	_ =	swait.ge [sflag:s25], $0x1400  }
0x47: {  	[sflag:s25] =	ssyncset.done $0x0  }
0x48: {  	s20 =	rddreg [dreg:$0xd];
	[sflag:s25] =	ssyncadd.s32 $0xFFFFEC00  }
0x49: {  	[spmem:s20] =	stream.linear.scatter [tilespmem:s24], [sflag:$0x3], $0x1400, $0x38;
	[tilespmem:$0x1DC00] =	vst v63  }
0x4a: {  	_ =	swait.ge [sflag:s25], $0x1400  }
0x4b: {  	[sflag:s25] =	ssyncset.done $0x0  }
0x4c: {  	s21 =	rddreg [dreg:$0xe];
	[sflag:s25] =	ssyncadd.s32 $0xFFFFEC00  }
0x4d: {  	[spmem:s21] =	stream.linear.scatter [tilespmem:s24], [sflag:$0x3], $0x1400, $0x38;
	[tilespmem:$0x1DC00] =	vst v63  }
0x4e: {  	_ =	swait.ge [sflag:s25], $0x1400  }
0x4f: {  	[sflag:s25] =	ssyncset.done $0x0  }
0x50: {  	s22 =	rddreg [dreg:$0xf];
	[sflag:s25] =	ssyncadd.s32 $0xFFFFEC00  }
0x51: {  	[spmem:s22] =	stream.linear.scatter [tilespmem:s24], [sflag:$0x3], $0x1400, $0x38;
	[tilespmem:$0x1DC00] =	vst v63  }
0x52: {  	_ =	swait.ge [sflag:s25], $0x1400  }
0x53: {  	[sflag:s25] =	ssyncset.done $0x0  }
0x54: {  	s20 =	rddreg [dreg:$0x10];
	[sflag:s25] =	ssyncadd.s32 $0xFFFFEC00  }
0x55: {  	[spmem:s20] =	stream.linear.scatter [tilespmem:s24], [sflag:$0x3], $0x1400, $0x38;
	[tilespmem:$0x1DC00] =	vst v63  }
0x56: {  	_ =	swait.ge [sflag:s25], $0x1400  }
0x57: {  	[sflag:s25] =	ssyncset.done $0x0  }
0x58: {  	s21 =	rddreg [dreg:$0x11];
	[sflag:s25] =	ssyncadd.s32 $0xFFFFEC00  }
0x59: {  	[spmem:s21] =	stream.linear.scatter [tilespmem:s24], [sflag:$0x3], $0x1400, $0x38;
	[tilespmem:$0x1DC00] =	vst v63  }
0x5a: {  	_ =	swait.ge [sflag:s25], $0x1400  }
0x5b: {  	[sflag:s25] =	ssyncset.done $0x0  }
0x5c: {  	s22 =	rddreg [dreg:$0x12];
	[sflag:s25] =	ssyncadd.s32 $0xFFFFEC00  }
0x5d: {  	[spmem:s22] =	stream.linear.scatter [tilespmem:s24], [sflag:$0x3], $0x1400, $0x38;
	[tilespmem:$0x1DC00] =	vst v63  }
0x5e: {  	_ =	swait.ge [sflag:s25], $0x1400  }
0x5f: {  	[sflag:s25] =	ssyncset.done $0x0  }
0x60: {  	s20 =	rddreg [dreg:$0x13];
	[sflag:s25] =	ssyncadd.s32 $0xFFFFEC00  }
0x61: {  	[spmem:s20] =	stream.linear.scatter [tilespmem:s24], [sflag:$0x3], $0x1400, $0x38;
	[tilespmem:$0x1DC00] =	vst v63  }
0x62: {  	_ =	swait.ge [sflag:s25], $0x1400  }
0x63: {  	[sflag:s25] =	ssyncset.done $0x0  }
0x64: {  	s21 =	rddreg [dreg:$0x14];
	[sflag:s25] =	ssyncadd.s32 $0xFFFFEC00  }
0x65: {  	[spmem:s21] =	stream.linear.scatter [tilespmem:s24], [sflag:$0x3], $0x1400, $0x38;
	[tilespmem:$0x1DC00] =	vst v63  }
0x66: {  	_ =	swait.ge [sflag:s25], $0x1400  }
0x67: {  	[sflag:s25] =	ssyncset.done $0x0  }
0x68: {  	[sflag:s25] =	ssyncadd.s32 $0xFFFFEC00  }
0x69: {  	s22 =	sadd.s32 $0x0, s23;
	[bflag:$0x0] =	sbarrier.arrive $0xFFFF  }
0x6a: {  	[tilespmem:s3], [sflag:$0x3] =	stream.linear.gather [hbm4b:s22+s3], $0x400, $0x38;
	[tilespmem:$0x1DC00] =	vst v63  }
0x6b: {  	_ =	swait.ge [sflag:s25], $0x400  }
0x6c: {  	[sflag:s25] =	ssyncset.done $0x0  }
0x6d: {  	s6 =	sadd.s32 $0xA000, s22;
	[sflag:s25] =	ssyncadd.s32 $0xFFFFFC00  }
0x6e: {  	[tilespmem:s26], [sflag:$0x3] =	stream.linear.gather [hbm4b:s6+s3], $0x400, $0x38;
	[tilespmem:$0x1DC00] =	vst v63  }
0x6f: {  	_ =	swait.ge [sflag:s25], $0x400  }
0x70: {  	[sflag:s25] =	ssyncset.done $0x0  }
0x71: {  	[sflag:s25] =	ssyncadd.s32 $0xFFFFFC00  }
0x72: {  	[tilespmem:s29], [sflag:$0x1] =	stream.indirect.gather [hbm4b:s4+s28], $0x80, s3, s28, $0xb8;
	[tilespmem:$0x1DC00] =	vst v63  }
0x73: {  	_ =	swait.ge [sflag:s30], $0x3E80  }
0x74: {  	[sflag:s30] =	ssyncset.done $0x0  }
0x75: {  	[sflag:s30] =	ssyncadd.s32 $0xFFFFC180  }
0x76: {  	[tilespmem:s0], [sflag:$0x1] =	stream.indirect.gather [hbm4b:s4+s28], $0x80, s31, s28, $0xb8;
	[tilespmem:$0x1DC00] =	vst v63  }
0x77: {  	_ = 	snop  }
0x78: {  	[spmem:s1] =	stream.indirect.scatter.add.f32 [tilespmem:s29], [sflag:$0x2], $0x80, s26, s28, $0xb8;
	[tilespmem:$0x1DC00] =	vst v63  }
0x79: {  	_ =	swait.ge [sflag:s30], $0x3E80  }
0x7a: {  	[sflag:s30] =	ssyncset.done $0x0  }
0x7b: {  	[sflag:s30] =	ssyncadd.s32 $0xFFFFC180  }
0x7c: {  	_ =	swait.ge [sflag:s2], $0x3E80  }
0x7d: {  	[sflag:s2] =	ssyncset.done $0x0  }
0x7e: {  	[sflag:s2] =	ssyncadd.s32 $0xFFFFC180  }
0x7f: {  	[tilespmem:s29], [sflag:$0x1] =	stream.indirect.gather [hbm4b:s4+s28], $0x80, s5, s28, $0xb8;
	[tilespmem:$0x1DC00] =	vst v63  }
0x80: {  	_ = 	snop  }
0x81: {  	[spmem:s1] =	stream.indirect.scatter.add.f32 [tilespmem:s0], [sflag:$0x2], $0x80, s7, s28, $0xb8;
	[tilespmem:$0x1DC00] =	vst v63  }
0x82: {  	_ =	swait.ge [sflag:s30], $0x3E80  }
0x83: {  	[sflag:s30] =	ssyncset.done $0x0  }
0x84: {  	[sflag:s30] =	ssyncadd.s32 $0xFFFFC180  }
0x85: {  	_ =	swait.ge [sflag:s2], $0x3E80  }
0x86: {  	[sflag:s2] =	ssyncset.done $0x0  }
0x87: {  	[sflag:s2] =	ssyncadd.s32 $0xFFFFC180  }
0x88: {  	[tilespmem:s0], [sflag:$0x1] =	stream.indirect.gather [hbm4b:s4+s28], $0x80, s8, s28, $0xb8;
	[tilespmem:$0x1DC00] =	vst v63  }
0x89: {  	_ = 	snop  }
0x8a: {  	[spmem:s1] =	stream.indirect.scatter.add.f32 [tilespmem:s29], [sflag:$0x2], $0x80, s9, s28, $0xb8;
	[tilespmem:$0x1DC00] =	vst v63  }
0x8b: {  	_ =	swait.ge [sflag:s30], $0x3E80  }
0x8c: {  	[sflag:s30] =	ssyncset.done $0x0  }
0x8d: {  	[sflag:s30] =	ssyncadd.s32 $0xFFFFC180  }
0x8e: {  	_ =	swait.ge [sflag:s2], $0x3E80  }
0x8f: {  	[sflag:s2] =	ssyncset.done $0x0  }
0x90: {  	[sflag:s2] =	ssyncadd.s32 $0xFFFFC180  }
0x91: {  	[tilespmem:s29], [sflag:$0x1] =	stream.indirect.gather [hbm4b:s4+s28], $0x80, s10, s28, $0xb8;
	[tilespmem:$0x1DC00] =	vst v63  }
0x92: {  	_ = 	snop  }
0x93: {  	[spmem:s1] =	stream.indirect.scatter.add.f32 [tilespmem:s0], [sflag:$0x2], $0x80, s11, s28, $0xb8;
	[tilespmem:$0x1DC00] =	vst v63  }
0x94: {  	_ =	swait.ge [sflag:s30], $0x3E80  }
0x95: {  	[sflag:s30] =	ssyncset.done $0x0  }
0x96: {  	[sflag:s30] =	ssyncadd.s32 $0xFFFFC180  }
0x97: {  	_ =	swait.ge [sflag:s2], $0x3E80  }
0x98: {  	[sflag:s2] =	ssyncset.done $0x0  }
0x99: {  	[sflag:s2] =	ssyncadd.s32 $0xFFFFC180  }
0x9a: {  	[tilespmem:s0], [sflag:$0x1] =	stream.indirect.gather [hbm4b:s4+s28], $0x80, s12, s28, $0xb8;
	[tilespmem:$0x1DC00] =	vst v63  }
0x9b: {  	_ = 	snop  }
0x9c: {  	[spmem:s1] =	stream.indirect.scatter.add.f32 [tilespmem:s29], [sflag:$0x2], $0x80, s13, s28, $0xb8;
	[tilespmem:$0x1DC00] =	vst v63  }
0x9d: {  	_ =	swait.ge [sflag:s30], $0x3E80  }
0x9e: {  	[sflag:s30] =	ssyncset.done $0x0  }
0x9f: {  	[sflag:s30] =	ssyncadd.s32 $0xFFFFC180  }
0xa0: {  	_ =	swait.ge [sflag:s2], $0x3E80  }
0xa1: {  	[sflag:s2] =	ssyncset.done $0x0  }
0xa2: {  	[sflag:s2] =	ssyncadd.s32 $0xFFFFC180  }
0xa3: {  	[tilespmem:s29], [sflag:$0x1] =	stream.indirect.gather [hbm4b:s4+s28], $0x80, s14, s28, $0xb8;
	[tilespmem:$0x1DC00] =	vst v63  }
0xa4: {  	_ = 	snop  }
0xa5: {  	[spmem:s1] =	stream.indirect.scatter.add.f32 [tilespmem:s0], [sflag:$0x2], $0x80, s15, s28, $0xb8;
	[tilespmem:$0x1DC00] =	vst v63  }
0xa6: {  	_ =	swait.ge [sflag:s30], $0x3E80  }
0xa7: {  	[sflag:s30] =	ssyncset.done $0x0  }
0xa8: {  	[sflag:s30] =	ssyncadd.s32 $0xFFFFC180  }
0xa9: {  	_ =	swait.ge [sflag:s2], $0x3E80  }
0xaa: {  	[sflag:s2] =	ssyncset.done $0x0  }
0xab: {  	[sflag:s2] =	ssyncadd.s32 $0xFFFFC180  }
0xac: {  	[tilespmem:s0], [sflag:$0x1] =	stream.indirect.gather [hbm4b:s4+s28], $0x80, s16, s28, $0xb8;
	[tilespmem:$0x1DC00] =	vst v63  }
0xad: {  	_ = 	snop  }
0xae: {  	[spmem:s1] =	stream.indirect.scatter.add.f32 [tilespmem:s29], [sflag:$0x2], $0x80, s17, s28, $0xb8;
	[tilespmem:$0x1DC00] =	vst v63  }
0xaf: {  	_ =	swait.ge [sflag:s30], $0x3E80  }
0xb0: {  	[sflag:s30] =	ssyncset.done $0x0  }
0xb1: {  	[sflag:s30] =	ssyncadd.s32 $0xFFFFC180  }
0xb2: {  	_ =	swait.ge [sflag:s2], $0x3E80  }
0xb3: {  	[sflag:s2] =	ssyncset.done $0x0  }
0xb4: {  	[sflag:s2] =	ssyncadd.s32 $0xFFFFC180  }
0xb5: {  	[spmem:s1] =	stream.indirect.scatter.add.f32 [tilespmem:s0], [sflag:$0x2], $0x80, s18, s28, $0xb8;
	[tilespmem:$0x1DC00] =	vst v63  }
0xb6: {  	_ =	swait.ge [sflag:s2], $0x3E80  }
0xb7: {  	s20 =	simm.s32 $0x80;
	s21 =	simm.s32 $0x100;
	[sflag:s2] =	ssyncset.done $0x0  }
.LBB2_4:
0xb8: {  	s6 =	sadd.s32 s20, s23  }
0xb9: {  	[sflag:s2] =	ssyncadd.s32 $0xFFFFC180;
	s20 =	smov.u32 s21;
	s22 =	sadd.s32 $0x80, s21  }
0xba: {  	[tilespmem:s3], [sflag:$0x3] =	stream.linear.gather [hbm4b:s6+s3], $0x400, $0x38;
	[tilespmem:$0x1DC00] =	vst v63  }
0xbb: {  	p0 =	sne.s32 s21, $0x480;
	_ =	swait.ge [sflag:s25], $0x400  }
0xbc: {  	[sflag:s25] =	ssyncset.done $0x0  }
0xbd: {  	s6 =	sadd.s32 $0xA000, s6;
	[sflag:s25] =	ssyncadd.s32 $0xFFFFFC00  }
0xbe: {  	[tilespmem:s26], [sflag:$0x3] =	stream.linear.gather [hbm4b:s6+s3], $0x400, $0x38;
	[tilespmem:$0x1DC00] =	vst v63  }
0xbf: {  	_ =	swait.ge [sflag:s25], $0x400  }
0xc0: {  	[sflag:s25] =	ssyncset.done $0x0  }
0xc1: {  	[sflag:s25] =	ssyncadd.s32 $0xFFFFFC00  }
0xc2: {  	[tilespmem:s29], [sflag:$0x1] =	stream.indirect.gather [hbm4b:s4+s28], $0x80, s3, s28, $0xb8;
	[tilespmem:$0x1DC00] =	vst v63  }
0xc3: {  	_ =	swait.ge [sflag:s30], $0x3E80  }
0xc4: {  	[sflag:s30] =	ssyncset.done $0x0  }
0xc5: {  	[sflag:s30] =	ssyncadd.s32 $0xFFFFC180  }
0xc6: {  	[tilespmem:s0], [sflag:$0x1] =	stream.indirect.gather [hbm4b:s4+s28], $0x80, s31, s28, $0xb8;
	[tilespmem:$0x1DC00] =	vst v63  }
0xc7: {  	_ = 	snop  }
0xc8: {  	[spmem:s1] =	stream.indirect.scatter.add.f32 [tilespmem:s29], [sflag:$0x2], $0x80, s26, s28, $0xb8;
	[tilespmem:$0x1DC00] =	vst v63  }
0xc9: {  	_ =	swait.ge [sflag:s30], $0x3E80  }
0xca: {  	[sflag:s30] =	ssyncset.done $0x0  }
0xcb: {  	[sflag:s30] =	ssyncadd.s32 $0xFFFFC180  }
0xcc: {  	_ =	swait.ge [sflag:s2], $0x3E80  }
0xcd: {  	[sflag:s2] =	ssyncset.done $0x0  }
0xce: {  	[sflag:s2] =	ssyncadd.s32 $0xFFFFC180  }
0xcf: {  	[tilespmem:s29], [sflag:$0x1] =	stream.indirect.gather [hbm4b:s4+s28], $0x80, s5, s28, $0xb8;
	[tilespmem:$0x1DC00] =	vst v63  }
0xd0: {  	_ = 	snop  }
0xd1: {  	[spmem:s1] =	stream.indirect.scatter.add.f32 [tilespmem:s0], [sflag:$0x2], $0x80, s7, s28, $0xb8;
	[tilespmem:$0x1DC00] =	vst v63  }
0xd2: {  	_ =	swait.ge [sflag:s30], $0x3E80  }
0xd3: {  	[sflag:s30] =	ssyncset.done $0x0  }
0xd4: {  	[sflag:s30] =	ssyncadd.s32 $0xFFFFC180  }
0xd5: {  	_ =	swait.ge [sflag:s2], $0x3E80  }
0xd6: {  	[sflag:s2] =	ssyncset.done $0x0  }
0xd7: {  	[sflag:s2] =	ssyncadd.s32 $0xFFFFC180  }
0xd8: {  	[tilespmem:s0], [sflag:$0x1] =	stream.indirect.gather [hbm4b:s4+s28], $0x80, s8, s28, $0xb8;
	[tilespmem:$0x1DC00] =	vst v63  }
0xd9: {  	_ = 	snop  }
0xda: {  	[spmem:s1] =	stream.indirect.scatter.add.f32 [tilespmem:s29], [sflag:$0x2], $0x80, s9, s28, $0xb8;
	[tilespmem:$0x1DC00] =	vst v63  }
0xdb: {  	_ =	swait.ge [sflag:s30], $0x3E80  }
0xdc: {  	[sflag:s30] =	ssyncset.done $0x0  }
0xdd: {  	[sflag:s30] =	ssyncadd.s32 $0xFFFFC180  }
0xde: {  	_ =	swait.ge [sflag:s2], $0x3E80  }
0xdf: {  	[sflag:s2] =	ssyncset.done $0x0  }
0xe0: {  	[sflag:s2] =	ssyncadd.s32 $0xFFFFC180  }
0xe1: {  	[tilespmem:s29], [sflag:$0x1] =	stream.indirect.gather [hbm4b:s4+s28], $0x80, s10, s28, $0xb8;
	[tilespmem:$0x1DC00] =	vst v63  }
0xe2: {  	_ = 	snop  }
0xe3: {  	[spmem:s1] =	stream.indirect.scatter.add.f32 [tilespmem:s0], [sflag:$0x2], $0x80, s11, s28, $0xb8;
	[tilespmem:$0x1DC00] =	vst v63  }
0xe4: {  	_ =	swait.ge [sflag:s30], $0x3E80  }
0xe5: {  	[sflag:s30] =	ssyncset.done $0x0  }
0xe6: {  	[sflag:s30] =	ssyncadd.s32 $0xFFFFC180  }
0xe7: {  	_ =	swait.ge [sflag:s2], $0x3E80  }
0xe8: {  	[sflag:s2] =	ssyncset.done $0x0  }
0xe9: {  	[sflag:s2] =	ssyncadd.s32 $0xFFFFC180  }
0xea: {  	[tilespmem:s0], [sflag:$0x1] =	stream.indirect.gather [hbm4b:s4+s28], $0x80, s12, s28, $0xb8;
	[tilespmem:$0x1DC00] =	vst v63  }
0xeb: {  	_ = 	snop  }
0xec: {  	[spmem:s1] =	stream.indirect.scatter.add.f32 [tilespmem:s29], [sflag:$0x2], $0x80, s13, s28, $0xb8;
	[tilespmem:$0x1DC00] =	vst v63  }
0xed: {  	_ =	swait.ge [sflag:s30], $0x3E80  }
0xee: {  	[sflag:s30] =	ssyncset.done $0x0  }
0xef: {  	[sflag:s30] =	ssyncadd.s32 $0xFFFFC180  }
0xf0: {  	_ =	swait.ge [sflag:s2], $0x3E80  }
0xf1: {  	[sflag:s2] =	ssyncset.done $0x0  }
0xf2: {  	[sflag:s2] =	ssyncadd.s32 $0xFFFFC180  }
0xf3: {  	[tilespmem:s29], [sflag:$0x1] =	stream.indirect.gather [hbm4b:s4+s28], $0x80, s14, s28, $0xb8;
	[tilespmem:$0x1DC00] =	vst v63  }
0xf4: {  	_ = 	snop  }
0xf5: {  	[spmem:s1] =	stream.indirect.scatter.add.f32 [tilespmem:s0], [sflag:$0x2], $0x80, s15, s28, $0xb8;
	[tilespmem:$0x1DC00] =	vst v63  }
0xf6: {  	_ =	swait.ge [sflag:s30], $0x3E80  }
0xf7: {  	[sflag:s30] =	ssyncset.done $0x0  }
0xf8: {  	[sflag:s30] =	ssyncadd.s32 $0xFFFFC180  }
0xf9: {  	_ =	swait.ge [sflag:s2], $0x3E80  }
0xfa: {  	[sflag:s2] =	ssyncset.done $0x0  }
0xfb: {  	[sflag:s2] =	ssyncadd.s32 $0xFFFFC180  }
0xfc: {  	[tilespmem:s0], [sflag:$0x1] =	stream.indirect.gather [hbm4b:s4+s28], $0x80, s16, s28, $0xb8;
	[tilespmem:$0x1DC00] =	vst v63  }
0xfd: {  	_ = 	snop  }
0xfe: {  	[spmem:s1] =	stream.indirect.scatter.add.f32 [tilespmem:s29], [sflag:$0x2], $0x80, s17, s28, $0xb8;
	[tilespmem:$0x1DC00] =	vst v63  }
0xff: {  	_ =	swait.ge [sflag:s30], $0x3E80  }
0x100: {  	[sflag:s30] =	ssyncset.done $0x0  }
0x101: {  	[sflag:s30] =	ssyncadd.s32 $0xFFFFC180  }
0x102: {  	_ =	swait.ge [sflag:s2], $0x3E80  }
.Ltmp1:
0x103: {  	[sflag:s2] =	ssyncset.done $0x0;
	(pc) =	sbr.rel @p0 .LBB2_4-.Ltmp1, $4  }
0x104: {  	[sflag:s2] =	ssyncadd.s32 $0xFFFFC180  }
0x105: {  	[spmem:s1] =	stream.indirect.scatter.add.f32 [tilespmem:s0], [sflag:$0x2], $0x80, s18, s28, $0xb8;
	[tilespmem:$0x1DC00] =	vst v63  }
0x106: {  	_ =	swait.ge [sflag:s2], $0x3E80  }
0x107: {  	s21 =	smov.u32 s22;
	[sflag:s2] =	ssyncset.done $0x0  }
0x108: {  	s6 =	sadd.s32 s20, s23;
	[sflag:s2] =	ssyncadd.s32 $0xFFFFC180  }
0x109: {  	[tilespmem:s3], [sflag:$0x3] =	stream.linear.gather [hbm4b:s6+s3], $0x400, $0x38;
	[tilespmem:$0x1DC00] =	vst v63  }
0x10a: {  	_ =	swait.ge [sflag:s25], $0x400  }
0x10b: {  	[sflag:s25] =	ssyncset.done $0x0  }
0x10c: {  	s6 =	sadd.s32 $0xA000, s6;
	[sflag:s25] =	ssyncadd.s32 $0xFFFFFC00  }
0x10d: {  	[tilespmem:s26], [sflag:$0x3] =	stream.linear.gather [hbm4b:s6+s3], $0x400, $0x38;
	[tilespmem:$0x1DC00] =	vst v63  }
0x10e: {  	_ =	swait.ge [sflag:s25], $0x400  }
0x10f: {  	[sflag:s25] =	ssyncset.done $0x0  }
0x110: {  	[sflag:s25] =	ssyncadd.s32 $0xFFFFFC00  }
0x111: {  	[tilespmem:s29], [sflag:$0x1] =	stream.indirect.gather [hbm4b:s4+s28], $0x80, s3, s28, $0xb8;
	[tilespmem:$0x1DC00] =	vst v63  }
0x112: {  	_ =	swait.ge [sflag:s30], $0x3E80  }
0x113: {  	[sflag:s30] =	ssyncset.done $0x0  }
0x114: {  	[sflag:s30] =	ssyncadd.s32 $0xFFFFC180  }
0x115: {  	[tilespmem:s0], [sflag:$0x1] =	stream.indirect.gather [hbm4b:s4+s28], $0x80, s31, s28, $0xb8;
	[tilespmem:$0x1DC00] =	vst v63  }
0x116: {  	_ = 	snop  }
0x117: {  	[spmem:s1] =	stream.indirect.scatter.add.f32 [tilespmem:s29], [sflag:$0x2], $0x80, s26, s28, $0xb8;
	[tilespmem:$0x1DC00] =	vst v63  }
0x118: {  	_ =	swait.ge [sflag:s30], $0x3E80  }
0x119: {  	[sflag:s30] =	ssyncset.done $0x0  }
0x11a: {  	[sflag:s30] =	ssyncadd.s32 $0xFFFFC180  }
0x11b: {  	_ =	swait.ge [sflag:s2], $0x3E80  }
0x11c: {  	[sflag:s2] =	ssyncset.done $0x0  }
0x11d: {  	[sflag:s2] =	ssyncadd.s32 $0xFFFFC180  }
0x11e: {  	[tilespmem:s29], [sflag:$0x1] =	stream.indirect.gather [hbm4b:s4+s28], $0x80, s5, s28, $0xb8;
	[tilespmem:$0x1DC00] =	vst v63  }
0x11f: {  	_ = 	snop  }
0x120: {  	[spmem:s1] =	stream.indirect.scatter.add.f32 [tilespmem:s0], [sflag:$0x2], $0x80, s7, s28, $0xb8;
	[tilespmem:$0x1DC00] =	vst v63  }
0x121: {  	_ =	swait.ge [sflag:s30], $0x3E80  }
0x122: {  	[sflag:s30] =	ssyncset.done $0x0  }
0x123: {  	[sflag:s30] =	ssyncadd.s32 $0xFFFFC180  }
0x124: {  	_ =	swait.ge [sflag:s2], $0x3E80  }
0x125: {  	[sflag:s2] =	ssyncset.done $0x0  }
0x126: {  	[sflag:s2] =	ssyncadd.s32 $0xFFFFC180  }
0x127: {  	[tilespmem:s0], [sflag:$0x1] =	stream.indirect.gather [hbm4b:s4+s28], $0x80, s8, s28, $0xb8;
	[tilespmem:$0x1DC00] =	vst v63  }
0x128: {  	_ = 	snop  }
0x129: {  	[spmem:s1] =	stream.indirect.scatter.add.f32 [tilespmem:s29], [sflag:$0x2], $0x80, s9, s28, $0xb8;
	[tilespmem:$0x1DC00] =	vst v63  }
0x12a: {  	_ =	swait.ge [sflag:s30], $0x3E80  }
0x12b: {  	[sflag:s30] =	ssyncset.done $0x0  }
0x12c: {  	[sflag:s30] =	ssyncadd.s32 $0xFFFFC180  }
0x12d: {  	_ =	swait.ge [sflag:s2], $0x3E80  }
0x12e: {  	[sflag:s2] =	ssyncset.done $0x0  }
0x12f: {  	[sflag:s2] =	ssyncadd.s32 $0xFFFFC180  }
0x130: {  	[tilespmem:s29], [sflag:$0x1] =	stream.indirect.gather [hbm4b:s4+s28], $0x80, s10, s28, $0xb8;
	[tilespmem:$0x1DC00] =	vst v63  }
0x131: {  	_ = 	snop  }
0x132: {  	[spmem:s1] =	stream.indirect.scatter.add.f32 [tilespmem:s0], [sflag:$0x2], $0x80, s11, s28, $0xb8;
	[tilespmem:$0x1DC00] =	vst v63  }
0x133: {  	_ =	swait.ge [sflag:s30], $0x3E80  }
0x134: {  	[sflag:s30] =	ssyncset.done $0x0  }
0x135: {  	[sflag:s30] =	ssyncadd.s32 $0xFFFFC180  }
0x136: {  	_ =	swait.ge [sflag:s2], $0x3E80  }
0x137: {  	[sflag:s2] =	ssyncset.done $0x0  }
0x138: {  	[sflag:s2] =	ssyncadd.s32 $0xFFFFC180  }
0x139: {  	[tilespmem:s0], [sflag:$0x1] =	stream.indirect.gather [hbm4b:s4+s28], $0x80, s12, s28, $0xb8;
	[tilespmem:$0x1DC00] =	vst v63  }
0x13a: {  	_ = 	snop  }
0x13b: {  	[spmem:s1] =	stream.indirect.scatter.add.f32 [tilespmem:s29], [sflag:$0x2], $0x80, s13, s28, $0xb8;
	[tilespmem:$0x1DC00] =	vst v63  }
0x13c: {  	_ =	swait.ge [sflag:s30], $0x3E80  }
0x13d: {  	[sflag:s30] =	ssyncset.done $0x0  }
0x13e: {  	[sflag:s30] =	ssyncadd.s32 $0xFFFFC180  }
0x13f: {  	_ =	swait.ge [sflag:s2], $0x3E80  }
0x140: {  	[sflag:s2] =	ssyncset.done $0x0  }
0x141: {  	[sflag:s2] =	ssyncadd.s32 $0xFFFFC180  }
0x142: {  	[tilespmem:s29], [sflag:$0x1] =	stream.indirect.gather [hbm4b:s4+s28], $0x80, s14, s28, $0xb8;
	[tilespmem:$0x1DC00] =	vst v63  }
0x143: {  	_ = 	snop  }
0x144: {  	[spmem:s1] =	stream.indirect.scatter.add.f32 [tilespmem:s0], [sflag:$0x2], $0x80, s15, s28, $0xb8;
	[tilespmem:$0x1DC00] =	vst v63  }
0x145: {  	_ =	swait.ge [sflag:s30], $0x3E80  }
0x146: {  	[sflag:s30] =	ssyncset.done $0x0  }
0x147: {  	[sflag:s30] =	ssyncadd.s32 $0xFFFFC180  }
0x148: {  	_ =	swait.ge [sflag:s2], $0x3E80  }
0x149: {  	[sflag:s2] =	ssyncset.done $0x0  }
0x14a: {  	[sflag:s2] =	ssyncadd.s32 $0xFFFFC180  }
0x14b: {  	[tilespmem:s0], [sflag:$0x1] =	stream.indirect.gather [hbm4b:s4+s28], $0x80, s16, s28, $0xb8;
	[tilespmem:$0x1DC00] =	vst v63  }
0x14c: {  	_ = 	snop  }
0x14d: {  	[spmem:s1] =	stream.indirect.scatter.add.f32 [tilespmem:s29], [sflag:$0x2], $0x80, s17, s28, $0xb8;
	[tilespmem:$0x1DC00] =	vst v63  }
0x14e: {  	_ =	swait.ge [sflag:s30], $0x3E80  }
0x14f: {  	[sflag:s30] =	ssyncset.done $0x0  }
0x150: {  	[sflag:s30] =	ssyncadd.s32 $0xFFFFC180  }
0x151: {  	_ =	swait.ge [sflag:s2], $0x3E80  }
0x152: {  	[sflag:s2] =	ssyncset.done $0x0  }
0x153: {  	[sflag:s2] =	ssyncadd.s32 $0xFFFFC180  }
0x154: {  	[spmem:s1] =	stream.indirect.scatter.add.f32 [tilespmem:s0], [sflag:$0x2], $0x80, s18, s28, $0xb8;
	[tilespmem:$0x1DC00] =	vst v63  }
0x155: {  	_ =	swait.ge [sflag:s2], $0x3E80  }
0x156: {  	[sflag:s2] =	ssyncset.done $0x0  }
0x157: {  	[sflag:s2] =	ssyncadd.s32 $0xFFFFC180  }
0x158: {  	s20 =	stileid.u32;
	[bflag:$0x0] =	sbarrier.arrive $0xFFFF  }
0x159: {  	s6 =	sshll.u32 s20, $0x6;
	s21 =	rddreg [dreg:$0x4]  }
0x15a: {  	s6 =	sor.u32 $0x1C03, s6;
	s20 =	sshrl.u32 s21, $0x3;
	s21 =	rddreg [dreg:$0x3]  }
0x15b: {  	[hbm:s21], [sflag:s6] =	dma.local [spmem:s20], $0x2800  }
0x15c: {  	_ =	swait.ge [sflag:s25], $0x2800  }
0x15d: {  	s19 =	sadd.s32 $0x1, s19;
	s22 =	rddreg [dreg:$0x5]  }
0x15e: {  	p0 =	sne.s32 s19, s22  }
.Ltmp2:
0x15f: {  	_ = 	snop;
	(pc) =	sbr.rel @p0 .LBB2_1-.Ltmp2, $3  }
0x160: {  	_ =	sdelay $0x1  }
0x161: {  	[sflag:s25] =	ssyncset.done $0x0  }
0x162: {  	[sflag:s25] =	ssyncadd.s32 $0xFFFFD800  }
0x163: {  	_ =	sfence.sel $0x180000  }
0x164: {  	[bflag:$0x0] =	sbarrier.arrive $0xFFFF  }
0x165: {  	_ =	strace $0x9000004A  }
0x166: {  	s0 =	stileid.u32;
	[bflag:$0x2] =	sbarrier.arrive $0xFFFF  }
0x167: {  	p0 =	sne.s32 s0, $0x0;
	s0 =	rddreg [dreg:$0x2]  }
0x168: {  	s0 =	sadd.s32 @!p0 $0x100000, s0  }
0x169: {  	[sflag:s0] =	ssyncadd.tile.s32 @!p0 $0x1;
	_ =	shalt  }
.Lfunc_end2:
_tile_overlayer_lowered:
.L_overlay_start_2:
0x16a: {  	(tag) =	ssettag $0x2  }
0x16b: {  	s0 =	rddreg [dreg:$0x0];
	s2 =	stileid.u32  }
0x16c: {  	s1 =	rddreg [dreg:$0x1];
	p0 =	sne.s32 s2, $0x0  }
0x16d: {  	s3 =	rddreg [dreg:$0x2];
	[bflag:$0x3] =	sbarrier.arrive $0xFFFF;
	s2 =	simm.s32 @!p0 $0x1C03  }
0x16e: {  	[timem:s3], [sflag:s2] =	dma.local @!p0 [hbm:s0], s1  }
0x16f: {  	s0 =	simm.s32 @!p0 $0x3  }
0x170: {  	_ =	swait.ge @!p0 [sflag:s0], s1  }
0x171: {  	s1 =	ssub.s32 @!p0 $0x0, s1;
	[sflag:s0] =	ssyncset.done @!p0 $0x0  }
0x172: {  	[sflag:s0] =	ssyncadd.s32 @!p0 s1  }
0x173: {  	[bflag:$0x3] =	sbarrier.arrive $0xFFFF  }
0x174: {  	_ =	shalt  }

// kernel: kernel.8.cloned.1.call-start
scs
__scs_entry_jumppad:
0x0: {  	(pc) =	sbr.rel $0x88, $3  }
0x1: {  	(tag) =	ssettag $0x0;
	lr =	simm.s32 $0x1  }
0x2: {  	[smem:$0x3F9A] =	sst lr;
	_ =	strace $0xD0000000  }
0x3: {  	_ = 	snop  }
0x4: {  	_ = 	snop  }
0x5: {  	_ = 	snop  }
0x6: {  	_ = 	snop  }
0x7: {  	_ = 	snop  }
__scs_overlays_trampoline_lowered:
0x8: {  	[smem:$0x3FA9] =	sst s0  }
0x9: {  	[smem:$0x3FAA] =	sst s1  }
0xa: {  	[smem:$0x3FAB] =	sst s2  }
0xb: {  	[smem:$0x3FAC] =	sst s3  }
0xc: {  	[smem:$0x3FAD] =	sst s4  }
0xd: {  	[smem:$0x3FAE] =	sst s5  }
0xe: {  	[smem:$0x3FAF] =	sst s6  }
0xf: {  	[smem:$0x3FB0] =	sst s7  }
0x10: {  	[smem:$0x3FB1] =	sst s8  }
0x11: {  	[smem:$0x3FB2] =	sst s9;
	s0 =	simm.s32 @!p0 $0x0  }
0x12: {  	s1 =	sld [smem:$0x3F98];
	s0 =	simm.s32 @p0 $0x1  }
0x13: {  	[smem:$0x3FB3] =	sst s0;
	s0 =	simm.s32 @!p1 $0x0  }
0x14: {  	s2 =	sld [smem:$0x3F97];
	s0 =	simm.s32 @p1 $0x1  }
0x15: {  	[smem:$0x3FB4] =	sst s0;
	s0 =	simm.s32 @!p2 $0x0  }
0x16: {  	s3 =	sld [smem:$0x3FDB];
	s0 =	simm.s32 @p2 $0x1  }
0x17: {  	s4 =	simm.s32 $0x1BF5;
	[smem:$0x3FB6] =	sst s0  }
0x18: {  	s0 =	sld [smem:$0x3F99];
	_ =	swait.ge [sflag:s4], $0x0  }
0x19: {  	s7 =	sld [smem:$0x3F9A]  }
0x1a: {  	s8 =	sadd.s32 $0xFFFFE003, lr  }
0x1b: {  	s9 =	sadd.s32 $0xFFFFFEF7, lr;
	s5 =	simm.s32 $0xFFFFFFFF;
	p2 =	slt.u32 s8, $0xFFFFF086  }
0x1c: {  	p1 =	slt.u32 s9, $0xF7A;
	s5 =	simm.s32 @!p2 $0x0  }
0x1d: {  	s5 =	simm.s32 @p1 $0x1;
	p0 =	seq.s32 s7, s2  }
0x1e: {  	s7 =	smul.u32 @!p0 $0xF7A, s2;
	p2 =	seq.s32 @!p0 s5, $0x0  }
0x1f: {  	s9 =	smul.u32 $0xF7A, s1;
	s8 =	simm.s32 @!p0 $0x1BF5;
	p2 =	por !p2, p0  }
0x20: {  	[sflag:s8] =	ssyncset.s32 @!p0 $0xFFFFF086;
	s6 =	sadd.s32 @!p0 s3, s7;
	s7 =	simm.s32 @!p0 $0x108  }
0x21: {  	s3 =	sadd.s32 s3, s9;
	s6 =	sadd.s32 @!p0 $0x88, s6;
	s7 =	simm.s32 @p2 $0x1082  }
0x22: {  	[simem:s7], [sflag:s8] =	dma.local @!p0 [hbm:s6], $0xF7A  }
0x23: {  	s9 =	sor.u32 $0xD0000000, s2;
	s6 =	simm.s32 $0x108;
	_ =	swait.ge @!p0 [sflag:s8], $0x0  }
0x24: {  	s3 =	sadd.s32 $0x88, s3;
	s6 =	simm.s32 @!p1 $0x1082;
	[sflag:s4] =	ssyncset.s32 $0xFFFFF086  }
0x25: {  	[simem:s6], [sflag:s4] =	dma.local [hbm:s3], $0xF7A  }
0x26: {  	[smem:$0x3F9A] =	sst s1;
	(tag) =	ssettag s2;
	_ =	strace s9  }
0x27: {  	s1 =	sld [smem:$0x3FAA]  }
0x28: {  	s2 =	sld [smem:$0x3FAB]  }
0x29: {  	s4 =	sld [smem:$0x3FAD]  }
0x2a: {  	p0 =	seq.s32 s5, $0x0;
	s5 =	sld [smem:$0x3FAE]  }
0x2b: {  	s6 =	sld [smem:$0x3FAF]  }
0x2c: {  	s7 =	sld [smem:$0x3FB0]  }
0x2d: {  	s3 =	simm.s32 $0x108;
	s8 =	sld [smem:$0x3FB1]  }
0x2e: {  	s3 =	simm.s32 @!p0 $0x1082;
	s9 =	sld [smem:$0x3FB2]  }
0x2f: {  	lr =	sadd.s32 s0, s3;
	s0 =	sld [smem:$0x3FA9]  }
0x30: {  	s3 =	sld [smem:$0x3FAC]  }
0x31: {  	[smem:$0x3FB5] =	sst s10  }
0x32: {  	s10 =	sld [smem:$0x3FB3];
	_ =	sdelay $0x3  }
0x33: {  	p0 =	seq.s32 s10, $0x1;
	s10 =	sld [smem:$0x3FB5];
	_ =	sdelay $0x3  }
0x34: {  	[smem:$0x3FB5] =	sst s10  }
0x35: {  	s10 =	sld [smem:$0x3FB4];
	_ =	sdelay $0x3  }
0x36: {  	p1 =	seq.s32 s10, $0x1;
	s10 =	sld [smem:$0x3FB5];
	_ =	sdelay $0x3  }
0x37: {  	[smem:$0x3FB5] =	sst s10  }
0x38: {  	s10 =	sld [smem:$0x3FB6]  }
0x39: {  	_ = 	snop;
	(pc) =	sbr.ind lr, $3  }
0x3a: {  	_ = 	snop  }
0x3b: {  	_ = 	snop  }
0x3c: {  	p2 =	seq.s32 s10, $0x1;
	s10 =	sld [smem:$0x3FB5]  }
0x3d: {  	_ =	shalt  }
0x3e: {  	_ =	shalt  }
0x3f: {  	_ =	shalt  }
0x40: {  	_ =	shalt  }
0x41: {  	_ =	shalt  }
0x42: {  	_ =	shalt  }
0x43: {  	_ =	shalt  }
0x44: {  	_ =	shalt  }
0x45: {  	_ =	shalt  }
0x46: {  	_ =	shalt  }
0x47: {  	_ =	shalt  }
0x48: {  	_ =	shalt  }
0x49: {  	_ =	shalt  }
0x4a: {  	_ =	shalt  }
0x4b: {  	_ =	shalt  }
0x4c: {  	_ =	shalt  }
0x4d: {  	_ =	shalt  }
0x4e: {  	_ =	shalt  }
0x4f: {  	_ =	shalt  }
0x50: {  	_ =	shalt  }
0x51: {  	_ =	shalt  }
0x52: {  	_ =	shalt  }
0x53: {  	_ =	shalt  }
0x54: {  	_ =	shalt  }
0x55: {  	_ =	shalt  }
0x56: {  	_ =	shalt  }
0x57: {  	_ =	shalt  }
0x58: {  	_ =	shalt  }
0x59: {  	_ =	shalt  }
0x5a: {  	_ =	shalt  }
0x5b: {  	_ =	shalt  }
0x5c: {  	_ =	shalt  }
0x5d: {  	_ =	shalt  }
0x5e: {  	_ =	shalt  }
0x5f: {  	_ =	shalt  }
0x60: {  	_ =	shalt  }
0x61: {  	_ =	shalt  }
0x62: {  	_ =	shalt  }
0x63: {  	_ =	shalt  }
0x64: {  	_ =	shalt  }
0x65: {  	_ =	shalt  }
0x66: {  	_ =	shalt  }
0x67: {  	_ =	shalt  }
0x68: {  	_ =	shalt  }
0x69: {  	_ =	shalt  }
0x6a: {  	_ =	shalt  }
0x6b: {  	_ =	shalt  }
0x6c: {  	_ =	shalt  }
0x6d: {  	_ =	shalt  }
0x6e: {  	_ =	shalt  }
0x6f: {  	_ =	shalt  }
0x70: {  	_ =	shalt  }
0x71: {  	_ =	shalt  }
0x72: {  	_ =	shalt  }
0x73: {  	_ =	shalt  }
0x74: {  	_ =	shalt  }
0x75: {  	_ =	shalt  }
0x76: {  	_ =	shalt  }
0x77: {  	_ =	shalt  }
0x78: {  	_ =	shalt  }
0x79: {  	_ =	shalt  }
0x7a: {  	_ =	shalt  }
0x7b: {  	_ =	shalt  }
0x7c: {  	_ =	shalt  }
0x7d: {  	_ =	shalt  }
0x7e: {  	_ =	shalt  }
0x7f: {  	_ =	shalt  }
0x80: {  	_ =	shalt  }
0x81: {  	_ =	shalt  }
0x82: {  	_ =	shalt  }
0x83: {  	_ =	shalt  }
0x84: {  	_ =	shalt  }
0x85: {  	_ =	shalt  }
0x86: {  	_ =	shalt  }
0x87: {  	_ =	shalt  }
.Lfunc_end0:
.L_simem_size_0:
called_computation_lowered:
.L_overlay_start_0:
0x88: {  	s2 =	sld [smem:$0x3FD9]  }
0x89: {  	s3 =	sld [smem:$0x3FFE];
	_ =	sdelay $0x1  }
0x8a: {  	s1 =	srdreg.scid  }
0x8b: {  	s0 =	sand.u32 $0x1, s1  }
0x8c: {  	s16 =	sshll.u32 s0, $0xA;
	s2 =	sadd.s32 s3, s2  }
0x8d: {  	s2 =	sadd.s32 s2, s16  }
0x8e: {  	[smem:$0x3FC1] =	sst s2  }
0x8f: {  	_ = 	snop  }
0x90: {  	(tm) =	ssettm $0x1  }
0x91: {  	s17 =	sld [smem:$0x3FFB];
	_ =	sdelay $0x3  }
0x92: {  	_ =	strace s17  }
0x93: {  	s2 =	sld [smem:$0x3FFC];
	_ =	sdelay $0x3  }
0x94: {  	_ =	strace s2  }
0x95: {  	s2 =	sld [smem:$0x3FFD];
	_ =	sdelay $0x3  }
0x96: {  	_ =	strace s2  }
0x97: {  	_ =	strace $0x8FFFFFFF  }
0x98: {  	s18 =	sld [smem:$0x3FDB];
	_ =	sdelay $0x1  }
0x99: {  	s19 =	simm.s32 $_scs_section_size  }
0x9a: {  	s4 =	simm.s32 $_size__tile_overlayer_lowered;
	s5 =	simm.s32 $_tile_overlayer_lowered  }
0x9b: {  	s22 =	simm.s32 $0x1BFF;
	s21 =	sshll.u32 s5, $0x1;
	s2 =	sadd.s32 s19, s18  }
0x9c: {  	s6 =	simm.s32 $0x0;
	s20 =	sshll.u32 s4, $0x1;
	s4 =	sadd.s32 s21, s2  }
0x9d: {  	[timem:s6], [sflag:s22] =	dma.local [hbm:s4], s20  }
0x9e: {  	_ =	swait.ge [sflag:s22], s20  }
0x9f: {  	s3 =	ssub.s32 $0x0, s20;
	[sflag:s22] =	ssyncset.done $0x0  }
0xa0: {  	[sflag:s22] =	ssyncadd.s32 s3;
	_ =	sdelay $0x1  }
0xa1: {  	s23 =	simm.s32 $0x1B8B  }
0xa2: {  	_ =	swait.ge [sflag:s23], $0x1  }
0xa3: {  	[sflag:s23] =	ssyncset.done $0x0  }
0xa4: {  	s25 =	simm.s32 $0x1B8E;
	s24 =	sld [smem:$0x3FFE];
	[sflag:s23] =	ssyncadd.s32 $0xFFFFFFFF  }
0xa5: {  	s26 =	simm.s32 $execute0_lowered;
	[smem:$0x3FD2] =	sst s25  }
0xa6: {  	s4 =	sshll.u32 s26, $0x1;
	_ =	strace $0x80000046;
	[dreg:$0x1] =	wrdreg $0xFFFFFFFF  }
0xa7: {  	s28 =	simm.s32 $_size_execute0_lowered;
	s2 =	sadd.s32 s2, s4;
	[dreg:$0x0] =	wrdreg $0x0  }
0xa8: {  	s4 =	sshll.u32 s28, $0x1;
	[dreg:$0x2] =	wrdreg s2  }
0xa9: {  	[dreg:$0x3] =	wrdreg s4  }
0xaa: {  	[dreg:$0x4] =	wrdreg $0xC0  }
0xab: {  	_ =	task [dreg:s6], $0x5FFFF  }
0xac: {  	[dreg:$0x1] =	wrdreg $0xFFFFFFFF  }
0xad: {  	[dreg:$0x0] =	wrdreg $0x60  }
0xae: {  	[dreg:$0x2] =	wrdreg s24  }
0xaf: {  	[dreg:$0x3] =	wrdreg $0x9C000  }
0xb0: {  	[dreg:$0x4] =	wrdreg $0x9  }
0xb1: {  	_ =	task.clear_ibuf [dreg:s6], $0x5FFFF;
	_ =	strace $0x90000046  }
0xb2: {  	s29 =	simm.s32 $0x9;
	_ =	strace $0x80000048  }
0xb3: {  	_ =	swait.ge [sflag:s29], $0x1  }
0xb4: {  	[sflag:s29] =	ssyncadd.s32 $0xFFFFFFFF  }
0xb5: {  	_ =	strace $0x90000048  }
0xb6: {  	_ =	sfence  }
0xb7: {  	s30 =	sld [smem:$0x0];
	_ =	sdelay $0x2  }
0xb8: {  	s31 =	sshll.u32 s1, $0xD;
	s1 =	sshrl.u32 s1, $0x2  }
0xb9: {  	s3 =	sand.u32 $0x4000, s31;
	s1 =	sadd.s32 s1, s30  }
0xba: {  	s0 =	sor.u32 s3, s0;
	s1 =	sshll.u32 s1, $0x11  }
0xbb: {  	s0 =	sor.u32 s1, s0  }
0xbc: {  	s0 =	sadd.s32 $0x8F2B, s0  }
0xbd: {  	[sflag:s0] =	ssyncadd.remote.s32 $0x1  }
0xbe: {  	_ =	sfence.sel $0xFFFF  }
0xbf: {  	[dreg:$0x0] =	wrdreg $0xFFFFFFFF;
	(pc) =	sbr.abs _section_cstart, $3  }
0xc0: {  	[dreg:$0x1] =	wrdreg $0xFFFFFFFF  }
0xc1: {  	_ =	task.clear_ibuf [dreg:s6], $0x2FFFF;
	_ =	strace $0x9FFFFFFF  }
0xc2: {  	(tm) =	ssettm $0x7FFFFFFF  }
0xc3: {  	_ =	shalt  }
tec
execute0_lowered:
.L_overlay_start_1:
0x0: {  	(tag) =	ssettag $0x1  }
0x1: {  	s2 =	srdreg.scid;
	s8 =	stileid.u32  }
0x2: {  	s2 =	sand.u32 $0x1, s2;
	s6 =	smul.u32 $0x14000, s8  }
0x3: {  	s0 =	rddreg [dreg:$0x0];
	s5 =	smul.u32 $0x140000, s2  }
0x4: {  	s1 =	rddreg [dreg:$0x1];
	s7 =	smul.u32 $0x5000, s2;
	s2 =	ssub.s32 $0x2, s2  }
0x5: {  	s3 =	simm.s32 $0x0;
	s25 =	smul.u32 $0x50000, s8;
	s26 =	sshrl.u32 s2, $0x1  }
0x6: {  	[smem:$0x7FF] =	sst s3;
	s2 =	ssub.s32 s2, s26  }
0x7: {  	s5 =	sadd.s32 s6, s5;
	s6 =	sshrl.u32 s25, $0x2;
	s10 =	smax.u32 s2, $0x1  }
0x8: {  	_ =	strace $0x80000047;
	s9 =	sadd.s32 s6, s1;
	[dreg:$0x5] =	wrdreg s10  }
0x9: {  	s28 =	simm.s32 $0x7D;
	s11 =	sadd.s32 $0x1400, s9;
	[dreg:$0x4] =	wrdreg s9  }
0xa: {  	s29 =	simm.s32 $0x800;
	s12 =	sadd.s32 $0x2800, s9;
	[dreg:$0x6] =	wrdreg s11  }
0xb: {  	s30 =	simm.s32 $0x1;
	s13 =	sadd.s32 $0x3C00, s9;
	[dreg:$0x7] =	wrdreg s12  }
0xc: {  	s31 =	simm.s32 $0x80;
	s14 =	sadd.s32 $0x5000, s9;
	[dreg:$0x8] =	wrdreg s13  }
0xd: {  	s4 =	sadd.s32 $0x1E00, s0;
	s15 =	sadd.s32 $0x6400, s9;
	[dreg:$0x9] =	wrdreg s14  }
0xe: {  	s21 =	smul.u32 $0x500, s8;
	s16 =	sadd.s32 $0x7800, s9;
	[dreg:$0xa] =	wrdreg s15  }
0xf: {  	s8 =	simm.s32 $0x180;
	s17 =	sadd.s32 $0x8C00, s9;
	[dreg:$0xb] =	wrdreg s16  }
0x10: {  	s7 =	sadd.s32 s7, s0;
	s18 =	sadd.s32 $0xA000, s9;
	[dreg:$0xc] =	wrdreg s17  }
0x11: {  	s5 =	sshrl.u32 s5, $0x3;
	s19 =	sadd.s32 $0xB400, s9;
	[dreg:$0xd] =	wrdreg s18  }
0x12: {  	s2 =	simm.s32 $0x2;
	s20 =	sadd.s32 $0xC800, s9;
	[dreg:$0xe] =	wrdreg s19  }
0x13: {  	s0 =	sadd.s32 s5, s0;
	s22 =	sadd.s32 $0xDC00, s9;
	[dreg:$0xf] =	wrdreg s20  }
0x14: {  	s23 =	sadd.s32 $0xF000, s9;
	s24 =	sadd.s32 $0x10400, s9;
	[dreg:$0x10] =	wrdreg s22  }
0x15: {  	s25 =	sadd.s32 $0x11800, s9;
	s26 =	sadd.s32 $0x12C00, s9;
	[dreg:$0x11] =	wrdreg s23  }
0x16: {  	s5 =	simm.s32 $0x100;
	s9 =	simm.s32 $0x500;
	[dreg:$0x12] =	wrdreg s24  }
0x17: {  	s10 =	simm.s32 $0x200;
	s0 =	sadd.s32 $0x29E00, s0;
	[dreg:$0x13] =	wrdreg s25  }
0x18: {  	[dreg:$0x14] =	wrdreg s26;
	s24 =	simm.s32 $0x8800;
	s25 =	simm.s32 $0x3  }
0x19: {  	s26 =	simm.s32 $0x400;
	s11 =	simm.s32 $0x580;
	s12 =	simm.s32 $0x280  }
0x1a: {  	s13 =	simm.s32 $0x600;
	s14 =	simm.s32 $0x300;
	s15 =	simm.s32 $0x680  }
0x1b: {  	s16 =	simm.s32 $0x380;
	s17 =	simm.s32 $0x700;
	s18 =	simm.s32 $0x780  }
0x1c: {  	s19 =	simm.s32 $0x0;
	[dreg:$0x3] =	wrdreg s0;
	s0 =	sadd.s32 s21, s7  }
0x1d: {  	v0 =	vimm.f32 $0.0e+00;
	s7 =	simm.s32 $0x480;
	s23 =	sadd.s32 $0x4E3E00, s0;
	s0 =	simm.s32 $0x4800  }
.LBB2_1:
0x1e: {  	s20 =	sand.u32 $0x7E00, s3  }
0x1f: {  	s21 =	sand.u32 $0x70, s3;
	s22 =	sshrl.u32 s20, $0x2  }
0x20: {  	s20 =	simm.s32 $0x40;
	s22 =	sor.u32 s21, s22;
	s21 =	simm.s32 $0x0  }
.LBB2_2:
0x21: {  	p0 =	sne.s32 s20, $0x4FC0  }
0x22: {  	[tilespmem:s22+$0x8800] =	vst v0;
	s21 =	sadd.s32 $0x10, s21;
	s22 =	smov.u32 s20;
	s20 =	sadd.s32 $0x40, s20  }
.Ltmp0:
0x23: {  	(pc) =	sbr.rel @p0 .LBB2_2-.Ltmp0, $4  }
0x24: {  	_ = 	snop  }
0x25: {  	s22 =	sand.u32 $0x7E00, s22  }
0x26: {  	s6 =	sand.u32 $0x70, s21;
	s22 =	sshrl.u32 s22, $0x2  }
0x27: {  	s22 =	sor.u32 s6, s22  }
0x28: {  	[tilespmem:s22+$0x8800] =	vst v0;
	s6 =	rddreg [dreg:$0x4]  }
0x29: {  	[spmem:s6] =	stream.linear.scatter [tilespmem:s24], [sflag:$0x3], $0x1400, $0x38;
	[tilespmem:$0x1DC00] =	vst v63  }
0x2a: {  	_ =	swait.ge [sflag:s25], $0x1400  }
0x2b: {  	[sflag:s25] =	ssyncset.done $0x0  }
0x2c: {  	s22 =	rddreg [dreg:$0x6];
	[sflag:s25] =	ssyncadd.s32 $0xFFFFEC00  }
0x2d: {  	[spmem:s22] =	stream.linear.scatter [tilespmem:s24], [sflag:$0x3], $0x1400, $0x38;
	[tilespmem:$0x1DC00] =	vst v63  }
0x2e: {  	_ =	swait.ge [sflag:s25], $0x1400  }
0x2f: {  	[sflag:s25] =	ssyncset.done $0x0  }
0x30: {  	s20 =	rddreg [dreg:$0x7];
	[sflag:s25] =	ssyncadd.s32 $0xFFFFEC00  }
0x31: {  	[spmem:s20] =	stream.linear.scatter [tilespmem:s24], [sflag:$0x3], $0x1400, $0x38;
	[tilespmem:$0x1DC00] =	vst v63  }
0x32: {  	_ =	swait.ge [sflag:s25], $0x1400  }
0x33: {  	[sflag:s25] =	ssyncset.done $0x0  }
0x34: {  	s21 =	rddreg [dreg:$0x8];
	[sflag:s25] =	ssyncadd.s32 $0xFFFFEC00  }
0x35: {  	[spmem:s21] =	stream.linear.scatter [tilespmem:s24], [sflag:$0x3], $0x1400, $0x38;
	[tilespmem:$0x1DC00] =	vst v63  }
0x36: {  	_ =	swait.ge [sflag:s25], $0x1400  }
0x37: {  	[sflag:s25] =	ssyncset.done $0x0  }
0x38: {  	s22 =	rddreg [dreg:$0x9];
	[sflag:s25] =	ssyncadd.s32 $0xFFFFEC00  }
0x39: {  	[spmem:s22] =	stream.linear.scatter [tilespmem:s24], [sflag:$0x3], $0x1400, $0x38;
	[tilespmem:$0x1DC00] =	vst v63  }
0x3a: {  	_ =	swait.ge [sflag:s25], $0x1400  }
0x3b: {  	[sflag:s25] =	ssyncset.done $0x0  }
0x3c: {  	s20 =	rddreg [dreg:$0xa];
	[sflag:s25] =	ssyncadd.s32 $0xFFFFEC00  }
0x3d: {  	[spmem:s20] =	stream.linear.scatter [tilespmem:s24], [sflag:$0x3], $0x1400, $0x38;
	[tilespmem:$0x1DC00] =	vst v63  }
0x3e: {  	_ =	swait.ge [sflag:s25], $0x1400  }
0x3f: {  	[sflag:s25] =	ssyncset.done $0x0  }
0x40: {  	s21 =	rddreg [dreg:$0xb];
	[sflag:s25] =	ssyncadd.s32 $0xFFFFEC00  }
0x41: {  	[spmem:s21] =	stream.linear.scatter [tilespmem:s24], [sflag:$0x3], $0x1400, $0x38;
	[tilespmem:$0x1DC00] =	vst v63  }
0x42: {  	_ =	swait.ge [sflag:s25], $0x1400  }
0x43: {  	[sflag:s25] =	ssyncset.done $0x0  }
0x44: {  	s22 =	rddreg [dreg:$0xc];
	[sflag:s25] =	ssyncadd.s32 $0xFFFFEC00  }
0x45: {  	[spmem:s22] =	stream.linear.scatter [tilespmem:s24], [sflag:$0x3], $0x1400, $0x38;
	[tilespmem:$0x1DC00] =	vst v63  }
0x46: {  	_ =	swait.ge [sflag:s25], $0x1400  }
0x47: {  	[sflag:s25] =	ssyncset.done $0x0  }
0x48: {  	s20 =	rddreg [dreg:$0xd];
	[sflag:s25] =	ssyncadd.s32 $0xFFFFEC00  }
0x49: {  	[spmem:s20] =	stream.linear.scatter [tilespmem:s24], [sflag:$0x3], $0x1400, $0x38;
	[tilespmem:$0x1DC00] =	vst v63  }
0x4a: {  	_ =	swait.ge [sflag:s25], $0x1400  }
0x4b: {  	[sflag:s25] =	ssyncset.done $0x0  }
0x4c: {  	s21 =	rddreg [dreg:$0xe];
	[sflag:s25] =	ssyncadd.s32 $0xFFFFEC00  }
0x4d: {  	[spmem:s21] =	stream.linear.scatter [tilespmem:s24], [sflag:$0x3], $0x1400, $0x38;
	[tilespmem:$0x1DC00] =	vst v63  }
0x4e: {  	_ =	swait.ge [sflag:s25], $0x1400  }
0x4f: {  	[sflag:s25] =	ssyncset.done $0x0  }
0x50: {  	s22 =	rddreg [dreg:$0xf];
	[sflag:s25] =	ssyncadd.s32 $0xFFFFEC00  }
0x51: {  	[spmem:s22] =	stream.linear.scatter [tilespmem:s24], [sflag:$0x3], $0x1400, $0x38;
	[tilespmem:$0x1DC00] =	vst v63  }
0x52: {  	_ =	swait.ge [sflag:s25], $0x1400  }
0x53: {  	[sflag:s25] =	ssyncset.done $0x0  }
0x54: {  	s20 =	rddreg [dreg:$0x10];
	[sflag:s25] =	ssyncadd.s32 $0xFFFFEC00  }
0x55: {  	[spmem:s20] =	stream.linear.scatter [tilespmem:s24], [sflag:$0x3], $0x1400, $0x38;
	[tilespmem:$0x1DC00] =	vst v63  }
0x56: {  	_ =	swait.ge [sflag:s25], $0x1400  }
0x57: {  	[sflag:s25] =	ssyncset.done $0x0  }
0x58: {  	s21 =	rddreg [dreg:$0x11];
	[sflag:s25] =	ssyncadd.s32 $0xFFFFEC00  }
0x59: {  	[spmem:s21] =	stream.linear.scatter [tilespmem:s24], [sflag:$0x3], $0x1400, $0x38;
	[tilespmem:$0x1DC00] =	vst v63  }
0x5a: {  	_ =	swait.ge [sflag:s25], $0x1400  }
0x5b: {  	[sflag:s25] =	ssyncset.done $0x0  }
0x5c: {  	s22 =	rddreg [dreg:$0x12];
	[sflag:s25] =	ssyncadd.s32 $0xFFFFEC00  }
0x5d: {  	[spmem:s22] =	stream.linear.scatter [tilespmem:s24], [sflag:$0x3], $0x1400, $0x38;
	[tilespmem:$0x1DC00] =	vst v63  }
0x5e: {  	_ =	swait.ge [sflag:s25], $0x1400  }
0x5f: {  	[sflag:s25] =	ssyncset.done $0x0  }
0x60: {  	s20 =	rddreg [dreg:$0x13];
	[sflag:s25] =	ssyncadd.s32 $0xFFFFEC00  }
0x61: {  	[spmem:s20] =	stream.linear.scatter [tilespmem:s24], [sflag:$0x3], $0x1400, $0x38;
	[tilespmem:$0x1DC00] =	vst v63  }
0x62: {  	_ =	swait.ge [sflag:s25], $0x1400  }
0x63: {  	[sflag:s25] =	ssyncset.done $0x0  }
0x64: {  	s21 =	rddreg [dreg:$0x14];
	[sflag:s25] =	ssyncadd.s32 $0xFFFFEC00  }
0x65: {  	[spmem:s21] =	stream.linear.scatter [tilespmem:s24], [sflag:$0x3], $0x1400, $0x38;
	[tilespmem:$0x1DC00] =	vst v63  }
0x66: {  	_ =	swait.ge [sflag:s25], $0x1400  }
0x67: {  	[sflag:s25] =	ssyncset.done $0x0  }
0x68: {  	[sflag:s25] =	ssyncadd.s32 $0xFFFFEC00  }
0x69: {  	s22 =	sadd.s32 $0x0, s23;
	[bflag:$0x0] =	sbarrier.arrive $0xFFFF  }
0x6a: {  	[tilespmem:s3], [sflag:$0x3] =	stream.linear.gather [hbm4b:s22+s3], $0x400, $0x38;
	[tilespmem:$0x1DC00] =	vst v63  }
0x6b: {  	_ =	swait.ge [sflag:s25], $0x400  }
0x6c: {  	[sflag:s25] =	ssyncset.done $0x0  }
0x6d: {  	s6 =	sadd.s32 $0xA000, s22;
	[sflag:s25] =	ssyncadd.s32 $0xFFFFFC00  }
0x6e: {  	[tilespmem:s26], [sflag:$0x3] =	stream.linear.gather [hbm4b:s6+s3], $0x400, $0x38;
	[tilespmem:$0x1DC00] =	vst v63  }
0x6f: {  	_ =	swait.ge [sflag:s25], $0x400  }
0x70: {  	[sflag:s25] =	ssyncset.done $0x0  }
0x71: {  	[sflag:s25] =	ssyncadd.s32 $0xFFFFFC00  }
0x72: {  	[tilespmem:s29], [sflag:$0x1] =	stream.indirect.gather [hbm4b:s4+s28], $0x80, s3, s28, $0xb8;
	[tilespmem:$0x1DC00] =	vst v63  }
0x73: {  	_ =	swait.ge [sflag:s30], $0x3E80  }
0x74: {  	[sflag:s30] =	ssyncset.done $0x0  }
0x75: {  	[sflag:s30] =	ssyncadd.s32 $0xFFFFC180  }
0x76: {  	[tilespmem:s0], [sflag:$0x1] =	stream.indirect.gather [hbm4b:s4+s28], $0x80, s31, s28, $0xb8;
	[tilespmem:$0x1DC00] =	vst v63  }
0x77: {  	_ = 	snop  }
0x78: {  	[spmem:s1] =	stream.indirect.scatter.add.f32 [tilespmem:s29], [sflag:$0x2], $0x80, s26, s28, $0xb8;
	[tilespmem:$0x1DC00] =	vst v63  }
0x79: {  	_ =	swait.ge [sflag:s30], $0x3E80  }
0x7a: {  	[sflag:s30] =	ssyncset.done $0x0  }
0x7b: {  	[sflag:s30] =	ssyncadd.s32 $0xFFFFC180  }
0x7c: {  	_ =	swait.ge [sflag:s2], $0x3E80  }
0x7d: {  	[sflag:s2] =	ssyncset.done $0x0  }
0x7e: {  	[sflag:s2] =	ssyncadd.s32 $0xFFFFC180  }
0x7f: {  	[tilespmem:s29], [sflag:$0x1] =	stream.indirect.gather [hbm4b:s4+s28], $0x80, s5, s28, $0xb8;
	[tilespmem:$0x1DC00] =	vst v63  }
0x80: {  	_ = 	snop  }
0x81: {  	[spmem:s1] =	stream.indirect.scatter.add.f32 [tilespmem:s0], [sflag:$0x2], $0x80, s7, s28, $0xb8;
	[tilespmem:$0x1DC00] =	vst v63  }
0x82: {  	_ =	swait.ge [sflag:s30], $0x3E80  }
0x83: {  	[sflag:s30] =	ssyncset.done $0x0  }
0x84: {  	[sflag:s30] =	ssyncadd.s32 $0xFFFFC180  }
0x85: {  	_ =	swait.ge [sflag:s2], $0x3E80  }
0x86: {  	[sflag:s2] =	ssyncset.done $0x0  }
0x87: {  	[sflag:s2] =	ssyncadd.s32 $0xFFFFC180  }
0x88: {  	[tilespmem:s0], [sflag:$0x1] =	stream.indirect.gather [hbm4b:s4+s28], $0x80, s8, s28, $0xb8;
	[tilespmem:$0x1DC00] =	vst v63  }
0x89: {  	_ = 	snop  }
0x8a: {  	[spmem:s1] =	stream.indirect.scatter.add.f32 [tilespmem:s29], [sflag:$0x2], $0x80, s9, s28, $0xb8;
	[tilespmem:$0x1DC00] =	vst v63  }
0x8b: {  	_ =	swait.ge [sflag:s30], $0x3E80  }
0x8c: {  	[sflag:s30] =	ssyncset.done $0x0  }
0x8d: {  	[sflag:s30] =	ssyncadd.s32 $0xFFFFC180  }
0x8e: {  	_ =	swait.ge [sflag:s2], $0x3E80  }
0x8f: {  	[sflag:s2] =	ssyncset.done $0x0  }
0x90: {  	[sflag:s2] =	ssyncadd.s32 $0xFFFFC180  }
0x91: {  	[tilespmem:s29], [sflag:$0x1] =	stream.indirect.gather [hbm4b:s4+s28], $0x80, s10, s28, $0xb8;
	[tilespmem:$0x1DC00] =	vst v63  }
0x92: {  	_ = 	snop  }
0x93: {  	[spmem:s1] =	stream.indirect.scatter.add.f32 [tilespmem:s0], [sflag:$0x2], $0x80, s11, s28, $0xb8;
	[tilespmem:$0x1DC00] =	vst v63  }
0x94: {  	_ =	swait.ge [sflag:s30], $0x3E80  }
0x95: {  	[sflag:s30] =	ssyncset.done $0x0  }
0x96: {  	[sflag:s30] =	ssyncadd.s32 $0xFFFFC180  }
0x97: {  	_ =	swait.ge [sflag:s2], $0x3E80  }
0x98: {  	[sflag:s2] =	ssyncset.done $0x0  }
0x99: {  	[sflag:s2] =	ssyncadd.s32 $0xFFFFC180  }
0x9a: {  	[tilespmem:s0], [sflag:$0x1] =	stream.indirect.gather [hbm4b:s4+s28], $0x80, s12, s28, $0xb8;
	[tilespmem:$0x1DC00] =	vst v63  }
0x9b: {  	_ = 	snop  }
0x9c: {  	[spmem:s1] =	stream.indirect.scatter.add.f32 [tilespmem:s29], [sflag:$0x2], $0x80, s13, s28, $0xb8;
	[tilespmem:$0x1DC00] =	vst v63  }
0x9d: {  	_ =	swait.ge [sflag:s30], $0x3E80  }
0x9e: {  	[sflag:s30] =	ssyncset.done $0x0  }
0x9f: {  	[sflag:s30] =	ssyncadd.s32 $0xFFFFC180  }
0xa0: {  	_ =	swait.ge [sflag:s2], $0x3E80  }
0xa1: {  	[sflag:s2] =	ssyncset.done $0x0  }
0xa2: {  	[sflag:s2] =	ssyncadd.s32 $0xFFFFC180  }
0xa3: {  	[tilespmem:s29], [sflag:$0x1] =	stream.indirect.gather [hbm4b:s4+s28], $0x80, s14, s28, $0xb8;
	[tilespmem:$0x1DC00] =	vst v63  }
0xa4: {  	_ = 	snop  }
0xa5: {  	[spmem:s1] =	stream.indirect.scatter.add.f32 [tilespmem:s0], [sflag:$0x2], $0x80, s15, s28, $0xb8;
	[tilespmem:$0x1DC00] =	vst v63  }
0xa6: {  	_ =	swait.ge [sflag:s30], $0x3E80  }
0xa7: {  	[sflag:s30] =	ssyncset.done $0x0  }
0xa8: {  	[sflag:s30] =	ssyncadd.s32 $0xFFFFC180  }
0xa9: {  	_ =	swait.ge [sflag:s2], $0x3E80  }
0xaa: {  	[sflag:s2] =	ssyncset.done $0x0  }
0xab: {  	[sflag:s2] =	ssyncadd.s32 $0xFFFFC180  }
0xac: {  	[tilespmem:s0], [sflag:$0x1] =	stream.indirect.gather [hbm4b:s4+s28], $0x80, s16, s28, $0xb8;
	[tilespmem:$0x1DC00] =	vst v63  }
0xad: {  	_ = 	snop  }
0xae: {  	[spmem:s1] =	stream.indirect.scatter.add.f32 [tilespmem:s29], [sflag:$0x2], $0x80, s17, s28, $0xb8;
	[tilespmem:$0x1DC00] =	vst v63  }
0xaf: {  	_ =	swait.ge [sflag:s30], $0x3E80  }
0xb0: {  	[sflag:s30] =	ssyncset.done $0x0  }
0xb1: {  	[sflag:s30] =	ssyncadd.s32 $0xFFFFC180  }
0xb2: {  	_ =	swait.ge [sflag:s2], $0x3E80  }
0xb3: {  	[sflag:s2] =	ssyncset.done $0x0  }
0xb4: {  	[sflag:s2] =	ssyncadd.s32 $0xFFFFC180  }
0xb5: {  	[spmem:s1] =	stream.indirect.scatter.add.f32 [tilespmem:s0], [sflag:$0x2], $0x80, s18, s28, $0xb8;
	[tilespmem:$0x1DC00] =	vst v63  }
0xb6: {  	_ =	swait.ge [sflag:s2], $0x3E80  }
0xb7: {  	s20 =	simm.s32 $0x80;
	s21 =	simm.s32 $0x100;
	[sflag:s2] =	ssyncset.done $0x0  }
.LBB2_4:
0xb8: {  	s6 =	sadd.s32 s20, s23  }
0xb9: {  	[sflag:s2] =	ssyncadd.s32 $0xFFFFC180;
	s20 =	smov.u32 s21;
	s22 =	sadd.s32 $0x80, s21  }
0xba: {  	[tilespmem:s3], [sflag:$0x3] =	stream.linear.gather [hbm4b:s6+s3], $0x400, $0x38;
	[tilespmem:$0x1DC00] =	vst v63  }
0xbb: {  	p0 =	sne.s32 s21, $0x480;
	_ =	swait.ge [sflag:s25], $0x400  }
0xbc: {  	[sflag:s25] =	ssyncset.done $0x0  }
0xbd: {  	s6 =	sadd.s32 $0xA000, s6;
	[sflag:s25] =	ssyncadd.s32 $0xFFFFFC00  }
0xbe: {  	[tilespmem:s26], [sflag:$0x3] =	stream.linear.gather [hbm4b:s6+s3], $0x400, $0x38;
	[tilespmem:$0x1DC00] =	vst v63  }
0xbf: {  	_ =	swait.ge [sflag:s25], $0x400  }
0xc0: {  	[sflag:s25] =	ssyncset.done $0x0  }
0xc1: {  	[sflag:s25] =	ssyncadd.s32 $0xFFFFFC00  }
0xc2: {  	[tilespmem:s29], [sflag:$0x1] =	stream.indirect.gather [hbm4b:s4+s28], $0x80, s3, s28, $0xb8;
	[tilespmem:$0x1DC00] =	vst v63  }
0xc3: {  	_ =	swait.ge [sflag:s30], $0x3E80  }
0xc4: {  	[sflag:s30] =	ssyncset.done $0x0  }
0xc5: {  	[sflag:s30] =	ssyncadd.s32 $0xFFFFC180  }
0xc6: {  	[tilespmem:s0], [sflag:$0x1] =	stream.indirect.gather [hbm4b:s4+s28], $0x80, s31, s28, $0xb8;
	[tilespmem:$0x1DC00] =	vst v63  }
0xc7: {  	_ = 	snop  }
0xc8: {  	[spmem:s1] =	stream.indirect.scatter.add.f32 [tilespmem:s29], [sflag:$0x2], $0x80, s26, s28, $0xb8;
	[tilespmem:$0x1DC00] =	vst v63  }
0xc9: {  	_ =	swait.ge [sflag:s30], $0x3E80  }
0xca: {  	[sflag:s30] =	ssyncset.done $0x0  }
0xcb: {  	[sflag:s30] =	ssyncadd.s32 $0xFFFFC180  }
0xcc: {  	_ =	swait.ge [sflag:s2], $0x3E80  }
0xcd: {  	[sflag:s2] =	ssyncset.done $0x0  }
0xce: {  	[sflag:s2] =	ssyncadd.s32 $0xFFFFC180  }
0xcf: {  	[tilespmem:s29], [sflag:$0x1] =	stream.indirect.gather [hbm4b:s4+s28], $0x80, s5, s28, $0xb8;
	[tilespmem:$0x1DC00] =	vst v63  }
0xd0: {  	_ = 	snop  }
0xd1: {  	[spmem:s1] =	stream.indirect.scatter.add.f32 [tilespmem:s0], [sflag:$0x2], $0x80, s7, s28, $0xb8;
	[tilespmem:$0x1DC00] =	vst v63  }
0xd2: {  	_ =	swait.ge [sflag:s30], $0x3E80  }
0xd3: {  	[sflag:s30] =	ssyncset.done $0x0  }
0xd4: {  	[sflag:s30] =	ssyncadd.s32 $0xFFFFC180  }
0xd5: {  	_ =	swait.ge [sflag:s2], $0x3E80  }
0xd6: {  	[sflag:s2] =	ssyncset.done $0x0  }
0xd7: {  	[sflag:s2] =	ssyncadd.s32 $0xFFFFC180  }
0xd8: {  	[tilespmem:s0], [sflag:$0x1] =	stream.indirect.gather [hbm4b:s4+s28], $0x80, s8, s28, $0xb8;
	[tilespmem:$0x1DC00] =	vst v63  }
0xd9: {  	_ = 	snop  }
0xda: {  	[spmem:s1] =	stream.indirect.scatter.add.f32 [tilespmem:s29], [sflag:$0x2], $0x80, s9, s28, $0xb8;
	[tilespmem:$0x1DC00] =	vst v63  }
0xdb: {  	_ =	swait.ge [sflag:s30], $0x3E80  }
0xdc: {  	[sflag:s30] =	ssyncset.done $0x0  }
0xdd: {  	[sflag:s30] =	ssyncadd.s32 $0xFFFFC180  }
0xde: {  	_ =	swait.ge [sflag:s2], $0x3E80  }
0xdf: {  	[sflag:s2] =	ssyncset.done $0x0  }
0xe0: {  	[sflag:s2] =	ssyncadd.s32 $0xFFFFC180  }
0xe1: {  	[tilespmem:s29], [sflag:$0x1] =	stream.indirect.gather [hbm4b:s4+s28], $0x80, s10, s28, $0xb8;
	[tilespmem:$0x1DC00] =	vst v63  }
0xe2: {  	_ = 	snop  }
0xe3: {  	[spmem:s1] =	stream.indirect.scatter.add.f32 [tilespmem:s0], [sflag:$0x2], $0x80, s11, s28, $0xb8;
	[tilespmem:$0x1DC00] =	vst v63  }
0xe4: {  	_ =	swait.ge [sflag:s30], $0x3E80  }
0xe5: {  	[sflag:s30] =	ssyncset.done $0x0  }
0xe6: {  	[sflag:s30] =	ssyncadd.s32 $0xFFFFC180  }
0xe7: {  	_ =	swait.ge [sflag:s2], $0x3E80  }
0xe8: {  	[sflag:s2] =	ssyncset.done $0x0  }
0xe9: {  	[sflag:s2] =	ssyncadd.s32 $0xFFFFC180  }
0xea: {  	[tilespmem:s0], [sflag:$0x1] =	stream.indirect.gather [hbm4b:s4+s28], $0x80, s12, s28, $0xb8;
	[tilespmem:$0x1DC00] =	vst v63  }
0xeb: {  	_ = 	snop  }
0xec: {  	[spmem:s1] =	stream.indirect.scatter.add.f32 [tilespmem:s29], [sflag:$0x2], $0x80, s13, s28, $0xb8;
	[tilespmem:$0x1DC00] =	vst v63  }
0xed: {  	_ =	swait.ge [sflag:s30], $0x3E80  }
0xee: {  	[sflag:s30] =	ssyncset.done $0x0  }
0xef: {  	[sflag:s30] =	ssyncadd.s32 $0xFFFFC180  }
0xf0: {  	_ =	swait.ge [sflag:s2], $0x3E80  }
0xf1: {  	[sflag:s2] =	ssyncset.done $0x0  }
0xf2: {  	[sflag:s2] =	ssyncadd.s32 $0xFFFFC180  }
0xf3: {  	[tilespmem:s29], [sflag:$0x1] =	stream.indirect.gather [hbm4b:s4+s28], $0x80, s14, s28, $0xb8;
	[tilespmem:$0x1DC00] =	vst v63  }
0xf4: {  	_ = 	snop  }
0xf5: {  	[spmem:s1] =	stream.indirect.scatter.add.f32 [tilespmem:s0], [sflag:$0x2], $0x80, s15, s28, $0xb8;
	[tilespmem:$0x1DC00] =	vst v63  }
0xf6: {  	_ =	swait.ge [sflag:s30], $0x3E80  }
0xf7: {  	[sflag:s30] =	ssyncset.done $0x0  }
0xf8: {  	[sflag:s30] =	ssyncadd.s32 $0xFFFFC180  }
0xf9: {  	_ =	swait.ge [sflag:s2], $0x3E80  }
0xfa: {  	[sflag:s2] =	ssyncset.done $0x0  }
0xfb: {  	[sflag:s2] =	ssyncadd.s32 $0xFFFFC180  }
0xfc: {  	[tilespmem:s0], [sflag:$0x1] =	stream.indirect.gather [hbm4b:s4+s28], $0x80, s16, s28, $0xb8;
	[tilespmem:$0x1DC00] =	vst v63  }
0xfd: {  	_ = 	snop  }
0xfe: {  	[spmem:s1] =	stream.indirect.scatter.add.f32 [tilespmem:s29], [sflag:$0x2], $0x80, s17, s28, $0xb8;
	[tilespmem:$0x1DC00] =	vst v63  }
0xff: {  	_ =	swait.ge [sflag:s30], $0x3E80  }
0x100: {  	[sflag:s30] =	ssyncset.done $0x0  }
0x101: {  	[sflag:s30] =	ssyncadd.s32 $0xFFFFC180  }
0x102: {  	_ =	swait.ge [sflag:s2], $0x3E80  }
.Ltmp1:
0x103: {  	[sflag:s2] =	ssyncset.done $0x0;
	(pc) =	sbr.rel @p0 .LBB2_4-.Ltmp1, $4  }
0x104: {  	[sflag:s2] =	ssyncadd.s32 $0xFFFFC180  }
0x105: {  	[spmem:s1] =	stream.indirect.scatter.add.f32 [tilespmem:s0], [sflag:$0x2], $0x80, s18, s28, $0xb8;
	[tilespmem:$0x1DC00] =	vst v63  }
0x106: {  	_ =	swait.ge [sflag:s2], $0x3E80  }
0x107: {  	s21 =	smov.u32 s22;
	[sflag:s2] =	ssyncset.done $0x0  }
0x108: {  	s6 =	sadd.s32 s20, s23;
	[sflag:s2] =	ssyncadd.s32 $0xFFFFC180  }
0x109: {  	[tilespmem:s3], [sflag:$0x3] =	stream.linear.gather [hbm4b:s6+s3], $0x400, $0x38;
	[tilespmem:$0x1DC00] =	vst v63  }
0x10a: {  	_ =	swait.ge [sflag:s25], $0x400  }
0x10b: {  	[sflag:s25] =	ssyncset.done $0x0  }
0x10c: {  	s6 =	sadd.s32 $0xA000, s6;
	[sflag:s25] =	ssyncadd.s32 $0xFFFFFC00  }
0x10d: {  	[tilespmem:s26], [sflag:$0x3] =	stream.linear.gather [hbm4b:s6+s3], $0x400, $0x38;
	[tilespmem:$0x1DC00] =	vst v63  }
0x10e: {  	_ =	swait.ge [sflag:s25], $0x400  }
0x10f: {  	[sflag:s25] =	ssyncset.done $0x0  }
0x110: {  	[sflag:s25] =	ssyncadd.s32 $0xFFFFFC00  }
0x111: {  	[tilespmem:s29], [sflag:$0x1] =	stream.indirect.gather [hbm4b:s4+s28], $0x80, s3, s28, $0xb8;
	[tilespmem:$0x1DC00] =	vst v63  }
0x112: {  	_ =	swait.ge [sflag:s30], $0x3E80  }
0x113: {  	[sflag:s30] =	ssyncset.done $0x0  }
0x114: {  	[sflag:s30] =	ssyncadd.s32 $0xFFFFC180  }
0x115: {  	[tilespmem:s0], [sflag:$0x1] =	stream.indirect.gather [hbm4b:s4+s28], $0x80, s31, s28, $0xb8;
	[tilespmem:$0x1DC00] =	vst v63  }
0x116: {  	_ = 	snop  }
0x117: {  	[spmem:s1] =	stream.indirect.scatter.add.f32 [tilespmem:s29], [sflag:$0x2], $0x80, s26, s28, $0xb8;
	[tilespmem:$0x1DC00] =	vst v63  }
0x118: {  	_ =	swait.ge [sflag:s30], $0x3E80  }
0x119: {  	[sflag:s30] =	ssyncset.done $0x0  }
0x11a: {  	[sflag:s30] =	ssyncadd.s32 $0xFFFFC180  }
0x11b: {  	_ =	swait.ge [sflag:s2], $0x3E80  }
0x11c: {  	[sflag:s2] =	ssyncset.done $0x0  }
0x11d: {  	[sflag:s2] =	ssyncadd.s32 $0xFFFFC180  }
0x11e: {  	[tilespmem:s29], [sflag:$0x1] =	stream.indirect.gather [hbm4b:s4+s28], $0x80, s5, s28, $0xb8;
	[tilespmem:$0x1DC00] =	vst v63  }
0x11f: {  	_ = 	snop  }
0x120: {  	[spmem:s1] =	stream.indirect.scatter.add.f32 [tilespmem:s0], [sflag:$0x2], $0x80, s7, s28, $0xb8;
	[tilespmem:$0x1DC00] =	vst v63  }
0x121: {  	_ =	swait.ge [sflag:s30], $0x3E80  }
0x122: {  	[sflag:s30] =	ssyncset.done $0x0  }
0x123: {  	[sflag:s30] =	ssyncadd.s32 $0xFFFFC180  }
0x124: {  	_ =	swait.ge [sflag:s2], $0x3E80  }
0x125: {  	[sflag:s2] =	ssyncset.done $0x0  }
0x126: {  	[sflag:s2] =	ssyncadd.s32 $0xFFFFC180  }
0x127: {  	[tilespmem:s0], [sflag:$0x1] =	stream.indirect.gather [hbm4b:s4+s28], $0x80, s8, s28, $0xb8;
	[tilespmem:$0x1DC00] =	vst v63  }
0x128: {  	_ = 	snop  }
0x129: {  	[spmem:s1] =	stream.indirect.scatter.add.f32 [tilespmem:s29], [sflag:$0x2], $0x80, s9, s28, $0xb8;
	[tilespmem:$0x1DC00] =	vst v63  }
0x12a: {  	_ =	swait.ge [sflag:s30], $0x3E80  }
0x12b: {  	[sflag:s30] =	ssyncset.done $0x0  }
0x12c: {  	[sflag:s30] =	ssyncadd.s32 $0xFFFFC180  }
0x12d: {  	_ =	swait.ge [sflag:s2], $0x3E80  }
0x12e: {  	[sflag:s2] =	ssyncset.done $0x0  }
0x12f: {  	[sflag:s2] =	ssyncadd.s32 $0xFFFFC180  }
0x130: {  	[tilespmem:s29], [sflag:$0x1] =	stream.indirect.gather [hbm4b:s4+s28], $0x80, s10, s28, $0xb8;
	[tilespmem:$0x1DC00] =	vst v63  }
0x131: {  	_ = 	snop  }
0x132: {  	[spmem:s1] =	stream.indirect.scatter.add.f32 [tilespmem:s0], [sflag:$0x2], $0x80, s11, s28, $0xb8;
	[tilespmem:$0x1DC00] =	vst v63  }
0x133: {  	_ =	swait.ge [sflag:s30], $0x3E80  }
0x134: {  	[sflag:s30] =	ssyncset.done $0x0  }
0x135: {  	[sflag:s30] =	ssyncadd.s32 $0xFFFFC180  }
0x136: {  	_ =	swait.ge [sflag:s2], $0x3E80  }
0x137: {  	[sflag:s2] =	ssyncset.done $0x0  }
0x138: {  	[sflag:s2] =	ssyncadd.s32 $0xFFFFC180  }
0x139: {  	[tilespmem:s0], [sflag:$0x1] =	stream.indirect.gather [hbm4b:s4+s28], $0x80, s12, s28, $0xb8;
	[tilespmem:$0x1DC00] =	vst v63  }
0x13a: {  	_ = 	snop  }
0x13b: {  	[spmem:s1] =	stream.indirect.scatter.add.f32 [tilespmem:s29], [sflag:$0x2], $0x80, s13, s28, $0xb8;
	[tilespmem:$0x1DC00] =	vst v63  }
0x13c: {  	_ =	swait.ge [sflag:s30], $0x3E80  }
0x13d: {  	[sflag:s30] =	ssyncset.done $0x0  }
0x13e: {  	[sflag:s30] =	ssyncadd.s32 $0xFFFFC180  }
0x13f: {  	_ =	swait.ge [sflag:s2], $0x3E80  }
0x140: {  	[sflag:s2] =	ssyncset.done $0x0  }
0x141: {  	[sflag:s2] =	ssyncadd.s32 $0xFFFFC180  }
0x142: {  	[tilespmem:s29], [sflag:$0x1] =	stream.indirect.gather [hbm4b:s4+s28], $0x80, s14, s28, $0xb8;
	[tilespmem:$0x1DC00] =	vst v63  }
0x143: {  	_ = 	snop  }
0x144: {  	[spmem:s1] =	stream.indirect.scatter.add.f32 [tilespmem:s0], [sflag:$0x2], $0x80, s15, s28, $0xb8;
	[tilespmem:$0x1DC00] =	vst v63  }
0x145: {  	_ =	swait.ge [sflag:s30], $0x3E80  }
0x146: {  	[sflag:s30] =	ssyncset.done $0x0  }
0x147: {  	[sflag:s30] =	ssyncadd.s32 $0xFFFFC180  }
0x148: {  	_ =	swait.ge [sflag:s2], $0x3E80  }
0x149: {  	[sflag:s2] =	ssyncset.done $0x0  }
0x14a: {  	[sflag:s2] =	ssyncadd.s32 $0xFFFFC180  }
0x14b: {  	[tilespmem:s0], [sflag:$0x1] =	stream.indirect.gather [hbm4b:s4+s28], $0x80, s16, s28, $0xb8;
	[tilespmem:$0x1DC00] =	vst v63  }
0x14c: {  	_ = 	snop  }
0x14d: {  	[spmem:s1] =	stream.indirect.scatter.add.f32 [tilespmem:s29], [sflag:$0x2], $0x80, s17, s28, $0xb8;
	[tilespmem:$0x1DC00] =	vst v63  }
0x14e: {  	_ =	swait.ge [sflag:s30], $0x3E80  }
0x14f: {  	[sflag:s30] =	ssyncset.done $0x0  }
0x150: {  	[sflag:s30] =	ssyncadd.s32 $0xFFFFC180  }
0x151: {  	_ =	swait.ge [sflag:s2], $0x3E80  }
0x152: {  	[sflag:s2] =	ssyncset.done $0x0  }
0x153: {  	[sflag:s2] =	ssyncadd.s32 $0xFFFFC180  }
0x154: {  	[spmem:s1] =	stream.indirect.scatter.add.f32 [tilespmem:s0], [sflag:$0x2], $0x80, s18, s28, $0xb8;
	[tilespmem:$0x1DC00] =	vst v63  }
0x155: {  	_ =	swait.ge [sflag:s2], $0x3E80  }
0x156: {  	[sflag:s2] =	ssyncset.done $0x0  }
0x157: {  	[sflag:s2] =	ssyncadd.s32 $0xFFFFC180  }
0x158: {  	s20 =	stileid.u32;
	[bflag:$0x0] =	sbarrier.arrive $0xFFFF  }
0x159: {  	s6 =	sshll.u32 s20, $0x6;
	s21 =	rddreg [dreg:$0x4]  }
0x15a: {  	s6 =	sor.u32 $0x1C03, s6;
	s20 =	sshrl.u32 s21, $0x3;
	s21 =	rddreg [dreg:$0x3]  }
0x15b: {  	[hbm:s21], [sflag:s6] =	dma.local [spmem:s20], $0x2800  }
0x15c: {  	_ =	swait.ge [sflag:s25], $0x2800  }
0x15d: {  	s19 =	sadd.s32 $0x1, s19;
	s22 =	rddreg [dreg:$0x5]  }
0x15e: {  	p0 =	sne.s32 s19, s22  }
.Ltmp2:
0x15f: {  	_ = 	snop;
	(pc) =	sbr.rel @p0 .LBB2_1-.Ltmp2, $3  }
0x160: {  	_ =	sdelay $0x1  }
0x161: {  	[sflag:s25] =	ssyncset.done $0x0  }
0x162: {  	[sflag:s25] =	ssyncadd.s32 $0xFFFFD800  }
0x163: {  	_ =	sfence.sel $0x180000  }
0x164: {  	[bflag:$0x0] =	sbarrier.arrive $0xFFFF  }
0x165: {  	_ =	strace $0x90000047  }
0x166: {  	s0 =	stileid.u32;
	[bflag:$0x2] =	sbarrier.arrive $0xFFFF  }
0x167: {  	p0 =	sne.s32 s0, $0x0;
	s0 =	rddreg [dreg:$0x2]  }
0x168: {  	s0 =	sadd.s32 @!p0 $0x100000, s0  }
0x169: {  	[sflag:s0] =	ssyncadd.tile.s32 @!p0 $0x1;
	_ =	shalt  }
.Lfunc_end2:
_tile_overlayer_lowered:
.L_overlay_start_2:
0x16a: {  	(tag) =	ssettag $0x2  }
0x16b: {  	s0 =	rddreg [dreg:$0x0];
	s2 =	stileid.u32  }
0x16c: {  	s1 =	rddreg [dreg:$0x1];
	p0 =	sne.s32 s2, $0x0  }
0x16d: {  	s3 =	rddreg [dreg:$0x2];
	[bflag:$0x3] =	sbarrier.arrive $0xFFFF;
	s2 =	simm.s32 @!p0 $0x1C03  }
0x16e: {  	[timem:s3], [sflag:s2] =	dma.local @!p0 [hbm:s0], s1  }
0x16f: {  	s0 =	simm.s32 @!p0 $0x3  }
0x170: {  	_ =	swait.ge @!p0 [sflag:s0], s1  }
0x171: {  	s1 =	ssub.s32 @!p0 $0x0, s1;
	[sflag:s0] =	ssyncset.done @!p0 $0x0  }
0x172: {  	[sflag:s0] =	ssyncadd.s32 @!p0 s1  }
0x173: {  	[bflag:$0x3] =	sbarrier.arrive $0xFFFF  }
0x174: {  	_ =	shalt  }

</sc_bundles>
